<compile_context>
chip_gen: v7x
topology: tpu7x:2x2x1
jax: 0.10.2.dev20260603
libtpu: 0.0.44.dev20260713+nightly
codegen_flags: <defaults>
</compile_context>

<pallas_src>
import functools

import jax
import jax.numpy as jnp
import numpy as np
from jax import lax
from jax.experimental import pallas as pl
from jax.experimental.pallas import tpu as pltpu
from jax.experimental.pallas import tpu_sc as plsc

NBINS = 256
NB2 = NBINS * NBINS
NPAIR = 384 * 384
HALF = NPAIR // 2
NTASK = 96
NC, NS, L = 2, 16, 16
NW = NC * NS
TASKS_PER_W = NTASK // NW
CHUNK = 8192
VPC = CHUNK // L
NCH = 9
UNROLL = 8
DSHIFT = 385
TAILP = 7792
TAILV = TAILP // L
TBSZ = TAILP + L
DTAIL_END = HALF + 8 * CHUNK + TAILP
NLEFT = (NPAIR - DSHIFT) - DTAIL_END
NCORR = 382 + NLEFT + 3
CORR_V = NCORR // L

QTAB = 1024
KQ = float((NBINS - 1) * QTAB)
_WTAB = (0.5 * (1.0 + np.cos(
    np.pi * (np.arange(QTAB) + 0.5) / QTAB))).astype(np.float32)
_CORR_W = np.concatenate([
    np.full((382,), -1.0, np.float32),
    np.ones((15,), np.float32),
    np.zeros((3,), np.float32)])


def _hist_body(x_hbm, ca_hbm, cb_hbm, cw_hbm, wtab_hbm, out_hbm,
               hist, abuf0, bbuf0, abuf1, bbuf1, cab, cbb, cwb, wtab,
               sa0, sb0, sa1, sb1):
    wid = lax.axis_index("s") * NC + lax.axis_index("c")
    zeros = jnp.zeros((L,), jnp.float32)
    pltpu.sync_copy(wtab_hbm, wtab)

    def accum(a, b, w=None):
        qa = (a * KQ).astype(jnp.int32)
        qb = (b * KQ).astype(jnp.int32)
        fb = qb >> 10
        wfa = plsc.load_gather(wtab, [qa & (QTAB - 1)])
        wfb = plsc.load_gather(wtab, [qb & (QTAB - 1)])
        idx = ((qa >> 10) << 8) + fb
        pff = wfa * wfb
        pfc = wfa - pff
        pcf = wfb - pff
        pcc = (1.0 - wfb) - pfc
        if w is not None:
            pff = pff * w
            pfc = pfc * w
            pcf = pcf * w
            pcc = pcc * w
        plsc.addupdate_scatter(hist, [idx], pff)
        plsc.addupdate_scatter(hist, [idx + 1], pfc)
        plsc.addupdate_scatter(hist, [idx + NBINS], pcf)
        plsc.addupdate_scatter(hist, [idx + (NBINS + 1)], pcc)

    def per_task(j):
        t = wid * TASKS_PER_W + j
        h = t >> 1
        half = t & 1
        b_img = h // 6
        k = h - b_img * 6
        diag = k < 3
        row3 = b_img * 3
        ch_a = row3 + jnp.where(diag, k, (k - 3) >> 1)
        ch_b = row3 + jnp.where(diag, k, jnp.minimum(k - 2, 2))
        s = jnp.where(diag, 1, 0)
        boff = jnp.where(diag, 384, 0)
        base = half * HALF
        is_tail_task = diag & (half == 1)

        def issue(ci, ab, bb, sa, sb):
            a_off = base + ci * CHUNK
            b_off = a_off + boff
            last = is_tail_task & (ci == NCH - 1)
            pltpu.async_copy(x_hbm.at[ch_a, pl.ds(a_off, CHUNK)], ab, sa)

            @pl.when(last)
            def _():
                pltpu.async_copy(x_hbm.at[ch_b, pl.ds(b_off, TBSZ)],
                                 bb.at[pl.ds(0, TBSZ)], sb)

            @pl.when(jnp.logical_not(last))
            def _():
                pltpu.async_copy(x_hbm.at[ch_b, pl.ds(b_off, CHUNK)],
                                 bb.at[pl.ds(0, CHUNK)], sb)

            @pl.when(diag & jnp.logical_not(last))
            def _():
                pltpu.async_copy(x_hbm.at[ch_b, pl.ds(b_off + CHUNK, L)],
                                 bb.at[pl.ds(CHUNK, L)], sb)

        def wait(ci, ab, bb, sa, sb):
            last = is_tail_task & (ci == NCH - 1)
            pltpu.make_async_copy(x_hbm.at[0, pl.ds(0, CHUNK)], ab, sa).wait()

            @pl.when(last)
            def _():
                pltpu.make_async_copy(x_hbm.at[0, pl.ds(0, TBSZ)],
                                      bb.at[pl.ds(0, TBSZ)], sb).wait()

            @pl.when(jnp.logical_not(last))
            def _():
                pltpu.make_async_copy(x_hbm.at[0, pl.ds(0, CHUNK)],
                                      bb.at[pl.ds(0, CHUNK)], sb).wait()

            @pl.when(diag & jnp.logical_not(last))
            def _():
                pltpu.make_async_copy(x_hbm.at[0, pl.ds(0, L)],
                                      bb.at[pl.ds(CHUNK, L)], sb).wait()

        def compute(ab, bb, nv, u):
            @plsc.parallel_loop(0, nv, 1, unroll=u)
            def _(i):
                o = i * L
                accum(ab[pl.ds(o, L)], bb[pl.ds(o + s, L)])

        issue(0, abuf0, bbuf0, sa0, sb0)

        @plsc.parallel_loop(0, NB2 // L, 1, unroll=8)
        def _(i):
            hist[pl.ds(i * L, L)] = zeros

        def pair_step(q, c):
            c0 = 2 * q
            issue(c0 + 1, abuf1, bbuf1, sa1, sb1)
            wait(c0, abuf0, bbuf0, sa0, sb0)
            compute(abuf0, bbuf0, VPC, UNROLL)
            issue(c0 + 2, abuf0, bbuf0, sa0, sb0)
            wait(c0 + 1, abuf1, bbuf1, sa1, sb1)
            compute(abuf1, bbuf1, VPC, UNROLL)
            return c

        lax.fori_loop(0, (NCH - 1) // 2, pair_step, 0)
        wait(NCH - 1, abuf0, bbuf0, sa0, sb0)

        @pl.when(jnp.logical_not(is_tail_task))
        def _():
            compute(abuf0, bbuf0, VPC, UNROLL)

        @pl.when(is_tail_task)
        def _():
            compute(abuf0, bbuf0, TAILV, 1)

        @pl.when(diag & (half == 0))
        def _():
            row = b_img * 3 + k
            pltpu.sync_copy(ca_hbm.at[row], cab)
            pltpu.sync_copy(cb_hbm.at[row], cbb)
            pltpu.sync_copy(cw_hbm, cwb)

            @plsc.parallel_loop(0, CORR_V, 1, unroll=5)
            def _(i):
                o = i * L
                accum(cab[pl.ds(o, L)], cbb[pl.ds(o, L)], cwb[pl.ds(o, L)])

        pltpu.sync_copy(hist, out_hbm.at[t])

    def task_step(j, c):
        per_task(j)
        return c

    lax.fori_loop(0, TASKS_PER_W, task_step, 0)


_hist_sc = functools.partial(
    pl.kernel,
    out_type=jax.ShapeDtypeStruct((NTASK, NB2), jnp.float32),
    mesh=plsc.VectorSubcoreMesh(core_axis_name="c", subcore_axis_name="s"),
    scratch_types=[
        pltpu.VMEM((NB2,), jnp.float32),
        pltpu.VMEM((CHUNK,), jnp.float32),
        pltpu.VMEM((CHUNK + L,), jnp.float32),
        pltpu.VMEM((CHUNK,), jnp.float32),
        pltpu.VMEM((CHUNK + L,), jnp.float32),
        pltpu.VMEM((NCORR,), jnp.float32),
        pltpu.VMEM((NCORR,), jnp.float32),
        pltpu.VMEM((NCORR,), jnp.float32),
        pltpu.VMEM((QTAB,), jnp.float32),
        pltpu.SemaphoreType.DMA,
        pltpu.SemaphoreType.DMA,
        pltpu.SemaphoreType.DMA,
        pltpu.SemaphoreType.DMA,
    ],
    compiler_params=pltpu.CompilerParams(
        needs_layout_passes=False, use_tc_tiling_on_sc=False),
)(_hist_body)


def _norm_body(parts_ref, o_ref):
    x = parts_ref[...].reshape(6, 2, 512, 128)
    m = x[:, 0] + x[:, 1]
    mx = jnp.max(m, axis=(1, 2))
    o = m * (1.0 / mx)[:, None, None]
    o_ref[0] = o.reshape(6, NBINS, NBINS)


def kernel(X):
    B = X.shape[0]
    x4 = X.reshape(B * 3, NPAIR)
    zpad = jnp.zeros((B, 3, 3), jnp.float32)
    corr_a = jnp.concatenate(
        [X[:, :, :382, 383], X[:, :, 382, 368:383], zpad],
        axis=-1).reshape(B * 3, NCORR)
    corr_b = jnp.concatenate(
        [X[:, :, 2:384, 0], X[:, :, 383, 369:384], zpad],
        axis=-1).reshape(B * 3, NCORR)
    corr_w = jnp.asarray(_CORR_W)
    wtab = jnp.asarray(_WTAB)

    parts = _hist_sc(x4, corr_a, corr_b, corr_w, wtab)
    parts = parts.reshape(NTASK * NB2 // 128, 128)

    out = pl.pallas_call(
        _norm_body,
        grid=(B,),
        in_specs=[pl.BlockSpec((6 * 1024, 128), lambda i: (i, 0))],
        out_specs=pl.BlockSpec((1, 6, NBINS, NBINS), lambda i: (i, 0, 0, 0)),
        out_shape=jax.ShapeDtypeStruct((B, 6, NBINS, NBINS), jnp.float32),
    )(parts)
    return out

# --- scband reference (transcript-rebuilt; emitter-appended) ---
"""Pipeline reference for scband-cband-cc-3839700762637 (READ-ONLY COPY).

The authoritative reference and input builder live on the scoring server;
editing this copy changes nothing except your own understanding.
"""

import jax, jax.numpy as jnp
import numpy as np

RGB_PAIRS = [(0, 1), (0, 2), (1, 2)]
NBINS = 256


def img2pairs_cband(X):
    # X: [3, H, W]
    out = [jnp.stack((X[i, :-1, :-1].reshape(-1), X[i, 1:, 1:].reshape(-1)), axis=1) for i in range(3)]
    out += [jnp.stack((X[i].reshape(-1), X[j].reshape(-1)), axis=1) for i, j in RGB_PAIRS]
    return out


def hist2d_raised_cos(pairs, nbins):
    # pairs: [N, 2] float values assumed in [0, 1]
    # Soft 2D histogram with raised-cosine kernel: each value spreads its mass
    # between the two nearest integer bin centers with weights
    #   w(d) = 0.5 * (1 + cos(pi * d)),  |d| <= 1
    u = pairs * (nbins - 1)
    f = jnp.floor(u)
    frac = u - f
    fi = jnp.clip(f.astype(jnp.int32), 0, nbins - 1)
    ci = jnp.clip(fi + 1, 0, nbins - 1)
    wf = 0.5 * (1.0 + jnp.cos(jnp.pi * frac))  # weight toward floor bin
    wc = 1.0 - wf                               # weight toward ceil bin
    fa, fb = fi[:, 0], fi[:, 1]
    ca, cb = ci[:, 0], ci[:, 1]
    wfa, wfb = wf[:, 0], wf[:, 1]
    wca, wcb = wc[:, 0], wc[:, 1]
    idx = jnp.concatenate([fa * nbins + fb, fa * nbins + cb, ca * nbins + fb, ca * nbins + cb])
    w = jnp.concatenate([wfa * wfb, wfa * wcb, wca * wfb, wca * wcb]).astype(jnp.float32)
    hist = jnp.zeros((nbins * nbins,), dtype=jnp.float32).at[idx].add(w)
    return hist.reshape(nbins, nbins)


def setup_inputs(seed: int = 0) -> dict:
    key = jax.random.key(seed)
    X = jax.random.uniform(key, (8, 3, 384, 384), dtype=jnp.float32)
    return {"X": X}


def reference(X):
    C = jnp.stack([
        jnp.stack([hist2d_raised_cos(pairs, NBINS) for pairs in img2pairs_cband(X_i)])
        for X_i in X
    ])  # [B, 6, 256, 256]
    v_max = jnp.max(jnp.max(C, axis=2), axis=2)  # [B, 6]
    C_out = C.astype(jnp.float32) / v_max[:, :, None, None]
    return C_out

if __name__ == "__main__":
    import jax
    _d = setup_inputs()
    print(jax.jit(kernel)(*tuple(_d.values())))

</pallas_src>

<mosaic_0001>
#map = affine_map<(d0, d1) -> (0, 0)>
#map1 = affine_map<(d0, d1) -> (0)>
module attributes {stable_mosaic.version = 14 : i64} {
  func.func @_hist_body(%arg0: i32, %arg1: i32, %arg2: memref<24x147456xf32, #tpu.memory_space<hbm>>, %arg3: memref<24x400xf32, #tpu.memory_space<hbm>>, %arg4: memref<24x400xf32, #tpu.memory_space<hbm>>, %arg5: memref<400xf32, #tpu.memory_space<hbm>>, %arg6: memref<1024xf32, #tpu.memory_space<hbm>>, %arg7: memref<96x65536xf32, #tpu.memory_space<hbm>>, %arg8: memref<65536xf32, #tpu.memory_space<vmem>>, %arg9: memref<8192xf32, #tpu.memory_space<vmem>>, %arg10: memref<8208xf32, #tpu.memory_space<vmem>>, %arg11: memref<8192xf32, #tpu.memory_space<vmem>>, %arg12: memref<8208xf32, #tpu.memory_space<vmem>>, %arg13: memref<400xf32, #tpu.memory_space<vmem>>, %arg14: memref<400xf32, #tpu.memory_space<vmem>>, %arg15: memref<400xf32, #tpu.memory_space<vmem>>, %arg16: memref<1024xf32, #tpu.memory_space<vmem>>, %arg17: memref<!tpu.dma_semaphore, #tpu.memory_space<semaphore_mem>>, %arg18: memref<!tpu.dma_semaphore, #tpu.memory_space<semaphore_mem>>, %arg19: memref<!tpu.dma_semaphore, #tpu.memory_space<semaphore_mem>>, %arg20: memref<!tpu.dma_semaphore, #tpu.memory_space<semaphore_mem>>) attributes {dimension_semantics = [#tpu.dimension_semantics<core_parallel>, #tpu.dimension_semantics<subcore_parallel>], iteration_bounds = array<i64: 2, 16>, scalar_prefetch = 0 : i64, scratch_operands = 13 : i64, tpu.core_type = #tpu.core_type<sc_vector_subcore>, window_params = [{transform_indices = #map}, {transform_indices = #map}, {transform_indices = #map}, {transform_indices = #map1}, {transform_indices = #map1}, {transform_indices = #map}]} {
    %mul3A = arith.constant 2 : i32
    %mul3A_0 = arith.muli %arg1, %mul3A : i32
    %add3A = arith.addi %mul3A_0, %arg0 : i32
    %broadcast_in_dim3A = arith.constant 0.000000e+00 : f32
    %broadcast_in_dim3A_1 = vector.broadcast %broadcast_in_dim3A : f32 to vector<16xf32>
    "tpu.region"() ({
      %run_scoped3A = tpu.sem_alloc : memref<!tpu.dma_semaphore, #tpu.memory_space<semaphore_mem>>
      tpu.enqueue_dma source(%arg6 : memref<1024xf32, #tpu.memory_space<hbm>>) target(%arg16 : memref<1024xf32, #tpu.memory_space<vmem>>) target_semaphore(%run_scoped3A : memref<!tpu.dma_semaphore, #tpu.memory_space<semaphore_mem>>)
      tpu.wait_dma2 semaphore(%run_scoped3A : memref<!tpu.dma_semaphore, #tpu.memory_space<semaphore_mem>>) src(%arg6 : memref<1024xf32, #tpu.memory_space<hbm>>) dst(%arg16 : memref<1024xf32, #tpu.memory_space<vmem>>)
      tpu.yield
    }) : () -> ()
    %scan3A = arith.constant 0 : i32
    %scan3A_2 = arith.constant 0 : i32
    %scan3A_3 = arith.constant 3 : i32
    %scan3A_4 = arith.addi %scan3A_2, %scan3A_3 : i32
    %scan3A_5 = arith.constant 1 : i32
    scf.for %scan3A_7 = %scan3A_2 to %scan3A_4 step %scan3A_5  : i32 {
      %mul3A_8 = arith.constant 3 : i32
      %mul3A_9 = arith.muli %add3A, %mul3A_8 : i32
      %add3A_10 = arith.addi %mul3A_9, %scan3A_7 : i32
      %shift_right_arithmetic3A = arith.constant 1 : i32
      %shift_right_arithmetic3A_11 = arith.shrsi %add3A_10, %shift_right_arithmetic3A : i32
      %and3A = arith.constant 1 : i32
      %and3A_12 = arith.andi %add3A_10, %and3A : i32
      %jit3A = arith.constant 6 : i32
      %div3A = arith.divsi %shift_right_arithmetic3A_11, %jit3A : i32
      %sign3A = arith.constant 0 : i32
      %sign3A_13 = arith.cmpi sgt, %shift_right_arithmetic3A_11, %sign3A : i32
      %sign3A_14 = arith.extui %sign3A_13 : i1 to i32
      %sign3A_15 = arith.constant 0 : i32
      %sign3A_16 = arith.cmpi slt, %shift_right_arithmetic3A_11, %sign3A_15 : i32
      %sign3A_17 = arith.extui %sign3A_16 : i1 to i32
      %sign3A_18 = arith.subi %sign3A_14, %sign3A_17 : i32
      %sign3A_19 = arith.constant 0 : i32
      %sign3A_20 = arith.cmpi sgt, %jit3A, %sign3A_19 : i32
      %sign3A_21 = arith.extui %sign3A_20 : i1 to i32
      %sign3A_22 = arith.constant 0 : i32
      %sign3A_23 = arith.cmpi slt, %jit3A, %sign3A_22 : i32
      %sign3A_24 = arith.extui %sign3A_23 : i1 to i32
      %sign3A_25 = arith.subi %sign3A_21, %sign3A_24 : i32
      %ne3A = arith.cmpi ne, %sign3A_18, %sign3A_25 : i32
      %rem3A = arith.remsi %shift_right_arithmetic3A_11, %jit3A : i32
      %ne3A_26 = arith.constant 0 : i32
      %ne3A_27 = arith.cmpi ne, %rem3A, %ne3A_26 : i32
      %and3A_28 = arith.andi %ne3A, %ne3A_27 : i1
      %sub3A = arith.constant 1 : i32
      %sub3A_29 = arith.subi %div3A, %sub3A : i32
      %select_n3A = arith.select %and3A_28, %sub3A_29, %div3A : i32
      %mul3A_30 = arith.constant 6 : i32
      %mul3A_31 = arith.muli %select_n3A, %mul3A_30 : i32
      %sub3A_32 = arith.subi %shift_right_arithmetic3A_11, %mul3A_31 : i32
      %lt3A = arith.constant 3 : i32
      %lt3A_33 = arith.cmpi slt, %sub3A_32, %lt3A : i32
      %mul3A_34 = arith.constant 3 : i32
      %mul3A_35 = arith.muli %select_n3A, %mul3A_34 : i32
      %sub3A_36 = arith.constant 3 : i32
      %sub3A_37 = arith.subi %sub3A_32, %sub3A_36 : i32
      %shift_right_arithmetic3A_38 = arith.constant 1 : i32
      %shift_right_arithmetic3A_39 = arith.shrsi %sub3A_37, %shift_right_arithmetic3A_38 : i32
      %select_n3A_40 = arith.select %lt3A_33, %sub3A_32, %shift_right_arithmetic3A_39 : i32
      %add3A_41 = arith.addi %mul3A_35, %select_n3A_40 : i32
      %sub3A_42 = arith.constant 2 : i32
      %sub3A_43 = arith.subi %sub3A_32, %sub3A_42 : i32
      %min3A = arith.constant 2 : i32
      %min3A_44 = arith.minsi %sub3A_43, %min3A : i32
      %select_n3A_45 = arith.select %lt3A_33, %sub3A_32, %min3A_44 : i32
      %add3A_46 = arith.addi %mul3A_35, %select_n3A_45 : i32
      %jit3A_47 = arith.constant 1 : i32
      %jit3A_48 = arith.constant 0 : i32
      %select_n3A_49 = arith.select %lt3A_33, %jit3A_47, %jit3A_48 : i32
      %jit3A_50 = arith.constant 384 : i32
      %jit3A_51 = arith.constant 0 : i32
      %select_n3A_52 = arith.select %lt3A_33, %jit3A_50, %jit3A_51 : i32
      %mul3A_53 = arith.constant 73728 : i32
      %mul3A_54 = arith.muli %and3A_12, %mul3A_53 : i32
      %eq3A = arith.constant 1 : i32
      %eq3A_55 = arith.cmpi eq, %and3A_12, %eq3A : i32
      %and3A_56 = arith.andi %lt3A_33, %eq3A_55 : i1
      %add3A_57 = arith.constant 0 : i32
      %add3A_58 = arith.addi %mul3A_54, %add3A_57 : i32
      %add3A_59 = arith.addi %add3A_58, %select_n3A_52 : i32
      %and3A_60 = arith.constant false
      %and3A_61 = arith.andi %and3A_56, %and3A_60 : i1
      %dma_start3A = tpu.memref_slice %arg2[%add3A_41, %add3A_58] : memref<24x147456xf32, #tpu.memory_space<hbm>> -> memref<1x8192xf32, #tpu.memory_space<hbm>>
      %dma_start3A_62 = tpu.memref_squeeze %dma_start3A : memref<1x8192xf32, #tpu.memory_space<hbm>> -> memref<8192xf32, #tpu.memory_space<hbm>>
      %dma_start3A_63 = tpu.memref_slice %arg2[%add3A_41, %add3A_58] : memref<24x147456xf32, #tpu.memory_space<hbm>> -> memref<1x8192xf32, #tpu.memory_space<hbm>>
      %dma_start3A_64 = tpu.memref_squeeze %dma_start3A_63 : memref<1x8192xf32, #tpu.memory_space<hbm>> -> memref<8192xf32, #tpu.memory_space<hbm>>
      tpu.enqueue_dma source(%dma_start3A_64 : memref<8192xf32, #tpu.memory_space<hbm>>) target(%arg9 : memref<8192xf32, #tpu.memory_space<vmem>>) target_semaphore(%arg17 : memref<!tpu.dma_semaphore, #tpu.memory_space<semaphore_mem>>)
      %convert_element_type3A = arith.extui %and3A_61 : i1 to i32
      %cond3A = arith.constant 0 : i32
      %cond3A_65 = arith.cmpi ne, %convert_element_type3A, %cond3A : i32
      scf.if %cond3A_65 {
        %dma_start3A_120 = arith.constant 0 : i32
        %dma_start3A_121 = tpu.memref_slice %arg10[%dma_start3A_120] : memref<8208xf32, #tpu.memory_space<vmem>> -> memref<7808xf32, #tpu.memory_space<vmem>>
        %dma_start3A_122 = tpu.memref_slice %arg2[%add3A_46, %add3A_59] : memref<24x147456xf32, #tpu.memory_space<hbm>> -> memref<1x7808xf32, #tpu.memory_space<hbm>>
        %dma_start3A_123 = tpu.memref_squeeze %dma_start3A_122 : memref<1x7808xf32, #tpu.memory_space<hbm>> -> memref<7808xf32, #tpu.memory_space<hbm>>
        %dma_start3A_124 = arith.constant 0 : i32
        %dma_start3A_125 = tpu.memref_slice %arg10[%dma_start3A_124] : memref<8208xf32, #tpu.memory_space<vmem>> -> memref<7808xf32, #tpu.memory_space<vmem>>
        %dma_start3A_126 = tpu.memref_slice %arg2[%add3A_46, %add3A_59] : memref<24x147456xf32, #tpu.memory_space<hbm>> -> memref<1x7808xf32, #tpu.memory_space<hbm>>
        %dma_start3A_127 = tpu.memref_squeeze %dma_start3A_126 : memref<1x7808xf32, #tpu.memory_space<hbm>> -> memref<7808xf32, #tpu.memory_space<hbm>>
        tpu.enqueue_dma source(%dma_start3A_127 : memref<7808xf32, #tpu.memory_space<hbm>>) target(%dma_start3A_125 : memref<7808xf32, #tpu.memory_space<vmem>>) target_semaphore(%arg18 : memref<!tpu.dma_semaphore, #tpu.memory_space<semaphore_mem>>)
      } else {
      }
      %not3A = arith.constant true
      %not3A_66 = arith.xori %and3A_61, %not3A : i1
      %convert_element_type3A_67 = arith.extui %not3A_66 : i1 to i32
      %cond3A_68 = arith.constant 0 : i32
      %cond3A_69 = arith.cmpi ne, %convert_element_type3A_67, %cond3A_68 : i32
      scf.if %cond3A_69 {
        %dma_start3A_120 = arith.constant 0 : i32
        %dma_start3A_121 = tpu.memref_slice %arg10[%dma_start3A_120] : memref<8208xf32, #tpu.memory_space<vmem>> -> memref<8192xf32, #tpu.memory_space<vmem>>
        %dma_start3A_122 = tpu.memref_slice %arg2[%add3A_46, %add3A_59] : memref<24x147456xf32, #tpu.memory_space<hbm>> -> memref<1x8192xf32, #tpu.memory_space<hbm>>
        %dma_start3A_123 = tpu.memref_squeeze %dma_start3A_122 : memref<1x8192xf32, #tpu.memory_space<hbm>> -> memref<8192xf32, #tpu.memory_space<hbm>>
        %dma_start3A_124 = arith.constant 0 : i32
        %dma_start3A_125 = tpu.memref_slice %arg10[%dma_start3A_124] : memref<8208xf32, #tpu.memory_space<vmem>> -> memref<8192xf32, #tpu.memory_space<vmem>>
        %dma_start3A_126 = tpu.memref_slice %arg2[%add3A_46, %add3A_59] : memref<24x147456xf32, #tpu.memory_space<hbm>> -> memref<1x8192xf32, #tpu.memory_space<hbm>>
        %dma_start3A_127 = tpu.memref_squeeze %dma_start3A_126 : memref<1x8192xf32, #tpu.memory_space<hbm>> -> memref<8192xf32, #tpu.memory_space<hbm>>
        tpu.enqueue_dma source(%dma_start3A_127 : memref<8192xf32, #tpu.memory_space<hbm>>) target(%dma_start3A_125 : memref<8192xf32, #tpu.memory_space<vmem>>) target_semaphore(%arg18 : memref<!tpu.dma_semaphore, #tpu.memory_space<semaphore_mem>>)
      } else {
      }
      %not3A_70 = arith.constant true
      %not3A_71 = arith.xori %and3A_61, %not3A_70 : i1
      %and3A_72 = arith.andi %lt3A_33, %not3A_71 : i1
      %convert_element_type3A_73 = arith.extui %and3A_72 : i1 to i32
      %cond3A_74 = arith.constant 0 : i32
      %cond3A_75 = arith.cmpi ne, %convert_element_type3A_73, %cond3A_74 : i32
      scf.if %cond3A_75 {
        %add3A_120 = arith.constant 8192 : i32
        %add3A_121 = arith.addi %add3A_59, %add3A_120 : i32
        %dma_start3A_122 = arith.constant 8192 : i32
        %dma_start3A_123 = tpu.memref_slice %arg10[%dma_start3A_122] : memref<8208xf32, #tpu.memory_space<vmem>> -> memref<16xf32, #tpu.memory_space<vmem>>
        %dma_start3A_124 = tpu.memref_slice %arg2[%add3A_46, %add3A_121] : memref<24x147456xf32, #tpu.memory_space<hbm>> -> memref<1x16xf32, #tpu.memory_space<hbm>>
        %dma_start3A_125 = tpu.memref_squeeze %dma_start3A_124 : memref<1x16xf32, #tpu.memory_space<hbm>> -> memref<16xf32, #tpu.memory_space<hbm>>
        %dma_start3A_126 = arith.constant 8192 : i32
        %dma_start3A_127 = tpu.memref_slice %arg10[%dma_start3A_126] : memref<8208xf32, #tpu.memory_space<vmem>> -> memref<16xf32, #tpu.memory_space<vmem>>
        %dma_start3A_128 = tpu.memref_slice %arg2[%add3A_46, %add3A_121] : memref<24x147456xf32, #tpu.memory_space<hbm>> -> memref<1x16xf32, #tpu.memory_space<hbm>>
        %dma_start3A_129 = tpu.memref_squeeze %dma_start3A_128 : memref<1x16xf32, #tpu.memory_space<hbm>> -> memref<16xf32, #tpu.memory_space<hbm>>
        tpu.enqueue_dma source(%dma_start3A_129 : memref<16xf32, #tpu.memory_space<hbm>>) target(%dma_start3A_127 : memref<16xf32, #tpu.memory_space<vmem>>) target_semaphore(%arg18 : memref<!tpu.dma_semaphore, #tpu.memory_space<semaphore_mem>>)
      } else {
      }
      %parallel_loop3A = arith.constant 0 : i32
      %parallel_loop3A_76 = arith.constant 4096 : i32
      %parallel_loop3A_77 = arith.constant 1 : i32
      scf.for %parallel_loop3A_120 = %parallel_loop3A to %parallel_loop3A_76 step %parallel_loop3A_77  : i32 {
        %parallel_loop3A_121 = arith.constant 16 : i32
        %parallel_loop3A_122 = arith.muli %parallel_loop3A_120, %parallel_loop3A_121 : i32
        %parallel_loop3A_123 = arith.index_cast %parallel_loop3A_122 : i32 to index
        %parallel_loop3A_124 = tpu.vector_load %arg8[%parallel_loop3A_123] {strides = array<i32>} : memref<65536xf32, #tpu.memory_space<vmem>>, vector<16xf32>,
        tpu.vector_store %arg8[%parallel_loop3A_123], %broadcast_in_dim3A_1 {strides = array<i32>} : memref<65536xf32, #tpu.memory_space<vmem>>, vector<16xf32>,
      } {sc.loop_unroll_factor = 8 : i64, sc.parallel_access}
      %scan3A_78 = arith.constant 0 : i32
      %scan3A_79 = arith.constant 0 : i32
      %scan3A_80 = arith.constant 4 : i32
      %scan3A_81 = arith.addi %scan3A_79, %scan3A_80 : i32
      %scan3A_82 = arith.constant 1 : i32
      scf.for %scan3A_120 = %scan3A_79 to %scan3A_81 step %scan3A_82  : i32 {
        %mul3A_121 = arith.constant 2 : i32
        %mul3A_122 = arith.muli %mul3A_121, %scan3A_120 : i32
        %add3A_123 = arith.constant 1 : i32
        %add3A_124 = arith.addi %mul3A_122, %add3A_123 : i32
        %mul3A_125 = arith.constant 8192 : i32
        %mul3A_126 = arith.muli %add3A_124, %mul3A_125 : i32
        %add3A_127 = arith.addi %mul3A_54, %mul3A_126 : i32
        %add3A_128 = arith.addi %add3A_127, %select_n3A_52 : i32
        %eq3A_129 = arith.constant 8 : i32
        %eq3A_130 = arith.cmpi eq, %add3A_124, %eq3A_129 : i32
        %and3A_131 = arith.andi %and3A_56, %eq3A_130 : i1
        %dma_start3A_132 = tpu.memref_slice %arg2[%add3A_41, %add3A_127] : memref<24x147456xf32, #tpu.memory_space<hbm>> -> memref<1x8192xf32, #tpu.memory_space<hbm>>
        %dma_start3A_133 = tpu.memref_squeeze %dma_start3A_132 : memref<1x8192xf32, #tpu.memory_space<hbm>> -> memref<8192xf32, #tpu.memory_space<hbm>>
        %dma_start3A_134 = tpu.memref_slice %arg2[%add3A_41, %add3A_127] : memref<24x147456xf32, #tpu.memory_space<hbm>> -> memref<1x8192xf32, #tpu.memory_space<hbm>>
        %dma_start3A_135 = tpu.memref_squeeze %dma_start3A_134 : memref<1x8192xf32, #tpu.memory_space<hbm>> -> memref<8192xf32, #tpu.memory_space<hbm>>
        tpu.enqueue_dma source(%dma_start3A_135 : memref<8192xf32, #tpu.memory_space<hbm>>) target(%arg11 : memref<8192xf32, #tpu.memory_space<vmem>>) target_semaphore(%arg19 : memref<!tpu.dma_semaphore, #tpu.memory_space<semaphore_mem>>)
        %convert_element_type3A_136 = arith.extui %and3A_131 : i1 to i32
        %cond3A_137 = arith.constant 0 : i32
        %cond3A_138 = arith.cmpi ne, %convert_element_type3A_136, %cond3A_137 : i32
        scf.if %cond3A_138 {
          %dma_start3A_233 = arith.constant 0 : i32
          %dma_start3A_234 = tpu.memref_slice %arg12[%dma_start3A_233] : memref<8208xf32, #tpu.memory_space<vmem>> -> memref<7808xf32, #tpu.memory_space<vmem>>
          %dma_start3A_235 = tpu.memref_slice %arg2[%add3A_46, %add3A_128] : memref<24x147456xf32, #tpu.memory_space<hbm>> -> memref<1x7808xf32, #tpu.memory_space<hbm>>
          %dma_start3A_236 = tpu.memref_squeeze %dma_start3A_235 : memref<1x7808xf32, #tpu.memory_space<hbm>> -> memref<7808xf32, #tpu.memory_space<hbm>>
          %dma_start3A_237 = arith.constant 0 : i32
          %dma_start3A_238 = tpu.memref_slice %arg12[%dma_start3A_237] : memref<8208xf32, #tpu.memory_space<vmem>> -> memref<7808xf32, #tpu.memory_space<vmem>>
          %dma_start3A_239 = tpu.memref_slice %arg2[%add3A_46, %add3A_128] : memref<24x147456xf32, #tpu.memory_space<hbm>> -> memref<1x7808xf32, #tpu.memory_space<hbm>>
          %dma_start3A_240 = tpu.memref_squeeze %dma_start3A_239 : memref<1x7808xf32, #tpu.memory_space<hbm>> -> memref<7808xf32, #tpu.memory_space<hbm>>
          tpu.enqueue_dma source(%dma_start3A_240 : memref<7808xf32, #tpu.memory_space<hbm>>) target(%dma_start3A_238 : memref<7808xf32, #tpu.memory_space<vmem>>) target_semaphore(%arg20 : memref<!tpu.dma_semaphore, #tpu.memory_space<semaphore_mem>>)
        } else {
        }
        %not3A_139 = arith.constant true
        %not3A_140 = arith.xori %and3A_131, %not3A_139 : i1
        %convert_element_type3A_141 = arith.extui %not3A_140 : i1 to i32
        %cond3A_142 = arith.constant 0 : i32
        %cond3A_143 = arith.cmpi ne, %convert_element_type3A_141, %cond3A_142 : i32
        scf.if %cond3A_143 {
          %dma_start3A_233 = arith.constant 0 : i32
          %dma_start3A_234 = tpu.memref_slice %arg12[%dma_start3A_233] : memref<8208xf32, #tpu.memory_space<vmem>> -> memref<8192xf32, #tpu.memory_space<vmem>>
          %dma_start3A_235 = tpu.memref_slice %arg2[%add3A_46, %add3A_128] : memref<24x147456xf32, #tpu.memory_space<hbm>> -> memref<1x8192xf32, #tpu.memory_space<hbm>>
          %dma_start3A_236 = tpu.memref_squeeze %dma_start3A_235 : memref<1x8192xf32, #tpu.memory_space<hbm>> -> memref<8192xf32, #tpu.memory_space<hbm>>
          %dma_start3A_237 = arith.constant 0 : i32
          %dma_start3A_238 = tpu.memref_slice %arg12[%dma_start3A_237] : memref<8208xf32, #tpu.memory_space<vmem>> -> memref<8192xf32, #tpu.memory_space<vmem>>
          %dma_start3A_239 = tpu.memref_slice %arg2[%add3A_46, %add3A_128] : memref<24x147456xf32, #tpu.memory_space<hbm>> -> memref<1x8192xf32, #tpu.memory_space<hbm>>
          %dma_start3A_240 = tpu.memref_squeeze %dma_start3A_239 : memref<1x8192xf32, #tpu.memory_space<hbm>> -> memref<8192xf32, #tpu.memory_space<hbm>>
          tpu.enqueue_dma source(%dma_start3A_240 : memref<8192xf32, #tpu.memory_space<hbm>>) target(%dma_start3A_238 : memref<8192xf32, #tpu.memory_space<vmem>>) target_semaphore(%arg20 : memref<!tpu.dma_semaphore, #tpu.memory_space<semaphore_mem>>)
        } else {
        }
        %not3A_144 = arith.constant true
        %not3A_145 = arith.xori %and3A_131, %not3A_144 : i1
        %and3A_146 = arith.andi %lt3A_33, %not3A_145 : i1
        %convert_element_type3A_147 = arith.extui %and3A_146 : i1 to i32
        %cond3A_148 = arith.constant 0 : i32
        %cond3A_149 = arith.cmpi ne, %convert_element_type3A_147, %cond3A_148 : i32
        scf.if %cond3A_149 {
          %add3A_233 = arith.constant 8192 : i32
          %add3A_234 = arith.addi %add3A_128, %add3A_233 : i32
          %dma_start3A_235 = arith.constant 8192 : i32
          %dma_start3A_236 = tpu.memref_slice %arg12[%dma_start3A_235] : memref<8208xf32, #tpu.memory_space<vmem>> -> memref<16xf32, #tpu.memory_space<vmem>>
          %dma_start3A_237 = tpu.memref_slice %arg2[%add3A_46, %add3A_234] : memref<24x147456xf32, #tpu.memory_space<hbm>> -> memref<1x16xf32, #tpu.memory_space<hbm>>
          %dma_start3A_238 = tpu.memref_squeeze %dma_start3A_237 : memref<1x16xf32, #tpu.memory_space<hbm>> -> memref<16xf32, #tpu.memory_space<hbm>>
          %dma_start3A_239 = arith.constant 8192 : i32
          %dma_start3A_240 = tpu.memref_slice %arg12[%dma_start3A_239] : memref<8208xf32, #tpu.memory_space<vmem>> -> memref<16xf32, #tpu.memory_space<vmem>>
          %dma_start3A_241 = tpu.memref_slice %arg2[%add3A_46, %add3A_234] : memref<24x147456xf32, #tpu.memory_space<hbm>> -> memref<1x16xf32, #tpu.memory_space<hbm>>
          %dma_start3A_242 = tpu.memref_squeeze %dma_start3A_241 : memref<1x16xf32, #tpu.memory_space<hbm>> -> memref<16xf32, #tpu.memory_space<hbm>>
          tpu.enqueue_dma source(%dma_start3A_242 : memref<16xf32, #tpu.memory_space<hbm>>) target(%dma_start3A_240 : memref<16xf32, #tpu.memory_space<vmem>>) target_semaphore(%arg20 : memref<!tpu.dma_semaphore, #tpu.memory_space<semaphore_mem>>)
        } else {
        }
        %eq3A_150 = arith.constant 8 : i32
        %eq3A_151 = arith.cmpi eq, %mul3A_122, %eq3A_150 : i32
        %and3A_152 = arith.andi %and3A_56, %eq3A_151 : i1
        %dma_wait3A_153 = arith.constant 0 : i32
        %dma_wait3A_154 = arith.constant 0 : i32
        %dma_wait3A_155 = tpu.memref_slice %arg2[%dma_wait3A_153, %dma_wait3A_154] : memref<24x147456xf32, #tpu.memory_space<hbm>> -> memref<1x8192xf32, #tpu.memory_space<hbm>>
        %dma_wait3A_156 = tpu.memref_squeeze %dma_wait3A_155 : memref<1x8192xf32, #tpu.memory_space<hbm>> -> memref<8192xf32, #tpu.memory_space<hbm>>
        %dma_wait3A_157 = arith.constant 0 : i32
        %dma_wait3A_158 = tpu.memref_slice %arg2[%dma_wait3A_153, %dma_wait3A_157] : memref<24x147456xf32, #tpu.memory_space<hbm>> -> memref<1x8192xf32, #tpu.memory_space<hbm>>
        %dma_wait3A_159 = tpu.memref_squeeze %dma_wait3A_158 : memref<1x8192xf32, #tpu.memory_space<hbm>> -> memref<8192xf32, #tpu.memory_space<hbm>>
        tpu.wait_dma2 semaphore(%arg17 : memref<!tpu.dma_semaphore, #tpu.memory_space<semaphore_mem>>) src(%dma_wait3A_159 : memref<8192xf32, #tpu.memory_space<hbm>>) dst(%arg9 : memref<8192xf32, #tpu.memory_space<vmem>>)
        %convert_element_type3A_160 = arith.extui %and3A_152 : i1 to i32
        %cond3A_161 = arith.constant 0 : i32
        %cond3A_162 = arith.cmpi ne, %convert_element_type3A_160, %cond3A_161 : i32
        scf.if %cond3A_162 {
          %dma_wait3A_233 = arith.constant 0 : i32
          %dma_wait3A_234 = arith.constant 0 : i32
          %dma_wait3A_235 = tpu.memref_slice %arg10[%dma_wait3A_234] : memref<8208xf32, #tpu.memory_space<vmem>> -> memref<7808xf32, #tpu.memory_space<vmem>>
          %dma_wait3A_236 = arith.constant 0 : i32
          %dma_wait3A_237 = tpu.memref_slice %arg2[%dma_wait3A_233, %dma_wait3A_236] : memref<24x147456xf32, #tpu.memory_space<hbm>> -> memref<1x7808xf32, #tpu.memory_space<hbm>>
          %dma_wait3A_238 = tpu.memref_squeeze %dma_wait3A_237 : memref<1x7808xf32, #tpu.memory_space<hbm>> -> memref<7808xf32, #tpu.memory_space<hbm>>
          %dma_wait3A_239 = arith.constant 0 : i32
          %dma_wait3A_240 = tpu.memref_slice %arg10[%dma_wait3A_239] : memref<8208xf32, #tpu.memory_space<vmem>> -> memref<7808xf32, #tpu.memory_space<vmem>>
          %dma_wait3A_241 = arith.constant 0 : i32
          %dma_wait3A_242 = tpu.memref_slice %arg2[%dma_wait3A_233, %dma_wait3A_241] : memref<24x147456xf32, #tpu.memory_space<hbm>> -> memref<1x7808xf32, #tpu.memory_space<hbm>>
          %dma_wait3A_243 = tpu.memref_squeeze %dma_wait3A_242 : memref<1x7808xf32, #tpu.memory_space<hbm>> -> memref<7808xf32, #tpu.memory_space<hbm>>
          tpu.wait_dma2 semaphore(%arg18 : memref<!tpu.dma_semaphore, #tpu.memory_space<semaphore_mem>>) src(%dma_wait3A_243 : memref<7808xf32, #tpu.memory_space<hbm>>) dst(%dma_wait3A_240 : memref<7808xf32, #tpu.memory_space<vmem>>)
        } else {
        }
        %not3A_163 = arith.constant true
        %not3A_164 = arith.xori %and3A_152, %not3A_163 : i1
        %convert_element_type3A_165 = arith.extui %not3A_164 : i1 to i32
        %cond3A_166 = arith.constant 0 : i32
        %cond3A_167 = arith.cmpi ne, %convert_element_type3A_165, %cond3A_166 : i32
        scf.if %cond3A_167 {
          %dma_wait3A_233 = arith.constant 0 : i32
          %dma_wait3A_234 = arith.constant 0 : i32
          %dma_wait3A_235 = tpu.memref_slice %arg10[%dma_wait3A_234] : memref<8208xf32, #tpu.memory_space<vmem>> -> memref<8192xf32, #tpu.memory_space<vmem>>
          %dma_wait3A_236 = arith.constant 0 : i32
          %dma_wait3A_237 = tpu.memref_slice %arg2[%dma_wait3A_233, %dma_wait3A_236] : memref<24x147456xf32, #tpu.memory_space<hbm>> -> memref<1x8192xf32, #tpu.memory_space<hbm>>
          %dma_wait3A_238 = tpu.memref_squeeze %dma_wait3A_237 : memref<1x8192xf32, #tpu.memory_space<hbm>> -> memref<8192xf32, #tpu.memory_space<hbm>>
          %dma_wait3A_239 = arith.constant 0 : i32
          %dma_wait3A_240 = tpu.memref_slice %arg10[%dma_wait3A_239] : memref<8208xf32, #tpu.memory_space<vmem>> -> memref<8192xf32, #tpu.memory_space<vmem>>
          %dma_wait3A_241 = arith.constant 0 : i32
          %dma_wait3A_242 = tpu.memref_slice %arg2[%dma_wait3A_233, %dma_wait3A_241] : memref<24x147456xf32, #tpu.memory_space<hbm>> -> memref<1x8192xf32, #tpu.memory_space<hbm>>
          %dma_wait3A_243 = tpu.memref_squeeze %dma_wait3A_242 : memref<1x8192xf32, #tpu.memory_space<hbm>> -> memref<8192xf32, #tpu.memory_space<hbm>>
          tpu.wait_dma2 semaphore(%arg18 : memref<!tpu.dma_semaphore, #tpu.memory_space<semaphore_mem>>) src(%dma_wait3A_243 : memref<8192xf32, #tpu.memory_space<hbm>>) dst(%dma_wait3A_240 : memref<8192xf32, #tpu.memory_space<vmem>>)
        } else {
        }
        %not3A_168 = arith.constant true
        %not3A_169 = arith.xori %and3A_152, %not3A_168 : i1
        %and3A_170 = arith.andi %lt3A_33, %not3A_169 : i1
        %convert_element_type3A_171 = arith.extui %and3A_170 : i1 to i32
        %cond3A_172 = arith.constant 0 : i32
        %cond3A_173 = arith.cmpi ne, %convert_element_type3A_171, %cond3A_172 : i32
        scf.if %cond3A_173 {
          %dma_wait3A_233 = arith.constant 0 : i32
          %dma_wait3A_234 = arith.constant 8192 : i32
          %dma_wait3A_235 = tpu.memref_slice %arg10[%dma_wait3A_234] : memref<8208xf32, #tpu.memory_space<vmem>> -> memref<16xf32, #tpu.memory_space<vmem>>
          %dma_wait3A_236 = arith.constant 0 : i32
          %dma_wait3A_237 = tpu.memref_slice %arg2[%dma_wait3A_233, %dma_wait3A_236] : memref<24x147456xf32, #tpu.memory_space<hbm>> -> memref<1x16xf32, #tpu.memory_space<hbm>>
          %dma_wait3A_238 = tpu.memref_squeeze %dma_wait3A_237 : memref<1x16xf32, #tpu.memory_space<hbm>> -> memref<16xf32, #tpu.memory_space<hbm>>
          %dma_wait3A_239 = arith.constant 8192 : i32
          %dma_wait3A_240 = tpu.memref_slice %arg10[%dma_wait3A_239] : memref<8208xf32, #tpu.memory_space<vmem>> -> memref<16xf32, #tpu.memory_space<vmem>>
          %dma_wait3A_241 = arith.constant 0 : i32
          %dma_wait3A_242 = tpu.memref_slice %arg2[%dma_wait3A_233, %dma_wait3A_241] : memref<24x147456xf32, #tpu.memory_space<hbm>> -> memref<1x16xf32, #tpu.memory_space<hbm>>
          %dma_wait3A_243 = tpu.memref_squeeze %dma_wait3A_242 : memref<1x16xf32, #tpu.memory_space<hbm>> -> memref<16xf32, #tpu.memory_space<hbm>>
          tpu.wait_dma2 semaphore(%arg18 : memref<!tpu.dma_semaphore, #tpu.memory_space<semaphore_mem>>) src(%dma_wait3A_243 : memref<16xf32, #tpu.memory_space<hbm>>) dst(%dma_wait3A_240 : memref<16xf32, #tpu.memory_space<vmem>>)
        } else {
        }
        %parallel_loop3A_174 = arith.constant 0 : i32
        %parallel_loop3A_175 = arith.constant 512 : i32
        %parallel_loop3A_176 = arith.constant 1 : i32
        scf.for %parallel_loop3A_233 = %parallel_loop3A_174 to %parallel_loop3A_175 step %parallel_loop3A_176  : i32 {
          %parallel_loop3A_234 = arith.constant 16 : i32
          %parallel_loop3A_235 = arith.muli %parallel_loop3A_233, %parallel_loop3A_234 : i32
          %parallel_loop3A_236 = arith.index_cast %parallel_loop3A_235 : i32 to index
          %parallel_loop3A_237 = tpu.vector_load %arg9[%parallel_loop3A_236] {strides = array<i32>} : memref<8192xf32, #tpu.memory_space<vmem>>, vector<16xf32>,
          %parallel_loop3A_238 = arith.addi %parallel_loop3A_235, %select_n3A_49 : i32
          %parallel_loop3A_239 = arith.index_cast %parallel_loop3A_238 : i32 to index
          %parallel_loop3A_240 = tpu.vector_load %arg10[%parallel_loop3A_239] {strides = array<i32>} : memref<8208xf32, #tpu.memory_space<vmem>>, vector<16xf32>,
          %parallel_loop3A_241 = arith.constant 2.611200e+05 : f32
          %parallel_loop3A_242 = vector.broadcast %parallel_loop3A_241 : f32 to vector<16xf32>
          %parallel_loop3A_243 = arith.mulf %parallel_loop3A_237, %parallel_loop3A_242 : vector<16xf32>
          %parallel_loop3A_244 = arith.fptosi %parallel_loop3A_243 : vector<16xf32> to vector<16xi32>
          %parallel_loop3A_245 = arith.constant 2.611200e+05 : f32
          %parallel_loop3A_246 = vector.broadcast %parallel_loop3A_245 : f32 to vector<16xf32>
          %parallel_loop3A_247 = arith.mulf %parallel_loop3A_240, %parallel_loop3A_246 : vector<16xf32>
          %parallel_loop3A_248 = arith.fptosi %parallel_loop3A_247 : vector<16xf32> to vector<16xi32>
          %parallel_loop3A_249 = arith.constant 10 : i32
          %parallel_loop3A_250 = vector.broadcast %parallel_loop3A_249 : i32 to vector<16xi32>
          %parallel_loop3A_251 = arith.shrsi %parallel_loop3A_248, %parallel_loop3A_250 : vector<16xi32>
          %parallel_loop3A_252 = arith.constant 1023 : i32
          %parallel_loop3A_253 = vector.broadcast %parallel_loop3A_252 : i32 to vector<16xi32>
          %parallel_loop3A_254 = arith.andi %parallel_loop3A_244, %parallel_loop3A_253 : vector<16xi32>
          %parallel_loop3A_255 = tpu.vector_load_idx %arg16[%parallel_loop3A_254] : memref<1024xf32, #tpu.memory_space<vmem>>[vector<16xi32>], vector<16xf32>,
          %parallel_loop3A_256 = arith.constant 1023 : i32
          %parallel_loop3A_257 = vector.broadcast %parallel_loop3A_256 : i32 to vector<16xi32>
          %parallel_loop3A_258 = arith.andi %parallel_loop3A_248, %parallel_loop3A_257 : vector<16xi32>
          %parallel_loop3A_259 = tpu.vector_load_idx %arg16[%parallel_loop3A_258] : memref<1024xf32, #tpu.memory_space<vmem>>[vector<16xi32>], vector<16xf32>,
          %parallel_loop3A_260 = arith.constant 10 : i32
          %parallel_loop3A_261 = vector.broadcast %parallel_loop3A_260 : i32 to vector<16xi32>
          %parallel_loop3A_262 = arith.shrsi %parallel_loop3A_244, %parallel_loop3A_261 : vector<16xi32>
          %parallel_loop3A_263 = arith.constant 8 : i32
          %parallel_loop3A_264 = vector.broadcast %parallel_loop3A_263 : i32 to vector<16xi32>
          %parallel_loop3A_265 = arith.shli %parallel_loop3A_262, %parallel_loop3A_264 : vector<16xi32>
          %parallel_loop3A_266 = arith.addi %parallel_loop3A_265, %parallel_loop3A_251 : vector<16xi32>
          %parallel_loop3A_267 = arith.mulf %parallel_loop3A_255, %parallel_loop3A_259 : vector<16xf32>
          %parallel_loop3A_268 = arith.subf %parallel_loop3A_255, %parallel_loop3A_267 : vector<16xf32>
          %parallel_loop3A_269 = arith.subf %parallel_loop3A_259, %parallel_loop3A_267 : vector<16xf32>
          %parallel_loop3A_270 = arith.constant 1.000000e+00 : f32
          %parallel_loop3A_271 = vector.broadcast %parallel_loop3A_270 : f32 to vector<16xf32>
          %parallel_loop3A_272 = arith.subf %parallel_loop3A_271, %parallel_loop3A_259 : vector<16xf32>
          %parallel_loop3A_273 = arith.subf %parallel_loop3A_272, %parallel_loop3A_268 : vector<16xf32>
          tpu.vector_store_idx %arg8[%parallel_loop3A_266], %parallel_loop3A_267 {add = true} : memref<65536xf32, #tpu.memory_space<vmem>>[vector<16xi32>], vector<16xf32>,
          %parallel_loop3A_274 = arith.constant 1 : i32
          %parallel_loop3A_275 = vector.broadcast %parallel_loop3A_274 : i32 to vector<16xi32>
          %parallel_loop3A_276 = arith.addi %parallel_loop3A_266, %parallel_loop3A_275 : vector<16xi32>
          tpu.vector_store_idx %arg8[%parallel_loop3A_276], %parallel_loop3A_268 {add = true} : memref<65536xf32, #tpu.memory_space<vmem>>[vector<16xi32>], vector<16xf32>,
          %parallel_loop3A_277 = arith.constant 256 : i32
          %parallel_loop3A_278 = vector.broadcast %parallel_loop3A_277 : i32 to vector<16xi32>
          %parallel_loop3A_279 = arith.addi %parallel_loop3A_266, %parallel_loop3A_278 : vector<16xi32>
          tpu.vector_store_idx %arg8[%parallel_loop3A_279], %parallel_loop3A_269 {add = true} : memref<65536xf32, #tpu.memory_space<vmem>>[vector<16xi32>], vector<16xf32>,
          %parallel_loop3A_280 = arith.constant 257 : i32
          %parallel_loop3A_281 = vector.broadcast %parallel_loop3A_280 : i32 to vector<16xi32>
          %parallel_loop3A_282 = arith.addi %parallel_loop3A_266, %parallel_loop3A_281 : vector<16xi32>
          tpu.vector_store_idx %arg8[%parallel_loop3A_282], %parallel_loop3A_273 {add = true} : memref<65536xf32, #tpu.memory_space<vmem>>[vector<16xi32>], vector<16xf32>,
        } {sc.loop_unroll_factor = 8 : i64, sc.parallel_access}
        %add3A_177 = arith.constant 2 : i32
        %add3A_178 = arith.addi %mul3A_122, %add3A_177 : i32
        %mul3A_179 = arith.constant 8192 : i32
        %mul3A_180 = arith.muli %add3A_178, %mul3A_179 : i32
        %add3A_181 = arith.addi %mul3A_54, %mul3A_180 : i32
        %add3A_182 = arith.addi %add3A_181, %select_n3A_52 : i32
        %eq3A_183 = arith.constant 8 : i32
        %eq3A_184 = arith.cmpi eq, %add3A_178, %eq3A_183 : i32
        %and3A_185 = arith.andi %and3A_56, %eq3A_184 : i1
        %dma_start3A_186 = tpu.memref_slice %arg2[%add3A_41, %add3A_181] : memref<24x147456xf32, #tpu.memory_space<hbm>> -> memref<1x8192xf32, #tpu.memory_space<hbm>>
        %dma_start3A_187 = tpu.memref_squeeze %dma_start3A_186 : memref<1x8192xf32, #tpu.memory_space<hbm>> -> memref<8192xf32, #tpu.memory_space<hbm>>
        %dma_start3A_188 = tpu.memref_slice %arg2[%add3A_41, %add3A_181] : memref<24x147456xf32, #tpu.memory_space<hbm>> -> memref<1x8192xf32, #tpu.memory_space<hbm>>
        %dma_start3A_189 = tpu.memref_squeeze %dma_start3A_188 : memref<1x8192xf32, #tpu.memory_space<hbm>> -> memref<8192xf32, #tpu.memory_space<hbm>>
        tpu.enqueue_dma source(%dma_start3A_189 : memref<8192xf32, #tpu.memory_space<hbm>>) target(%arg9 : memref<8192xf32, #tpu.memory_space<vmem>>) target_semaphore(%arg17 : memref<!tpu.dma_semaphore, #tpu.memory_space<semaphore_mem>>)
        %convert_element_type3A_190 = arith.extui %and3A_185 : i1 to i32
        %cond3A_191 = arith.constant 0 : i32
        %cond3A_192 = arith.cmpi ne, %convert_element_type3A_190, %cond3A_191 : i32
        scf.if %cond3A_192 {
          %dma_start3A_233 = arith.constant 0 : i32
          %dma_start3A_234 = tpu.memref_slice %arg10[%dma_start3A_233] : memref<8208xf32, #tpu.memory_space<vmem>> -> memref<7808xf32, #tpu.memory_space<vmem>>
          %dma_start3A_235 = tpu.memref_slice %arg2[%add3A_46, %add3A_182] : memref<24x147456xf32, #tpu.memory_space<hbm>> -> memref<1x7808xf32, #tpu.memory_space<hbm>>
          %dma_start3A_236 = tpu.memref_squeeze %dma_start3A_235 : memref<1x7808xf32, #tpu.memory_space<hbm>> -> memref<7808xf32, #tpu.memory_space<hbm>>
          %dma_start3A_237 = arith.constant 0 : i32
          %dma_start3A_238 = tpu.memref_slice %arg10[%dma_start3A_237] : memref<8208xf32, #tpu.memory_space<vmem>> -> memref<7808xf32, #tpu.memory_space<vmem>>
          %dma_start3A_239 = tpu.memref_slice %arg2[%add3A_46, %add3A_182] : memref<24x147456xf32, #tpu.memory_space<hbm>> -> memref<1x7808xf32, #tpu.memory_space<hbm>>
          %dma_start3A_240 = tpu.memref_squeeze %dma_start3A_239 : memref<1x7808xf32, #tpu.memory_space<hbm>> -> memref<7808xf32, #tpu.memory_space<hbm>>
          tpu.enqueue_dma source(%dma_start3A_240 : memref<7808xf32, #tpu.memory_space<hbm>>) target(%dma_start3A_238 : memref<7808xf32, #tpu.memory_space<vmem>>) target_semaphore(%arg18 : memref<!tpu.dma_semaphore, #tpu.memory_space<semaphore_mem>>)
        } else {
        }
        %not3A_193 = arith.constant true
        %not3A_194 = arith.xori %and3A_185, %not3A_193 : i1
        %convert_element_type3A_195 = arith.extui %not3A_194 : i1 to i32
        %cond3A_196 = arith.constant 0 : i32
        %cond3A_197 = arith.cmpi ne, %convert_element_type3A_195, %cond3A_196 : i32
        scf.if %cond3A_197 {
          %dma_start3A_233 = arith.constant 0 : i32
          %dma_start3A_234 = tpu.memref_slice %arg10[%dma_start3A_233] : memref<8208xf32, #tpu.memory_space<vmem>> -> memref<8192xf32, #tpu.memory_space<vmem>>
          %dma_start3A_235 = tpu.memref_slice %arg2[%add3A_46, %add3A_182] : memref<24x147456xf32, #tpu.memory_space<hbm>> -> memref<1x8192xf32, #tpu.memory_space<hbm>>
          %dma_start3A_236 = tpu.memref_squeeze %dma_start3A_235 : memref<1x8192xf32, #tpu.memory_space<hbm>> -> memref<8192xf32, #tpu.memory_space<hbm>>
          %dma_start3A_237 = arith.constant 0 : i32
          %dma_start3A_238 = tpu.memref_slice %arg10[%dma_start3A_237] : memref<8208xf32, #tpu.memory_space<vmem>> -> memref<8192xf32, #tpu.memory_space<vmem>>
          %dma_start3A_239 = tpu.memref_slice %arg2[%add3A_46, %add3A_182] : memref<24x147456xf32, #tpu.memory_space<hbm>> -> memref<1x8192xf32, #tpu.memory_space<hbm>>
          %dma_start3A_240 = tpu.memref_squeeze %dma_start3A_239 : memref<1x8192xf32, #tpu.memory_space<hbm>> -> memref<8192xf32, #tpu.memory_space<hbm>>
          tpu.enqueue_dma source(%dma_start3A_240 : memref<8192xf32, #tpu.memory_space<hbm>>) target(%dma_start3A_238 : memref<8192xf32, #tpu.memory_space<vmem>>) target_semaphore(%arg18 : memref<!tpu.dma_semaphore, #tpu.memory_space<semaphore_mem>>)
        } else {
        }
        %not3A_198 = arith.constant true
        %not3A_199 = arith.xori %and3A_185, %not3A_198 : i1
        %and3A_200 = arith.andi %lt3A_33, %not3A_199 : i1
        %convert_element_type3A_201 = arith.extui %and3A_200 : i1 to i32
        %cond3A_202 = arith.constant 0 : i32
        %cond3A_203 = arith.cmpi ne, %convert_element_type3A_201, %cond3A_202 : i32
        scf.if %cond3A_203 {
          %add3A_233 = arith.constant 8192 : i32
          %add3A_234 = arith.addi %add3A_182, %add3A_233 : i32
          %dma_start3A_235 = arith.constant 8192 : i32
          %dma_start3A_236 = tpu.memref_slice %arg10[%dma_start3A_235] : memref<8208xf32, #tpu.memory_space<vmem>> -> memref<16xf32, #tpu.memory_space<vmem>>
          %dma_start3A_237 = tpu.memref_slice %arg2[%add3A_46, %add3A_234] : memref<24x147456xf32, #tpu.memory_space<hbm>> -> memref<1x16xf32, #tpu.memory_space<hbm>>
          %dma_start3A_238 = tpu.memref_squeeze %dma_start3A_237 : memref<1x16xf32, #tpu.memory_space<hbm>> -> memref<16xf32, #tpu.memory_space<hbm>>
          %dma_start3A_239 = arith.constant 8192 : i32
          %dma_start3A_240 = tpu.memref_slice %arg10[%dma_start3A_239] : memref<8208xf32, #tpu.memory_space<vmem>> -> memref<16xf32, #tpu.memory_space<vmem>>
          %dma_start3A_241 = tpu.memref_slice %arg2[%add3A_46, %add3A_234] : memref<24x147456xf32, #tpu.memory_space<hbm>> -> memref<1x16xf32, #tpu.memory_space<hbm>>
          %dma_start3A_242 = tpu.memref_squeeze %dma_start3A_241 : memref<1x16xf32, #tpu.memory_space<hbm>> -> memref<16xf32, #tpu.memory_space<hbm>>
          tpu.enqueue_dma source(%dma_start3A_242 : memref<16xf32, #tpu.memory_space<hbm>>) target(%dma_start3A_240 : memref<16xf32, #tpu.memory_space<vmem>>) target_semaphore(%arg18 : memref<!tpu.dma_semaphore, #tpu.memory_space<semaphore_mem>>)
        } else {
        }
        %add3A_204 = arith.constant 1 : i32
        %add3A_205 = arith.addi %mul3A_122, %add3A_204 : i32
        %eq3A_206 = arith.constant 8 : i32
        %eq3A_207 = arith.cmpi eq, %add3A_205, %eq3A_206 : i32
        %and3A_208 = arith.andi %and3A_56, %eq3A_207 : i1
        %dma_wait3A_209 = arith.constant 0 : i32
        %dma_wait3A_210 = arith.constant 0 : i32
        %dma_wait3A_211 = tpu.memref_slice %arg2[%dma_wait3A_209, %dma_wait3A_210] : memref<24x147456xf32, #tpu.memory_space<hbm>> -> memref<1x8192xf32, #tpu.memory_space<hbm>>
        %dma_wait3A_212 = tpu.memref_squeeze %dma_wait3A_211 : memref<1x8192xf32, #tpu.memory_space<hbm>> -> memref<8192xf32, #tpu.memory_space<hbm>>
        %dma_wait3A_213 = arith.constant 0 : i32
        %dma_wait3A_214 = tpu.memref_slice %arg2[%dma_wait3A_209, %dma_wait3A_213] : memref<24x147456xf32, #tpu.memory_space<hbm>> -> memref<1x8192xf32, #tpu.memory_space<hbm>>
        %dma_wait3A_215 = tpu.memref_squeeze %dma_wait3A_214 : memref<1x8192xf32, #tpu.memory_space<hbm>> -> memref<8192xf32, #tpu.memory_space<hbm>>
        tpu.wait_dma2 semaphore(%arg19 : memref<!tpu.dma_semaphore, #tpu.memory_space<semaphore_mem>>) src(%dma_wait3A_215 : memref<8192xf32, #tpu.memory_space<hbm>>) dst(%arg11 : memref<8192xf32, #tpu.memory_space<vmem>>)
        %convert_element_type3A_216 = arith.extui %and3A_208 : i1 to i32
        %cond3A_217 = arith.constant 0 : i32
        %cond3A_218 = arith.cmpi ne, %convert_element_type3A_216, %cond3A_217 : i32
        scf.if %cond3A_218 {
          %dma_wait3A_233 = arith.constant 0 : i32
          %dma_wait3A_234 = arith.constant 0 : i32
          %dma_wait3A_235 = tpu.memref_slice %arg12[%dma_wait3A_234] : memref<8208xf32, #tpu.memory_space<vmem>> -> memref<7808xf32, #tpu.memory_space<vmem>>
          %dma_wait3A_236 = arith.constant 0 : i32
          %dma_wait3A_237 = tpu.memref_slice %arg2[%dma_wait3A_233, %dma_wait3A_236] : memref<24x147456xf32, #tpu.memory_space<hbm>> -> memref<1x7808xf32, #tpu.memory_space<hbm>>
          %dma_wait3A_238 = tpu.memref_squeeze %dma_wait3A_237 : memref<1x7808xf32, #tpu.memory_space<hbm>> -> memref<7808xf32, #tpu.memory_space<hbm>>
          %dma_wait3A_239 = arith.constant 0 : i32
          %dma_wait3A_240 = tpu.memref_slice %arg12[%dma_wait3A_239] : memref<8208xf32, #tpu.memory_space<vmem>> -> memref<7808xf32, #tpu.memory_space<vmem>>
          %dma_wait3A_241 = arith.constant 0 : i32
          %dma_wait3A_242 = tpu.memref_slice %arg2[%dma_wait3A_233, %dma_wait3A_241] : memref<24x147456xf32, #tpu.memory_space<hbm>> -> memref<1x7808xf32, #tpu.memory_space<hbm>>
          %dma_wait3A_243 = tpu.memref_squeeze %dma_wait3A_242 : memref<1x7808xf32, #tpu.memory_space<hbm>> -> memref<7808xf32, #tpu.memory_space<hbm>>
          tpu.wait_dma2 semaphore(%arg20 : memref<!tpu.dma_semaphore, #tpu.memory_space<semaphore_mem>>) src(%dma_wait3A_243 : memref<7808xf32, #tpu.memory_space<hbm>>) dst(%dma_wait3A_240 : memref<7808xf32, #tpu.memory_space<vmem>>)
        } else {
        }
        %not3A_219 = arith.constant true
        %not3A_220 = arith.xori %and3A_208, %not3A_219 : i1
        %convert_element_type3A_221 = arith.extui %not3A_220 : i1 to i32
        %cond3A_222 = arith.constant 0 : i32
        %cond3A_223 = arith.cmpi ne, %convert_element_type3A_221, %cond3A_222 : i32
        scf.if %cond3A_223 {
          %dma_wait3A_233 = arith.constant 0 : i32
          %dma_wait3A_234 = arith.constant 0 : i32
          %dma_wait3A_235 = tpu.memref_slice %arg12[%dma_wait3A_234] : memref<8208xf32, #tpu.memory_space<vmem>> -> memref<8192xf32, #tpu.memory_space<vmem>>
          %dma_wait3A_236 = arith.constant 0 : i32
          %dma_wait3A_237 = tpu.memref_slice %arg2[%dma_wait3A_233, %dma_wait3A_236] : memref<24x147456xf32, #tpu.memory_space<hbm>> -> memref<1x8192xf32, #tpu.memory_space<hbm>>
          %dma_wait3A_238 = tpu.memref_squeeze %dma_wait3A_237 : memref<1x8192xf32, #tpu.memory_space<hbm>> -> memref<8192xf32, #tpu.memory_space<hbm>>
          %dma_wait3A_239 = arith.constant 0 : i32
          %dma_wait3A_240 = tpu.memref_slice %arg12[%dma_wait3A_239] : memref<8208xf32, #tpu.memory_space<vmem>> -> memref<8192xf32, #tpu.memory_space<vmem>>
          %dma_wait3A_241 = arith.constant 0 : i32
          %dma_wait3A_242 = tpu.memref_slice %arg2[%dma_wait3A_233, %dma_wait3A_241] : memref<24x147456xf32, #tpu.memory_space<hbm>> -> memref<1x8192xf32, #tpu.memory_space<hbm>>
          %dma_wait3A_243 = tpu.memref_squeeze %dma_wait3A_242 : memref<1x8192xf32, #tpu.memory_space<hbm>> -> memref<8192xf32, #tpu.memory_space<hbm>>
          tpu.wait_dma2 semaphore(%arg20 : memref<!tpu.dma_semaphore, #tpu.memory_space<semaphore_mem>>) src(%dma_wait3A_243 : memref<8192xf32, #tpu.memory_space<hbm>>) dst(%dma_wait3A_240 : memref<8192xf32, #tpu.memory_space<vmem>>)
        } else {
        }
        %not3A_224 = arith.constant true
        %not3A_225 = arith.xori %and3A_208, %not3A_224 : i1
        %and3A_226 = arith.andi %lt3A_33, %not3A_225 : i1
        %convert_element_type3A_227 = arith.extui %and3A_226 : i1 to i32
        %cond3A_228 = arith.constant 0 : i32
        %cond3A_229 = arith.cmpi ne, %convert_element_type3A_227, %cond3A_228 : i32
        scf.if %cond3A_229 {
          %dma_wait3A_233 = arith.constant 0 : i32
          %dma_wait3A_234 = arith.constant 8192 : i32
          %dma_wait3A_235 = tpu.memref_slice %arg12[%dma_wait3A_234] : memref<8208xf32, #tpu.memory_space<vmem>> -> memref<16xf32, #tpu.memory_space<vmem>>
          %dma_wait3A_236 = arith.constant 0 : i32
          %dma_wait3A_237 = tpu.memref_slice %arg2[%dma_wait3A_233, %dma_wait3A_236] : memref<24x147456xf32, #tpu.memory_space<hbm>> -> memref<1x16xf32, #tpu.memory_space<hbm>>
          %dma_wait3A_238 = tpu.memref_squeeze %dma_wait3A_237 : memref<1x16xf32, #tpu.memory_space<hbm>> -> memref<16xf32, #tpu.memory_space<hbm>>
          %dma_wait3A_239 = arith.constant 8192 : i32
          %dma_wait3A_240 = tpu.memref_slice %arg12[%dma_wait3A_239] : memref<8208xf32, #tpu.memory_space<vmem>> -> memref<16xf32, #tpu.memory_space<vmem>>
          %dma_wait3A_241 = arith.constant 0 : i32
          %dma_wait3A_242 = tpu.memref_slice %arg2[%dma_wait3A_233, %dma_wait3A_241] : memref<24x147456xf32, #tpu.memory_space<hbm>> -> memref<1x16xf32, #tpu.memory_space<hbm>>
          %dma_wait3A_243 = tpu.memref_squeeze %dma_wait3A_242 : memref<1x16xf32, #tpu.memory_space<hbm>> -> memref<16xf32, #tpu.memory_space<hbm>>
          tpu.wait_dma2 semaphore(%arg20 : memref<!tpu.dma_semaphore, #tpu.memory_space<semaphore_mem>>) src(%dma_wait3A_243 : memref<16xf32, #tpu.memory_space<hbm>>) dst(%dma_wait3A_240 : memref<16xf32, #tpu.memory_space<vmem>>)
        } else {
        }
        %parallel_loop3A_230 = arith.constant 0 : i32
        %parallel_loop3A_231 = arith.constant 512 : i32
        %parallel_loop3A_232 = arith.constant 1 : i32
        scf.for %parallel_loop3A_233 = %parallel_loop3A_230 to %parallel_loop3A_231 step %parallel_loop3A_232  : i32 {
          %parallel_loop3A_234 = arith.constant 16 : i32
          %parallel_loop3A_235 = arith.muli %parallel_loop3A_233, %parallel_loop3A_234 : i32
          %parallel_loop3A_236 = arith.index_cast %parallel_loop3A_235 : i32 to index
          %parallel_loop3A_237 = tpu.vector_load %arg11[%parallel_loop3A_236] {strides = array<i32>} : memref<8192xf32, #tpu.memory_space<vmem>>, vector<16xf32>,
          %parallel_loop3A_238 = arith.addi %parallel_loop3A_235, %select_n3A_49 : i32
          %parallel_loop3A_239 = arith.index_cast %parallel_loop3A_238 : i32 to index
          %parallel_loop3A_240 = tpu.vector_load %arg12[%parallel_loop3A_239] {strides = array<i32>} : memref<8208xf32, #tpu.memory_space<vmem>>, vector<16xf32>,
          %parallel_loop3A_241 = arith.constant 2.611200e+05 : f32
          %parallel_loop3A_242 = vector.broadcast %parallel_loop3A_241 : f32 to vector<16xf32>
          %parallel_loop3A_243 = arith.mulf %parallel_loop3A_237, %parallel_loop3A_242 : vector<16xf32>
          %parallel_loop3A_244 = arith.fptosi %parallel_loop3A_243 : vector<16xf32> to vector<16xi32>
          %parallel_loop3A_245 = arith.constant 2.611200e+05 : f32
          %parallel_loop3A_246 = vector.broadcast %parallel_loop3A_245 : f32 to vector<16xf32>
          %parallel_loop3A_247 = arith.mulf %parallel_loop3A_240, %parallel_loop3A_246 : vector<16xf32>
          %parallel_loop3A_248 = arith.fptosi %parallel_loop3A_247 : vector<16xf32> to vector<16xi32>
          %parallel_loop3A_249 = arith.constant 10 : i32
          %parallel_loop3A_250 = vector.broadcast %parallel_loop3A_249 : i32 to vector<16xi32>
          %parallel_loop3A_251 = arith.shrsi %parallel_loop3A_248, %parallel_loop3A_250 : vector<16xi32>
          %parallel_loop3A_252 = arith.constant 1023 : i32
          %parallel_loop3A_253 = vector.broadcast %parallel_loop3A_252 : i32 to vector<16xi32>
          %parallel_loop3A_254 = arith.andi %parallel_loop3A_244, %parallel_loop3A_253 : vector<16xi32>
          %parallel_loop3A_255 = tpu.vector_load_idx %arg16[%parallel_loop3A_254] : memref<1024xf32, #tpu.memory_space<vmem>>[vector<16xi32>], vector<16xf32>,
          %parallel_loop3A_256 = arith.constant 1023 : i32
          %parallel_loop3A_257 = vector.broadcast %parallel_loop3A_256 : i32 to vector<16xi32>
          %parallel_loop3A_258 = arith.andi %parallel_loop3A_248, %parallel_loop3A_257 : vector<16xi32>
          %parallel_loop3A_259 = tpu.vector_load_idx %arg16[%parallel_loop3A_258] : memref<1024xf32, #tpu.memory_space<vmem>>[vector<16xi32>], vector<16xf32>,
          %parallel_loop3A_260 = arith.constant 10 : i32
          %parallel_loop3A_261 = vector.broadcast %parallel_loop3A_260 : i32 to vector<16xi32>
          %parallel_loop3A_262 = arith.shrsi %parallel_loop3A_244, %parallel_loop3A_261 : vector<16xi32>
          %parallel_loop3A_263 = arith.constant 8 : i32
          %parallel_loop3A_264 = vector.broadcast %parallel_loop3A_263 : i32 to vector<16xi32>
          %parallel_loop3A_265 = arith.shli %parallel_loop3A_262, %parallel_loop3A_264 : vector<16xi32>
          %parallel_loop3A_266 = arith.addi %parallel_loop3A_265, %parallel_loop3A_251 : vector<16xi32>
          %parallel_loop3A_267 = arith.mulf %parallel_loop3A_255, %parallel_loop3A_259 : vector<16xf32>
          %parallel_loop3A_268 = arith.subf %parallel_loop3A_255, %parallel_loop3A_267 : vector<16xf32>
          %parallel_loop3A_269 = arith.subf %parallel_loop3A_259, %parallel_loop3A_267 : vector<16xf32>
          %parallel_loop3A_270 = arith.constant 1.000000e+00 : f32
          %parallel_loop3A_271 = vector.broadcast %parallel_loop3A_270 : f32 to vector<16xf32>
          %parallel_loop3A_272 = arith.subf %parallel_loop3A_271, %parallel_loop3A_259 : vector<16xf32>
          %parallel_loop3A_273 = arith.subf %parallel_loop3A_272, %parallel_loop3A_268 : vector<16xf32>
          tpu.vector_store_idx %arg8[%parallel_loop3A_266], %parallel_loop3A_267 {add = true} : memref<65536xf32, #tpu.memory_space<vmem>>[vector<16xi32>], vector<16xf32>,
          %parallel_loop3A_274 = arith.constant 1 : i32
          %parallel_loop3A_275 = vector.broadcast %parallel_loop3A_274 : i32 to vector<16xi32>
          %parallel_loop3A_276 = arith.addi %parallel_loop3A_266, %parallel_loop3A_275 : vector<16xi32>
          tpu.vector_store_idx %arg8[%parallel_loop3A_276], %parallel_loop3A_268 {add = true} : memref<65536xf32, #tpu.memory_space<vmem>>[vector<16xi32>], vector<16xf32>,
          %parallel_loop3A_277 = arith.constant 256 : i32
          %parallel_loop3A_278 = vector.broadcast %parallel_loop3A_277 : i32 to vector<16xi32>
          %parallel_loop3A_279 = arith.addi %parallel_loop3A_266, %parallel_loop3A_278 : vector<16xi32>
          tpu.vector_store_idx %arg8[%parallel_loop3A_279], %parallel_loop3A_269 {add = true} : memref<65536xf32, #tpu.memory_space<vmem>>[vector<16xi32>], vector<16xf32>,
          %parallel_loop3A_280 = arith.constant 257 : i32
          %parallel_loop3A_281 = vector.broadcast %parallel_loop3A_280 : i32 to vector<16xi32>
          %parallel_loop3A_282 = arith.addi %parallel_loop3A_266, %parallel_loop3A_281 : vector<16xi32>
          tpu.vector_store_idx %arg8[%parallel_loop3A_282], %parallel_loop3A_273 {add = true} : memref<65536xf32, #tpu.memory_space<vmem>>[vector<16xi32>], vector<16xf32>,
        } {sc.loop_unroll_factor = 8 : i64, sc.parallel_access}
      }
      %scan3A_83 = arith.constant 4 : i32
      %and3A_84 = arith.constant true
      %and3A_85 = arith.andi %and3A_56, %and3A_84 : i1
      %dma_wait3A = arith.constant 0 : i32
      %dma_wait3A_86 = arith.constant 0 : i32
      %dma_wait3A_87 = tpu.memref_slice %arg2[%dma_wait3A, %dma_wait3A_86] : memref<24x147456xf32, #tpu.memory_space<hbm>> -> memref<1x8192xf32, #tpu.memory_space<hbm>>
      %dma_wait3A_88 = tpu.memref_squeeze %dma_wait3A_87 : memref<1x8192xf32, #tpu.memory_space<hbm>> -> memref<8192xf32, #tpu.memory_space<hbm>>
      %dma_wait3A_89 = arith.constant 0 : i32
      %dma_wait3A_90 = tpu.memref_slice %arg2[%dma_wait3A, %dma_wait3A_89] : memref<24x147456xf32, #tpu.memory_space<hbm>> -> memref<1x8192xf32, #tpu.memory_space<hbm>>
      %dma_wait3A_91 = tpu.memref_squeeze %dma_wait3A_90 : memref<1x8192xf32, #tpu.memory_space<hbm>> -> memref<8192xf32, #tpu.memory_space<hbm>>
      tpu.wait_dma2 semaphore(%arg17 : memref<!tpu.dma_semaphore, #tpu.memory_space<semaphore_mem>>) src(%dma_wait3A_91 : memref<8192xf32, #tpu.memory_space<hbm>>) dst(%arg9 : memref<8192xf32, #tpu.memory_space<vmem>>)
      %convert_element_type3A_92 = arith.extui %and3A_85 : i1 to i32
      %cond3A_93 = arith.constant 0 : i32
      %cond3A_94 = arith.cmpi ne, %convert_element_type3A_92, %cond3A_93 : i32
      scf.if %cond3A_94 {
        %dma_wait3A_120 = arith.constant 0 : i32
        %dma_wait3A_121 = arith.constant 0 : i32
        %dma_wait3A_122 = tpu.memref_slice %arg10[%dma_wait3A_121] : memref<8208xf32, #tpu.memory_space<vmem>> -> memref<7808xf32, #tpu.memory_space<vmem>>
        %dma_wait3A_123 = arith.constant 0 : i32
        %dma_wait3A_124 = tpu.memref_slice %arg2[%dma_wait3A_120, %dma_wait3A_123] : memref<24x147456xf32, #tpu.memory_space<hbm>> -> memref<1x7808xf32, #tpu.memory_space<hbm>>
        %dma_wait3A_125 = tpu.memref_squeeze %dma_wait3A_124 : memref<1x7808xf32, #tpu.memory_space<hbm>> -> memref<7808xf32, #tpu.memory_space<hbm>>
        %dma_wait3A_126 = arith.constant 0 : i32
        %dma_wait3A_127 = tpu.memref_slice %arg10[%dma_wait3A_126] : memref<8208xf32, #tpu.memory_space<vmem>> -> memref<7808xf32, #tpu.memory_space<vmem>>
        %dma_wait3A_128 = arith.constant 0 : i32
        %dma_wait3A_129 = tpu.memref_slice %arg2[%dma_wait3A_120, %dma_wait3A_128] : memref<24x147456xf32, #tpu.memory_space<hbm>> -> memref<1x7808xf32, #tpu.memory_space<hbm>>
        %dma_wait3A_130 = tpu.memref_squeeze %dma_wait3A_129 : memref<1x7808xf32, #tpu.memory_space<hbm>> -> memref<7808xf32, #tpu.memory_space<hbm>>
        tpu.wait_dma2 semaphore(%arg18 : memref<!tpu.dma_semaphore, #tpu.memory_space<semaphore_mem>>) src(%dma_wait3A_130 : memref<7808xf32, #tpu.memory_space<hbm>>) dst(%dma_wait3A_127 : memref<7808xf32, #tpu.memory_space<vmem>>)
      } else {
      }
      %not3A_95 = arith.constant true
      %not3A_96 = arith.xori %and3A_85, %not3A_95 : i1
      %convert_element_type3A_97 = arith.extui %not3A_96 : i1 to i32
      %cond3A_98 = arith.constant 0 : i32
      %cond3A_99 = arith.cmpi ne, %convert_element_type3A_97, %cond3A_98 : i32
      scf.if %cond3A_99 {
        %dma_wait3A_120 = arith.constant 0 : i32
        %dma_wait3A_121 = arith.constant 0 : i32
        %dma_wait3A_122 = tpu.memref_slice %arg10[%dma_wait3A_121] : memref<8208xf32, #tpu.memory_space<vmem>> -> memref<8192xf32, #tpu.memory_space<vmem>>
        %dma_wait3A_123 = arith.constant 0 : i32
        %dma_wait3A_124 = tpu.memref_slice %arg2[%dma_wait3A_120, %dma_wait3A_123] : memref<24x147456xf32, #tpu.memory_space<hbm>> -> memref<1x8192xf32, #tpu.memory_space<hbm>>
        %dma_wait3A_125 = tpu.memref_squeeze %dma_wait3A_124 : memref<1x8192xf32, #tpu.memory_space<hbm>> -> memref<8192xf32, #tpu.memory_space<hbm>>
        %dma_wait3A_126 = arith.constant 0 : i32
        %dma_wait3A_127 = tpu.memref_slice %arg10[%dma_wait3A_126] : memref<8208xf32, #tpu.memory_space<vmem>> -> memref<8192xf32, #tpu.memory_space<vmem>>
        %dma_wait3A_128 = arith.constant 0 : i32
        %dma_wait3A_129 = tpu.memref_slice %arg2[%dma_wait3A_120, %dma_wait3A_128] : memref<24x147456xf32, #tpu.memory_space<hbm>> -> memref<1x8192xf32, #tpu.memory_space<hbm>>
        %dma_wait3A_130 = tpu.memref_squeeze %dma_wait3A_129 : memref<1x8192xf32, #tpu.memory_space<hbm>> -> memref<8192xf32, #tpu.memory_space<hbm>>
        tpu.wait_dma2 semaphore(%arg18 : memref<!tpu.dma_semaphore, #tpu.memory_space<semaphore_mem>>) src(%dma_wait3A_130 : memref<8192xf32, #tpu.memory_space<hbm>>) dst(%dma_wait3A_127 : memref<8192xf32, #tpu.memory_space<vmem>>)
      } else {
      }
      %not3A_100 = arith.constant true
      %not3A_101 = arith.xori %and3A_85, %not3A_100 : i1
      %and3A_102 = arith.andi %lt3A_33, %not3A_101 : i1
      %convert_element_type3A_103 = arith.extui %and3A_102 : i1 to i32
      %cond3A_104 = arith.constant 0 : i32
      %cond3A_105 = arith.cmpi ne, %convert_element_type3A_103, %cond3A_104 : i32
      scf.if %cond3A_105 {
        %dma_wait3A_120 = arith.constant 0 : i32
        %dma_wait3A_121 = arith.constant 8192 : i32
        %dma_wait3A_122 = tpu.memref_slice %arg10[%dma_wait3A_121] : memref<8208xf32, #tpu.memory_space<vmem>> -> memref<16xf32, #tpu.memory_space<vmem>>
        %dma_wait3A_123 = arith.constant 0 : i32
        %dma_wait3A_124 = tpu.memref_slice %arg2[%dma_wait3A_120, %dma_wait3A_123] : memref<24x147456xf32, #tpu.memory_space<hbm>> -> memref<1x16xf32, #tpu.memory_space<hbm>>
        %dma_wait3A_125 = tpu.memref_squeeze %dma_wait3A_124 : memref<1x16xf32, #tpu.memory_space<hbm>> -> memref<16xf32, #tpu.memory_space<hbm>>
        %dma_wait3A_126 = arith.constant 8192 : i32
        %dma_wait3A_127 = tpu.memref_slice %arg10[%dma_wait3A_126] : memref<8208xf32, #tpu.memory_space<vmem>> -> memref<16xf32, #tpu.memory_space<vmem>>
        %dma_wait3A_128 = arith.constant 0 : i32
        %dma_wait3A_129 = tpu.memref_slice %arg2[%dma_wait3A_120, %dma_wait3A_128] : memref<24x147456xf32, #tpu.memory_space<hbm>> -> memref<1x16xf32, #tpu.memory_space<hbm>>
        %dma_wait3A_130 = tpu.memref_squeeze %dma_wait3A_129 : memref<1x16xf32, #tpu.memory_space<hbm>> -> memref<16xf32, #tpu.memory_space<hbm>>
        tpu.wait_dma2 semaphore(%arg18 : memref<!tpu.dma_semaphore, #tpu.memory_space<semaphore_mem>>) src(%dma_wait3A_130 : memref<16xf32, #tpu.memory_space<hbm>>) dst(%dma_wait3A_127 : memref<16xf32, #tpu.memory_space<vmem>>)
      } else {
      }
      %not3A_106 = arith.constant true
      %not3A_107 = arith.xori %and3A_56, %not3A_106 : i1
      %convert_element_type3A_108 = arith.extui %not3A_107 : i1 to i32
      %cond3A_109 = arith.constant 0 : i32
      %cond3A_110 = arith.cmpi ne, %convert_element_type3A_108, %cond3A_109 : i32
      scf.if %cond3A_110 {
        %parallel_loop3A_120 = arith.constant 0 : i32
        %parallel_loop3A_121 = arith.constant 512 : i32
        %parallel_loop3A_122 = arith.constant 1 : i32
        scf.for %parallel_loop3A_123 = %parallel_loop3A_120 to %parallel_loop3A_121 step %parallel_loop3A_122  : i32 {
          %parallel_loop3A_124 = arith.constant 16 : i32
          %parallel_loop3A_125 = arith.muli %parallel_loop3A_123, %parallel_loop3A_124 : i32
          %parallel_loop3A_126 = arith.index_cast %parallel_loop3A_125 : i32 to index
          %parallel_loop3A_127 = tpu.vector_load %arg9[%parallel_loop3A_126] {strides = array<i32>} : memref<8192xf32, #tpu.memory_space<vmem>>, vector<16xf32>,
          %parallel_loop3A_128 = arith.addi %parallel_loop3A_125, %select_n3A_49 : i32
          %parallel_loop3A_129 = arith.index_cast %parallel_loop3A_128 : i32 to index
          %parallel_loop3A_130 = tpu.vector_load %arg10[%parallel_loop3A_129] {strides = array<i32>} : memref<8208xf32, #tpu.memory_space<vmem>>, vector<16xf32>,
          %parallel_loop3A_131 = arith.constant 2.611200e+05 : f32
          %parallel_loop3A_132 = vector.broadcast %parallel_loop3A_131 : f32 to vector<16xf32>
          %parallel_loop3A_133 = arith.mulf %parallel_loop3A_127, %parallel_loop3A_132 : vector<16xf32>
          %parallel_loop3A_134 = arith.fptosi %parallel_loop3A_133 : vector<16xf32> to vector<16xi32>
          %parallel_loop3A_135 = arith.constant 2.611200e+05 : f32
          %parallel_loop3A_136 = vector.broadcast %parallel_loop3A_135 : f32 to vector<16xf32>
          %parallel_loop3A_137 = arith.mulf %parallel_loop3A_130, %parallel_loop3A_136 : vector<16xf32>
          %parallel_loop3A_138 = arith.fptosi %parallel_loop3A_137 : vector<16xf32> to vector<16xi32>
          %parallel_loop3A_139 = arith.constant 10 : i32
          %parallel_loop3A_140 = vector.broadcast %parallel_loop3A_139 : i32 to vector<16xi32>
          %parallel_loop3A_141 = arith.shrsi %parallel_loop3A_138, %parallel_loop3A_140 : vector<16xi32>
          %parallel_loop3A_142 = arith.constant 1023 : i32
          %parallel_loop3A_143 = vector.broadcast %parallel_loop3A_142 : i32 to vector<16xi32>
          %parallel_loop3A_144 = arith.andi %parallel_loop3A_134, %parallel_loop3A_143 : vector<16xi32>
          %parallel_loop3A_145 = tpu.vector_load_idx %arg16[%parallel_loop3A_144] : memref<1024xf32, #tpu.memory_space<vmem>>[vector<16xi32>], vector<16xf32>,
          %parallel_loop3A_146 = arith.constant 1023 : i32
          %parallel_loop3A_147 = vector.broadcast %parallel_loop3A_146 : i32 to vector<16xi32>
          %parallel_loop3A_148 = arith.andi %parallel_loop3A_138, %parallel_loop3A_147 : vector<16xi32>
          %parallel_loop3A_149 = tpu.vector_load_idx %arg16[%parallel_loop3A_148] : memref<1024xf32, #tpu.memory_space<vmem>>[vector<16xi32>], vector<16xf32>,
          %parallel_loop3A_150 = arith.constant 10 : i32
          %parallel_loop3A_151 = vector.broadcast %parallel_loop3A_150 : i32 to vector<16xi32>
          %parallel_loop3A_152 = arith.shrsi %parallel_loop3A_134, %parallel_loop3A_151 : vector<16xi32>
          %parallel_loop3A_153 = arith.constant 8 : i32
          %parallel_loop3A_154 = vector.broadcast %parallel_loop3A_153 : i32 to vector<16xi32>
          %parallel_loop3A_155 = arith.shli %parallel_loop3A_152, %parallel_loop3A_154 : vector<16xi32>
          %parallel_loop3A_156 = arith.addi %parallel_loop3A_155, %parallel_loop3A_141 : vector<16xi32>
          %parallel_loop3A_157 = arith.mulf %parallel_loop3A_145, %parallel_loop3A_149 : vector<16xf32>
          %parallel_loop3A_158 = arith.subf %parallel_loop3A_145, %parallel_loop3A_157 : vector<16xf32>
          %parallel_loop3A_159 = arith.subf %parallel_loop3A_149, %parallel_loop3A_157 : vector<16xf32>
          %parallel_loop3A_160 = arith.constant 1.000000e+00 : f32
          %parallel_loop3A_161 = vector.broadcast %parallel_loop3A_160 : f32 to vector<16xf32>
          %parallel_loop3A_162 = arith.subf %parallel_loop3A_161, %parallel_loop3A_149 : vector<16xf32>
          %parallel_loop3A_163 = arith.subf %parallel_loop3A_162, %parallel_loop3A_158 : vector<16xf32>
          tpu.vector_store_idx %arg8[%parallel_loop3A_156], %parallel_loop3A_157 {add = true} : memref<65536xf32, #tpu.memory_space<vmem>>[vector<16xi32>], vector<16xf32>,
          %parallel_loop3A_164 = arith.constant 1 : i32
          %parallel_loop3A_165 = vector.broadcast %parallel_loop3A_164 : i32 to vector<16xi32>
          %parallel_loop3A_166 = arith.addi %parallel_loop3A_156, %parallel_loop3A_165 : vector<16xi32>
          tpu.vector_store_idx %arg8[%parallel_loop3A_166], %parallel_loop3A_158 {add = true} : memref<65536xf32, #tpu.memory_space<vmem>>[vector<16xi32>], vector<16xf32>,
          %parallel_loop3A_167 = arith.constant 256 : i32
          %parallel_loop3A_168 = vector.broadcast %parallel_loop3A_167 : i32 to vector<16xi32>
          %parallel_loop3A_169 = arith.addi %parallel_loop3A_156, %parallel_loop3A_168 : vector<16xi32>
          tpu.vector_store_idx %arg8[%parallel_loop3A_169], %parallel_loop3A_159 {add = true} : memref<65536xf32, #tpu.memory_space<vmem>>[vector<16xi32>], vector<16xf32>,
          %parallel_loop3A_170 = arith.constant 257 : i32
          %parallel_loop3A_171 = vector.broadcast %parallel_loop3A_170 : i32 to vector<16xi32>
          %parallel_loop3A_172 = arith.addi %parallel_loop3A_156, %parallel_loop3A_171 : vector<16xi32>
          tpu.vector_store_idx %arg8[%parallel_loop3A_172], %parallel_loop3A_163 {add = true} : memref<65536xf32, #tpu.memory_space<vmem>>[vector<16xi32>], vector<16xf32>,
        } {sc.loop_unroll_factor = 8 : i64, sc.parallel_access}
      } else {
      }
      %convert_element_type3A_111 = arith.extui %and3A_56 : i1 to i32
      %cond3A_112 = arith.constant 0 : i32
      %cond3A_113 = arith.cmpi ne, %convert_element_type3A_111, %cond3A_112 : i32
      scf.if %cond3A_113 {
        %parallel_loop3A_120 = arith.constant 0 : i32
        %parallel_loop3A_121 = arith.constant 487 : i32
        %parallel_loop3A_122 = arith.constant 1 : i32
        scf.for %parallel_loop3A_123 = %parallel_loop3A_120 to %parallel_loop3A_121 step %parallel_loop3A_122  : i32 {
          %parallel_loop3A_124 = arith.constant 16 : i32
          %parallel_loop3A_125 = arith.muli %parallel_loop3A_123, %parallel_loop3A_124 : i32
          %parallel_loop3A_126 = arith.index_cast %parallel_loop3A_125 : i32 to index
          %parallel_loop3A_127 = tpu.vector_load %arg9[%parallel_loop3A_126] {strides = array<i32>} : memref<8192xf32, #tpu.memory_space<vmem>>, vector<16xf32>,
          %parallel_loop3A_128 = arith.addi %parallel_loop3A_125, %select_n3A_49 : i32
          %parallel_loop3A_129 = arith.index_cast %parallel_loop3A_128 : i32 to index
          %parallel_loop3A_130 = tpu.vector_load %arg10[%parallel_loop3A_129] {strides = array<i32>} : memref<8208xf32, #tpu.memory_space<vmem>>, vector<16xf32>,
          %parallel_loop3A_131 = arith.constant 2.611200e+05 : f32
          %parallel_loop3A_132 = vector.broadcast %parallel_loop3A_131 : f32 to vector<16xf32>
          %parallel_loop3A_133 = arith.mulf %parallel_loop3A_127, %parallel_loop3A_132 : vector<16xf32>
          %parallel_loop3A_134 = arith.fptosi %parallel_loop3A_133 : vector<16xf32> to vector<16xi32>
          %parallel_loop3A_135 = arith.constant 2.611200e+05 : f32
          %parallel_loop3A_136 = vector.broadcast %parallel_loop3A_135 : f32 to vector<16xf32>
          %parallel_loop3A_137 = arith.mulf %parallel_loop3A_130, %parallel_loop3A_136 : vector<16xf32>
          %parallel_loop3A_138 = arith.fptosi %parallel_loop3A_137 : vector<16xf32> to vector<16xi32>
          %parallel_loop3A_139 = arith.constant 10 : i32
          %parallel_loop3A_140 = vector.broadcast %parallel_loop3A_139 : i32 to vector<16xi32>
          %parallel_loop3A_141 = arith.shrsi %parallel_loop3A_138, %parallel_loop3A_140 : vector<16xi32>
          %parallel_loop3A_142 = arith.constant 1023 : i32
          %parallel_loop3A_143 = vector.broadcast %parallel_loop3A_142 : i32 to vector<16xi32>
          %parallel_loop3A_144 = arith.andi %parallel_loop3A_134, %parallel_loop3A_143 : vector<16xi32>
          %parallel_loop3A_145 = tpu.vector_load_idx %arg16[%parallel_loop3A_144] : memref<1024xf32, #tpu.memory_space<vmem>>[vector<16xi32>], vector<16xf32>,
          %parallel_loop3A_146 = arith.constant 1023 : i32
          %parallel_loop3A_147 = vector.broadcast %parallel_loop3A_146 : i32 to vector<16xi32>
          %parallel_loop3A_148 = arith.andi %parallel_loop3A_138, %parallel_loop3A_147 : vector<16xi32>
          %parallel_loop3A_149 = tpu.vector_load_idx %arg16[%parallel_loop3A_148] : memref<1024xf32, #tpu.memory_space<vmem>>[vector<16xi32>], vector<16xf32>,
          %parallel_loop3A_150 = arith.constant 10 : i32
          %parallel_loop3A_151 = vector.broadcast %parallel_loop3A_150 : i32 to vector<16xi32>
          %parallel_loop3A_152 = arith.shrsi %parallel_loop3A_134, %parallel_loop3A_151 : vector<16xi32>
          %parallel_loop3A_153 = arith.constant 8 : i32
          %parallel_loop3A_154 = vector.broadcast %parallel_loop3A_153 : i32 to vector<16xi32>
          %parallel_loop3A_155 = arith.shli %parallel_loop3A_152, %parallel_loop3A_154 : vector<16xi32>
          %parallel_loop3A_156 = arith.addi %parallel_loop3A_155, %parallel_loop3A_141 : vector<16xi32>
          %parallel_loop3A_157 = arith.mulf %parallel_loop3A_145, %parallel_loop3A_149 : vector<16xf32>
          %parallel_loop3A_158 = arith.subf %parallel_loop3A_145, %parallel_loop3A_157 : vector<16xf32>
          %parallel_loop3A_159 = arith.subf %parallel_loop3A_149, %parallel_loop3A_157 : vector<16xf32>
          %parallel_loop3A_160 = arith.constant 1.000000e+00 : f32
          %parallel_loop3A_161 = vector.broadcast %parallel_loop3A_160 : f32 to vector<16xf32>
          %parallel_loop3A_162 = arith.subf %parallel_loop3A_161, %parallel_loop3A_149 : vector<16xf32>
          %parallel_loop3A_163 = arith.subf %parallel_loop3A_162, %parallel_loop3A_158 : vector<16xf32>
          tpu.vector_store_idx %arg8[%parallel_loop3A_156], %parallel_loop3A_157 {add = true} : memref<65536xf32, #tpu.memory_space<vmem>>[vector<16xi32>], vector<16xf32>,
          %parallel_loop3A_164 = arith.constant 1 : i32
          %parallel_loop3A_165 = vector.broadcast %parallel_loop3A_164 : i32 to vector<16xi32>
          %parallel_loop3A_166 = arith.addi %parallel_loop3A_156, %parallel_loop3A_165 : vector<16xi32>
          tpu.vector_store_idx %arg8[%parallel_loop3A_166], %parallel_loop3A_158 {add = true} : memref<65536xf32, #tpu.memory_space<vmem>>[vector<16xi32>], vector<16xf32>,
          %parallel_loop3A_167 = arith.constant 256 : i32
          %parallel_loop3A_168 = vector.broadcast %parallel_loop3A_167 : i32 to vector<16xi32>
          %parallel_loop3A_169 = arith.addi %parallel_loop3A_156, %parallel_loop3A_168 : vector<16xi32>
          tpu.vector_store_idx %arg8[%parallel_loop3A_169], %parallel_loop3A_159 {add = true} : memref<65536xf32, #tpu.memory_space<vmem>>[vector<16xi32>], vector<16xf32>,
          %parallel_loop3A_170 = arith.constant 257 : i32
          %parallel_loop3A_171 = vector.broadcast %parallel_loop3A_170 : i32 to vector<16xi32>
          %parallel_loop3A_172 = arith.addi %parallel_loop3A_156, %parallel_loop3A_171 : vector<16xi32>
          tpu.vector_store_idx %arg8[%parallel_loop3A_172], %parallel_loop3A_163 {add = true} : memref<65536xf32, #tpu.memory_space<vmem>>[vector<16xi32>], vector<16xf32>,
        } {sc.loop_unroll_factor = 1 : i64, sc.parallel_access}
      } else {
      }
      %eq3A_114 = arith.constant 0 : i32
      %eq3A_115 = arith.cmpi eq, %and3A_12, %eq3A_114 : i32
      %and3A_116 = arith.andi %lt3A_33, %eq3A_115 : i1
      %convert_element_type3A_117 = arith.extui %and3A_116 : i1 to i32
      %cond3A_118 = arith.constant 0 : i32
      %cond3A_119 = arith.cmpi ne, %convert_element_type3A_117, %cond3A_118 : i32
      scf.if %cond3A_119 {
        %mul3A_120 = arith.constant 3 : i32
        %mul3A_121 = arith.muli %select_n3A, %mul3A_120 : i32
        %add3A_122 = arith.addi %mul3A_121, %sub3A_32 : i32
        "tpu.region"() ({
          %run_scoped3A = tpu.sem_alloc : memref<!tpu.dma_semaphore, #tpu.memory_space<semaphore_mem>>
          %dma_start3A_126 = arith.constant 0 : i32
          %dma_start3A_127 = tpu.memref_slice %arg3[%add3A_122, %dma_start3A_126] : memref<24x400xf32, #tpu.memory_space<hbm>> -> memref<1x400xf32, #tpu.memory_space<hbm>>
          %dma_start3A_128 = tpu.memref_squeeze %dma_start3A_127 : memref<1x400xf32, #tpu.memory_space<hbm>> -> memref<400xf32, #tpu.memory_space<hbm>>
          %dma_start3A_129 = arith.constant 0 : i32
          %dma_start3A_130 = tpu.memref_slice %arg3[%add3A_122, %dma_start3A_129] : memref<24x400xf32, #tpu.memory_space<hbm>> -> memref<1x400xf32, #tpu.memory_space<hbm>>
          %dma_start3A_131 = tpu.memref_squeeze %dma_start3A_130 : memref<1x400xf32, #tpu.memory_space<hbm>> -> memref<400xf32, #tpu.memory_space<hbm>>
          tpu.enqueue_dma source(%dma_start3A_131 : memref<400xf32, #tpu.memory_space<hbm>>) target(%arg13 : memref<400xf32, #tpu.memory_space<vmem>>) target_semaphore(%run_scoped3A : memref<!tpu.dma_semaphore, #tpu.memory_space<semaphore_mem>>)
          %dma_wait3A_132 = arith.constant 0 : i32
          %dma_wait3A_133 = tpu.memref_slice %arg3[%add3A_122, %dma_wait3A_132] : memref<24x400xf32, #tpu.memory_space<hbm>> -> memref<1x400xf32, #tpu.memory_space<hbm>>
          %dma_wait3A_134 = tpu.memref_squeeze %dma_wait3A_133 : memref<1x400xf32, #tpu.memory_space<hbm>> -> memref<400xf32, #tpu.memory_space<hbm>>
          %dma_wait3A_135 = arith.constant 0 : i32
          %dma_wait3A_136 = tpu.memref_slice %arg3[%add3A_122, %dma_wait3A_135] : memref<24x400xf32, #tpu.memory_space<hbm>> -> memref<1x400xf32, #tpu.memory_space<hbm>>
          %dma_wait3A_137 = tpu.memref_squeeze %dma_wait3A_136 : memref<1x400xf32, #tpu.memory_space<hbm>> -> memref<400xf32, #tpu.memory_space<hbm>>
          tpu.wait_dma2 semaphore(%run_scoped3A : memref<!tpu.dma_semaphore, #tpu.memory_space<semaphore_mem>>) src(%dma_wait3A_137 : memref<400xf32, #tpu.memory_space<hbm>>) dst(%arg13 : memref<400xf32, #tpu.memory_space<vmem>>)
          tpu.yield
        }) : () -> ()
        "tpu.region"() ({
          %run_scoped3A = tpu.sem_alloc : memref<!tpu.dma_semaphore, #tpu.memory_space<semaphore_mem>>
          %dma_start3A_126 = arith.constant 0 : i32
          %dma_start3A_127 = tpu.memref_slice %arg4[%add3A_122, %dma_start3A_126] : memref<24x400xf32, #tpu.memory_space<hbm>> -> memref<1x400xf32, #tpu.memory_space<hbm>>
          %dma_start3A_128 = tpu.memref_squeeze %dma_start3A_127 : memref<1x400xf32, #tpu.memory_space<hbm>> -> memref<400xf32, #tpu.memory_space<hbm>>
          %dma_start3A_129 = arith.constant 0 : i32
          %dma_start3A_130 = tpu.memref_slice %arg4[%add3A_122, %dma_start3A_129] : memref<24x400xf32, #tpu.memory_space<hbm>> -> memref<1x400xf32, #tpu.memory_space<hbm>>
          %dma_start3A_131 = tpu.memref_squeeze %dma_start3A_130 : memref<1x400xf32, #tpu.memory_space<hbm>> -> memref<400xf32, #tpu.memory_space<hbm>>
          tpu.enqueue_dma source(%dma_start3A_131 : memref<400xf32, #tpu.memory_space<hbm>>) target(%arg14 : memref<400xf32, #tpu.memory_space<vmem>>) target_semaphore(%run_scoped3A : memref<!tpu.dma_semaphore, #tpu.memory_space<semaphore_mem>>)
          %dma_wait3A_132 = arith.constant 0 : i32
          %dma_wait3A_133 = tpu.memref_slice %arg4[%add3A_122, %dma_wait3A_132] : memref<24x400xf32, #tpu.memory_space<hbm>> -> memref<1x400xf32, #tpu.memory_space<hbm>>
          %dma_wait3A_134 = tpu.memref_squeeze %dma_wait3A_133 : memref<1x400xf32, #tpu.memory_space<hbm>> -> memref<400xf32, #tpu.memory_space<hbm>>
          %dma_wait3A_135 = arith.constant 0 : i32
          %dma_wait3A_136 = tpu.memref_slice %arg4[%add3A_122, %dma_wait3A_135] : memref<24x400xf32, #tpu.memory_space<hbm>> -> memref<1x400xf32, #tpu.memory_space<hbm>>
          %dma_wait3A_137 = tpu.memref_squeeze %dma_wait3A_136 : memref<1x400xf32, #tpu.memory_space<hbm>> -> memref<400xf32, #tpu.memory_space<hbm>>
          tpu.wait_dma2 semaphore(%run_scoped3A : memref<!tpu.dma_semaphore, #tpu.memory_space<semaphore_mem>>) src(%dma_wait3A_137 : memref<400xf32, #tpu.memory_space<hbm>>) dst(%arg14 : memref<400xf32, #tpu.memory_space<vmem>>)
          tpu.yield
        }) : () -> ()
        "tpu.region"() ({
          %run_scoped3A = tpu.sem_alloc : memref<!tpu.dma_semaphore, #tpu.memory_space<semaphore_mem>>
          tpu.enqueue_dma source(%arg5 : memref<400xf32, #tpu.memory_space<hbm>>) target(%arg15 : memref<400xf32, #tpu.memory_space<vmem>>) target_semaphore(%run_scoped3A : memref<!tpu.dma_semaphore, #tpu.memory_space<semaphore_mem>>)
          tpu.wait_dma2 semaphore(%run_scoped3A : memref<!tpu.dma_semaphore, #tpu.memory_space<semaphore_mem>>) src(%arg5 : memref<400xf32, #tpu.memory_space<hbm>>) dst(%arg15 : memref<400xf32, #tpu.memory_space<vmem>>)
          tpu.yield
        }) : () -> ()
        %parallel_loop3A_123 = arith.constant 0 : i32
        %parallel_loop3A_124 = arith.constant 25 : i32
        %parallel_loop3A_125 = arith.constant 1 : i32
        scf.for %parallel_loop3A_126 = %parallel_loop3A_123 to %parallel_loop3A_124 step %parallel_loop3A_125  : i32 {
          %parallel_loop3A_127 = arith.constant 16 : i32
          %parallel_loop3A_128 = arith.muli %parallel_loop3A_126, %parallel_loop3A_127 : i32
          %parallel_loop3A_129 = arith.index_cast %parallel_loop3A_128 : i32 to index
          %parallel_loop3A_130 = tpu.vector_load %arg13[%parallel_loop3A_129] {strides = array<i32>} : memref<400xf32, #tpu.memory_space<vmem>>, vector<16xf32>,
          %parallel_loop3A_131 = arith.index_cast %parallel_loop3A_128 : i32 to index
          %parallel_loop3A_132 = tpu.vector_load %arg14[%parallel_loop3A_131] {strides = array<i32>} : memref<400xf32, #tpu.memory_space<vmem>>, vector<16xf32>,
          %parallel_loop3A_133 = arith.index_cast %parallel_loop3A_128 : i32 to index
          %parallel_loop3A_134 = tpu.vector_load %arg15[%parallel_loop3A_133] {strides = array<i32>} : memref<400xf32, #tpu.memory_space<vmem>>, vector<16xf32>,
          %parallel_loop3A_135 = arith.constant 2.611200e+05 : f32
          %parallel_loop3A_136 = vector.broadcast %parallel_loop3A_135 : f32 to vector<16xf32>
          %parallel_loop3A_137 = arith.mulf %parallel_loop3A_130, %parallel_loop3A_136 : vector<16xf32>
          %parallel_loop3A_138 = arith.fptosi %parallel_loop3A_137 : vector<16xf32> to vector<16xi32>
          %parallel_loop3A_139 = arith.constant 2.611200e+05 : f32
          %parallel_loop3A_140 = vector.broadcast %parallel_loop3A_139 : f32 to vector<16xf32>
          %parallel_loop3A_141 = arith.mulf %parallel_loop3A_132, %parallel_loop3A_140 : vector<16xf32>
          %parallel_loop3A_142 = arith.fptosi %parallel_loop3A_141 : vector<16xf32> to vector<16xi32>
          %parallel_loop3A_143 = arith.constant 10 : i32
          %parallel_loop3A_144 = vector.broadcast %parallel_loop3A_143 : i32 to vector<16xi32>
          %parallel_loop3A_145 = arith.shrsi %parallel_loop3A_142, %parallel_loop3A_144 : vector<16xi32>
          %parallel_loop3A_146 = arith.constant 1023 : i32
          %parallel_loop3A_147 = vector.broadcast %parallel_loop3A_146 : i32 to vector<16xi32>
          %parallel_loop3A_148 = arith.andi %parallel_loop3A_138, %parallel_loop3A_147 : vector<16xi32>
          %parallel_loop3A_149 = tpu.vector_load_idx %arg16[%parallel_loop3A_148] : memref<1024xf32, #tpu.memory_space<vmem>>[vector<16xi32>], vector<16xf32>,
          %parallel_loop3A_150 = arith.constant 1023 : i32
          %parallel_loop3A_151 = vector.broadcast %parallel_loop3A_150 : i32 to vector<16xi32>
          %parallel_loop3A_152 = arith.andi %parallel_loop3A_142, %parallel_loop3A_151 : vector<16xi32>
          %parallel_loop3A_153 = tpu.vector_load_idx %arg16[%parallel_loop3A_152] : memref<1024xf32, #tpu.memory_space<vmem>>[vector<16xi32>], vector<16xf32>,
          %parallel_loop3A_154 = arith.constant 10 : i32
          %parallel_loop3A_155 = vector.broadcast %parallel_loop3A_154 : i32 to vector<16xi32>
          %parallel_loop3A_156 = arith.shrsi %parallel_loop3A_138, %parallel_loop3A_155 : vector<16xi32>
          %parallel_loop3A_157 = arith.constant 8 : i32
          %parallel_loop3A_158 = vector.broadcast %parallel_loop3A_157 : i32 to vector<16xi32>
          %parallel_loop3A_159 = arith.shli %parallel_loop3A_156, %parallel_loop3A_158 : vector<16xi32>
          %parallel_loop3A_160 = arith.addi %parallel_loop3A_159, %parallel_loop3A_145 : vector<16xi32>
          %parallel_loop3A_161 = arith.mulf %parallel_loop3A_149, %parallel_loop3A_153 : vector<16xf32>
          %parallel_loop3A_162 = arith.subf %parallel_loop3A_149, %parallel_loop3A_161 : vector<16xf32>
          %parallel_loop3A_163 = arith.subf %parallel_loop3A_153, %parallel_loop3A_161 : vector<16xf32>
          %parallel_loop3A_164 = arith.constant 1.000000e+00 : f32
          %parallel_loop3A_165 = vector.broadcast %parallel_loop3A_164 : f32 to vector<16xf32>
          %parallel_loop3A_166 = arith.subf %parallel_loop3A_165, %parallel_loop3A_153 : vector<16xf32>
          %parallel_loop3A_167 = arith.subf %parallel_loop3A_166, %parallel_loop3A_162 : vector<16xf32>
          %parallel_loop3A_168 = arith.mulf %parallel_loop3A_161, %parallel_loop3A_134 : vector<16xf32>
          %parallel_loop3A_169 = arith.mulf %parallel_loop3A_162, %parallel_loop3A_134 : vector<16xf32>
          %parallel_loop3A_170 = arith.mulf %parallel_loop3A_163, %parallel_loop3A_134 : vector<16xf32>
          %parallel_loop3A_171 = arith.mulf %parallel_loop3A_167, %parallel_loop3A_134 : vector<16xf32>
          tpu.vector_store_idx %arg8[%parallel_loop3A_160], %parallel_loop3A_168 {add = true} : memref<65536xf32, #tpu.memory_space<vmem>>[vector<16xi32>], vector<16xf32>,
          %parallel_loop3A_172 = arith.constant 1 : i32
          %parallel_loop3A_173 = vector.broadcast %parallel_loop3A_172 : i32 to vector<16xi32>
          %parallel_loop3A_174 = arith.addi %parallel_loop3A_160, %parallel_loop3A_173 : vector<16xi32>
          tpu.vector_store_idx %arg8[%parallel_loop3A_174], %parallel_loop3A_169 {add = true} : memref<65536xf32, #tpu.memory_space<vmem>>[vector<16xi32>], vector<16xf32>,
          %parallel_loop3A_175 = arith.constant 256 : i32
          %parallel_loop3A_176 = vector.broadcast %parallel_loop3A_175 : i32 to vector<16xi32>
          %parallel_loop3A_177 = arith.addi %parallel_loop3A_160, %parallel_loop3A_176 : vector<16xi32>
          tpu.vector_store_idx %arg8[%parallel_loop3A_177], %parallel_loop3A_170 {add = true} : memref<65536xf32, #tpu.memory_space<vmem>>[vector<16xi32>], vector<16xf32>,
          %parallel_loop3A_178 = arith.constant 257 : i32
          %parallel_loop3A_179 = vector.broadcast %parallel_loop3A_178 : i32 to vector<16xi32>
          %parallel_loop3A_180 = arith.addi %parallel_loop3A_160, %parallel_loop3A_179 : vector<16xi32>
          tpu.vector_store_idx %arg8[%parallel_loop3A_180], %parallel_loop3A_171 {add = true} : memref<65536xf32, #tpu.memory_space<vmem>>[vector<16xi32>], vector<16xf32>,
        } {sc.loop_unroll_factor = 5 : i64, sc.parallel_access}
      } else {
      }
      "tpu.region"() ({
        %run_scoped3A = tpu.sem_alloc : memref<!tpu.dma_semaphore, #tpu.memory_space<semaphore_mem>>
        %dma_start3A_120 = arith.constant 0 : i32
        %dma_start3A_121 = tpu.memref_slice %arg7[%add3A_10, %dma_start3A_120] : memref<96x65536xf32, #tpu.memory_space<hbm>> -> memref<1x65536xf32, #tpu.memory_space<hbm>>
        %dma_start3A_122 = tpu.memref_squeeze %dma_start3A_121 : memref<1x65536xf32, #tpu.memory_space<hbm>> -> memref<65536xf32, #tpu.memory_space<hbm>>
        %dma_start3A_123 = arith.constant 0 : i32
        %dma_start3A_124 = tpu.memref_slice %arg7[%add3A_10, %dma_start3A_123] : memref<96x65536xf32, #tpu.memory_space<hbm>> -> memref<1x65536xf32, #tpu.memory_space<hbm>>
        %dma_start3A_125 = tpu.memref_squeeze %dma_start3A_124 : memref<1x65536xf32, #tpu.memory_space<hbm>> -> memref<65536xf32, #tpu.memory_space<hbm>>
        tpu.enqueue_dma source(%arg8 : memref<65536xf32, #tpu.memory_space<vmem>>) target(%dma_start3A_125 : memref<65536xf32, #tpu.memory_space<hbm>>) target_semaphore(%run_scoped3A : memref<!tpu.dma_semaphore, #tpu.memory_space<semaphore_mem>>)
        %dma_wait3A_126 = arith.constant 0 : i32
        %dma_wait3A_127 = tpu.memref_slice %arg7[%add3A_10, %dma_wait3A_126] : memref<96x65536xf32, #tpu.memory_space<hbm>> -> memref<1x65536xf32, #tpu.memory_space<hbm>>
        %dma_wait3A_128 = tpu.memref_squeeze %dma_wait3A_127 : memref<1x65536xf32, #tpu.memory_space<hbm>> -> memref<65536xf32, #tpu.memory_space<hbm>>
        %dma_wait3A_129 = arith.constant 0 : i32
        %dma_wait3A_130 = tpu.memref_slice %arg7[%add3A_10, %dma_wait3A_129] : memref<96x65536xf32, #tpu.memory_space<hbm>> -> memref<1x65536xf32, #tpu.memory_space<hbm>>
        %dma_wait3A_131 = tpu.memref_squeeze %dma_wait3A_130 : memref<1x65536xf32, #tpu.memory_space<hbm>> -> memref<65536xf32, #tpu.memory_space<hbm>>
        tpu.wait_dma2 semaphore(%run_scoped3A : memref<!tpu.dma_semaphore, #tpu.memory_space<semaphore_mem>>) src(%arg8 : memref<65536xf32, #tpu.memory_space<vmem>>) dst(%dma_wait3A_131 : memref<65536xf32, #tpu.memory_space<hbm>>)
        tpu.yield
      }) : () -> ()
    }
    %scan3A_6 = arith.constant 3 : i32
    return
  }
}

module attributes {stable_mosaic.version = 14 : i64} {
  func.func @_norm_body(%arg0: i32, %arg1: memref<6144x128xf32, #tpu.memory_space<vmem>>, %arg2: memref<1x6x256x256xf32, #tpu.memory_space<vmem>>) attributes {dimension_semantics = [#tpu.dimension_semantics<arbitrary>], iteration_bounds = array<i64: 8>, scalar_prefetch = 0 : i64, scratch_operands = 0 : i64, tpu.core_type = #tpu.core_type<tc>, window_params = [{transform_indices = @transform_0, window_bounds = array<i64: 6144, 128>}, {transform_indices = @transform_1, window_bounds = array<i64: 1, 6, 256, 256>}]} {
    %get3A = arith.constant 0 : index
    %get3A_0 = arith.constant 0 : index
    %get3A_1 = vector.load %arg1[%get3A, %get3A_0] : memref<6144x128xf32, #tpu.memory_space<vmem>>, vector<6144x128xf32>
    %reshape3A = vector.shape_cast %get3A_1 : vector<6144x128xf32> to vector<6x2x512x128xf32>
    %slice3A = vector.extract_strided_slice %reshape3A {offsets = [0, 0, 0, 0], sizes = [6, 1, 512, 128], strides = [1, 1, 1, 1]} : vector<6x2x512x128xf32> to vector<6x1x512x128xf32>
    %squeeze3A = vector.shape_cast %slice3A : vector<6x1x512x128xf32> to vector<6x512x128xf32>
    %slice3A_2 = vector.extract_strided_slice %reshape3A {offsets = [0, 1, 0, 0], sizes = [6, 1, 512, 128], strides = [1, 1, 1, 1]} : vector<6x2x512x128xf32> to vector<6x1x512x128xf32>
    %squeeze3A_3 = vector.shape_cast %slice3A_2 : vector<6x1x512x128xf32> to vector<6x512x128xf32>
    %add3A = arith.addf %squeeze3A, %squeeze3A_3 : vector<6x512x128xf32>
    %reduce_max3A = arith.constant dense<0xFF800000> : vector<6xf32>
    %reduce_max3A_4 = vector.multi_reduction <maximumf>, %add3A, %reduce_max3A [1, 2] : vector<6x512x128xf32> to vector<6xf32>
    %div3A = arith.constant 1.000000e+00 : f32
    %div3A_5 = vector.broadcast %div3A : f32 to vector<6xf32>
    %div3A_6 = arith.divf %div3A_5, %reduce_max3A_4 : vector<6xf32>
    %broadcast_in_dim3A = vector.shape_cast %div3A_6 : vector<6xf32> to vector<6x1x1xf32>
    %mul3A = vector.broadcast %broadcast_in_dim3A : vector<6x1x1xf32> to vector<6x512x128xf32>
    %mul3A_7 = arith.mulf %add3A, %mul3A : vector<6x512x128xf32>
    %reshape3A_8 = vector.shape_cast %mul3A_7 : vector<6x512x128xf32> to vector<6x256x256xf32>
    %swap3A = arith.constant 0 : index
    %swap3A_9 = arith.constant 0 : index
    %swap3A_10 = arith.constant 0 : index
    %swap3A_11 = arith.constant 0 : index
    %swap3A_12 = vector.load %arg2[%swap3A, %swap3A_9, %swap3A_10, %swap3A_11] : memref<1x6x256x256xf32, #tpu.memory_space<vmem>>, vector<1x6x256x256xf32>
    %swap3A_13 = vector.shape_cast %swap3A_12 : vector<1x6x256x256xf32> to vector<6x256x256xf32>
    %swap3A_14 = vector.shape_cast %reshape3A_8 : vector<6x256x256xf32> to vector<1x6x256x256xf32>
    tpu.vector_store %arg2[%swap3A, %swap3A_9, %swap3A_10, %swap3A_11], %swap3A_14 {strides = array<i32>} : memref<1x6x256x256xf32, #tpu.memory_space<vmem>>, vector<1x6x256x256xf32>,
    return
  }
  func.func @transform_0(%arg0: i32) -> (i32, i32) {
    %c0_i32 = arith.constant 0 : i32
    %c0_i32_0 = arith.constant 0 : i32
    return %arg0, %c0_i32 : i32, i32
  }
  func.func @transform_1(%arg0: i32) -> (i32, i32, i32, i32) {
    %c0_i32 = arith.constant 0 : i32
    %c0_i32_0 = arith.constant 0 : i32
    %c0_i32_1 = arith.constant 0 : i32
    %c0_i32_2 = arith.constant 0 : i32
    return %arg0, %c0_i32, %c0_i32_0, %c0_i32_1 : i32, i32, i32, i32
  }
}

</mosaic_0001>

<sc_bundles>
// kernel: kernel.4.cloned.1.call-start
scs
__scs_entry_jumppad:
0x0: {  	(pc) =	sbr.rel $0x88, $3  }
0x1: {  	(tag) =	ssettag $0x0;
	lr =	simm.s32 $0x1  }
0x2: {  	[smem:$0x3FA0] =	sst lr;
	_ =	strace $0xD0000000  }
0x3: {  	_ = 	snop  }
0x4: {  	_ = 	snop  }
0x5: {  	_ = 	snop  }
0x6: {  	_ = 	snop  }
0x7: {  	_ = 	snop  }
__scs_overlays_trampoline_lowered:
0x8: {  	[smem:$0x3FAF] =	sst s0  }
0x9: {  	[smem:$0x3FB0] =	sst s1  }
0xa: {  	[smem:$0x3FB1] =	sst s2  }
0xb: {  	[smem:$0x3FB2] =	sst s3  }
0xc: {  	[smem:$0x3FB3] =	sst s4  }
0xd: {  	[smem:$0x3FB4] =	sst s5  }
0xe: {  	[smem:$0x3FB5] =	sst s6  }
0xf: {  	[smem:$0x3FB6] =	sst s7  }
0x10: {  	[smem:$0x3FB7] =	sst s8  }
0x11: {  	[smem:$0x3FB8] =	sst s9;
	s0 =	simm.s32 @!p0 $0x0  }
0x12: {  	s1 =	sld [smem:$0x3F9E];
	s0 =	simm.s32 @p0 $0x1  }
0x13: {  	[smem:$0x3FB9] =	sst s0;
	s0 =	simm.s32 @!p1 $0x0  }
0x14: {  	s2 =	sld [smem:$0x3F9D];
	s0 =	simm.s32 @p1 $0x1  }
0x15: {  	[smem:$0x3FBA] =	sst s0;
	s0 =	simm.s32 @!p2 $0x0  }
0x16: {  	s3 =	sld [smem:$0x3FDB];
	s0 =	simm.s32 @p2 $0x1  }
0x17: {  	s4 =	simm.s32 $0x1BF5;
	[smem:$0x3FBC] =	sst s0  }
0x18: {  	s0 =	sld [smem:$0x3F9F];
	_ =	swait.ge [sflag:s4], $0x0  }
0x19: {  	s7 =	sld [smem:$0x3FA0]  }
0x1a: {  	s8 =	sadd.s32 $0xFFFFE003, lr  }
0x1b: {  	s9 =	sadd.s32 $0xFFFFFEF7, lr;
	s5 =	simm.s32 $0xFFFFFFFF;
	p2 =	slt.u32 s8, $0xFFFFF086  }
0x1c: {  	p1 =	slt.u32 s9, $0xF7A;
	s5 =	simm.s32 @!p2 $0x0  }
0x1d: {  	s5 =	simm.s32 @p1 $0x1;
	p0 =	seq.s32 s7, s2  }
0x1e: {  	s7 =	smul.u32 @!p0 $0xF7A, s2;
	p2 =	seq.s32 @!p0 s5, $0x0  }
0x1f: {  	s9 =	smul.u32 $0xF7A, s1;
	s8 =	simm.s32 @!p0 $0x1BF5;
	p2 =	por !p2, p0  }
0x20: {  	[sflag:s8] =	ssyncset.s32 @!p0 $0xFFFFF086;
	s6 =	sadd.s32 @!p0 s3, s7;
	s7 =	simm.s32 @!p0 $0x108  }
0x21: {  	s3 =	sadd.s32 s3, s9;
	s6 =	sadd.s32 @!p0 $0x88, s6;
	s7 =	simm.s32 @p2 $0x1082  }
0x22: {  	[simem:s7], [sflag:s8] =	dma.local @!p0 [hbm:s6], $0xF7A  }
0x23: {  	s9 =	sor.u32 $0xD0000000, s2;
	s6 =	simm.s32 $0x108;
	_ =	swait.ge @!p0 [sflag:s8], $0x0  }
0x24: {  	s3 =	sadd.s32 $0x88, s3;
	s6 =	simm.s32 @!p1 $0x1082;
	[sflag:s4] =	ssyncset.s32 $0xFFFFF086  }
0x25: {  	[simem:s6], [sflag:s4] =	dma.local [hbm:s3], $0xF7A  }
0x26: {  	[smem:$0x3FA0] =	sst s1;
	(tag) =	ssettag s2;
	_ =	strace s9  }
0x27: {  	s1 =	sld [smem:$0x3FB0]  }
0x28: {  	s2 =	sld [smem:$0x3FB1]  }
0x29: {  	s4 =	sld [smem:$0x3FB3]  }
0x2a: {  	p0 =	seq.s32 s5, $0x0;
	s5 =	sld [smem:$0x3FB4]  }
0x2b: {  	s6 =	sld [smem:$0x3FB5]  }
0x2c: {  	s7 =	sld [smem:$0x3FB6]  }
0x2d: {  	s3 =	simm.s32 $0x108;
	s8 =	sld [smem:$0x3FB7]  }
0x2e: {  	s3 =	simm.s32 @!p0 $0x1082;
	s9 =	sld [smem:$0x3FB8]  }
0x2f: {  	lr =	sadd.s32 s0, s3;
	s0 =	sld [smem:$0x3FAF]  }
0x30: {  	s3 =	sld [smem:$0x3FB2]  }
0x31: {  	[smem:$0x3FBB] =	sst s10  }
0x32: {  	s10 =	sld [smem:$0x3FB9];
	_ =	sdelay $0x3  }
0x33: {  	p0 =	seq.s32 s10, $0x1;
	s10 =	sld [smem:$0x3FBB];
	_ =	sdelay $0x3  }
0x34: {  	[smem:$0x3FBB] =	sst s10  }
0x35: {  	s10 =	sld [smem:$0x3FBA];
	_ =	sdelay $0x3  }
0x36: {  	p1 =	seq.s32 s10, $0x1;
	s10 =	sld [smem:$0x3FBB];
	_ =	sdelay $0x3  }
0x37: {  	[smem:$0x3FBB] =	sst s10  }
0x38: {  	s10 =	sld [smem:$0x3FBC]  }
0x39: {  	_ = 	snop;
	(pc) =	sbr.ind lr, $3  }
0x3a: {  	_ = 	snop  }
0x3b: {  	_ = 	snop  }
0x3c: {  	p2 =	seq.s32 s10, $0x1;
	s10 =	sld [smem:$0x3FBB]  }
0x3d: {  	_ =	shalt  }
0x3e: {  	_ =	shalt  }
0x3f: {  	_ =	shalt  }
0x40: {  	_ =	shalt  }
0x41: {  	_ =	shalt  }
0x42: {  	_ =	shalt  }
0x43: {  	_ =	shalt  }
0x44: {  	_ =	shalt  }
0x45: {  	_ =	shalt  }
0x46: {  	_ =	shalt  }
0x47: {  	_ =	shalt  }
0x48: {  	_ =	shalt  }
0x49: {  	_ =	shalt  }
0x4a: {  	_ =	shalt  }
0x4b: {  	_ =	shalt  }
0x4c: {  	_ =	shalt  }
0x4d: {  	_ =	shalt  }
0x4e: {  	_ =	shalt  }
0x4f: {  	_ =	shalt  }
0x50: {  	_ =	shalt  }
0x51: {  	_ =	shalt  }
0x52: {  	_ =	shalt  }
0x53: {  	_ =	shalt  }
0x54: {  	_ =	shalt  }
0x55: {  	_ =	shalt  }
0x56: {  	_ =	shalt  }
0x57: {  	_ =	shalt  }
0x58: {  	_ =	shalt  }
0x59: {  	_ =	shalt  }
0x5a: {  	_ =	shalt  }
0x5b: {  	_ =	shalt  }
0x5c: {  	_ =	shalt  }
0x5d: {  	_ =	shalt  }
0x5e: {  	_ =	shalt  }
0x5f: {  	_ =	shalt  }
0x60: {  	_ =	shalt  }
0x61: {  	_ =	shalt  }
0x62: {  	_ =	shalt  }
0x63: {  	_ =	shalt  }
0x64: {  	_ =	shalt  }
0x65: {  	_ =	shalt  }
0x66: {  	_ =	shalt  }
0x67: {  	_ =	shalt  }
0x68: {  	_ =	shalt  }
0x69: {  	_ =	shalt  }
0x6a: {  	_ =	shalt  }
0x6b: {  	_ =	shalt  }
0x6c: {  	_ =	shalt  }
0x6d: {  	_ =	shalt  }
0x6e: {  	_ =	shalt  }
0x6f: {  	_ =	shalt  }
0x70: {  	_ =	shalt  }
0x71: {  	_ =	shalt  }
0x72: {  	_ =	shalt  }
0x73: {  	_ =	shalt  }
0x74: {  	_ =	shalt  }
0x75: {  	_ =	shalt  }
0x76: {  	_ =	shalt  }
0x77: {  	_ =	shalt  }
0x78: {  	_ =	shalt  }
0x79: {  	_ =	shalt  }
0x7a: {  	_ =	shalt  }
0x7b: {  	_ =	shalt  }
0x7c: {  	_ =	shalt  }
0x7d: {  	_ =	shalt  }
0x7e: {  	_ =	shalt  }
0x7f: {  	_ =	shalt  }
0x80: {  	_ =	shalt  }
0x81: {  	_ =	shalt  }
0x82: {  	_ =	shalt  }
0x83: {  	_ =	shalt  }
0x84: {  	_ =	shalt  }
0x85: {  	_ =	shalt  }
0x86: {  	_ =	shalt  }
0x87: {  	_ =	shalt  }
.Lfunc_end0:
.L_simem_size_0:
called_computation_lowered:
.L_overlay_start_0:
0x88: {  	s2 =	sld [smem:$0x3FD9]  }
0x89: {  	s3 =	sld [smem:$0x3FFE];
	_ =	sdelay $0x1  }
0x8a: {  	s1 =	srdreg.scid  }
0x8b: {  	s0 =	sand.u32 $0x1, s1  }
0x8c: {  	s17 =	sshll.u32 s0, $0xA;
	s2 =	sadd.s32 s3, s2  }
0x8d: {  	s2 =	sadd.s32 s2, s17  }
0x8e: {  	[smem:$0x3FC7] =	sst s2  }
0x8f: {  	_ = 	snop  }
0x90: {  	s2 =	sld [smem:$0x3FD0];
	(tm) =	ssettm $0x1  }
0x91: {  	s18 =	sld [smem:$0x3FFB];
	_ =	sdelay $0x3  }
0x92: {  	_ =	strace s18  }
0x93: {  	s3 =	sld [smem:$0x3FFC];
	_ =	sdelay $0x3  }
0x94: {  	_ =	strace s3  }
0x95: {  	s3 =	sld [smem:$0x3FFD];
	_ =	sdelay $0x3  }
0x96: {  	_ =	strace s3  }
0x97: {  	_ =	strace $0x8FFFFFFF  }
0x98: {  	s19 =	sld [smem:$0x3FDB];
	_ =	sdelay $0x1  }
0x99: {  	s4 =	simm.s32 $_scs_section_size  }
0x9a: {  	s5 =	simm.s32 $_size__tile_overlayer_lowered;
	s6 =	simm.s32 $_tile_overlayer_lowered  }
0x9b: {  	s22 =	simm.s32 $0x1BFF;
	s21 =	sshll.u32 s6, $0x1;
	s3 =	sadd.s32 s4, s19  }
0x9c: {  	s7 =	simm.s32 $0x0;
	s20 =	sshll.u32 s5, $0x1;
	s5 =	sadd.s32 s21, s3  }
0x9d: {  	[timem:s7], [sflag:s22] =	dma.local [hbm:s5], s20  }
0x9e: {  	_ =	swait.ge [sflag:s22], s20  }
0x9f: {  	s4 =	ssub.s32 $0x0, s20;
	[sflag:s22] =	ssyncset.done $0x0  }
0xa0: {  	[sflag:s22] =	ssyncadd.s32 s4;
	_ =	sdelay $0x1  }
0xa1: {  	s23 =	simm.s32 $0x1B8B  }
0xa2: {  	_ =	swait.ge [sflag:s23], $0x1  }
0xa3: {  	[sflag:s23] =	ssyncset.done $0x0  }
0xa4: {  	s25 =	simm.s32 $0x1B8E;
	s24 =	sld [smem:$0x3FFE];
	[sflag:s23] =	ssyncadd.s32 $0xFFFFFFFF  }
0xa5: {  	s26 =	simm.s32 $execute0_lowered;
	[smem:$0x3FD2] =	sst s25  }
0xa6: {  	s5 =	sshll.u32 s26, $0x1;
	_ =	strace $0x80000046;
	[dreg:$0x1] =	wrdreg $0xFFFFFFFF  }
0xa7: {  	s28 =	simm.s32 $_size_execute0_lowered;
	s3 =	sadd.s32 s3, s5;
	[dreg:$0x0] =	wrdreg $0x0  }
0xa8: {  	s5 =	sshll.u32 s28, $0x1;
	[dreg:$0x2] =	wrdreg s3  }
0xa9: {  	[dreg:$0x3] =	wrdreg s5  }
0xaa: {  	[dreg:$0x4] =	wrdreg $0xC0  }
0xab: {  	_ =	task [dreg:s7], $0x5FFFF  }
0xac: {  	[dreg:$0x1] =	wrdreg $0xFFFFFFFF  }
0xad: {  	[dreg:$0x0] =	wrdreg $0x60  }
0xae: {  	[dreg:$0x2] =	wrdreg s24  }
0xaf: {  	[dreg:$0x3] =	wrdreg s2  }
0xb0: {  	[dreg:$0x4] =	wrdreg $0x9  }
0xb1: {  	_ =	task.clear_ibuf [dreg:s7], $0x5FFFF;
	_ =	strace $0x90000046  }
0xb2: {  	s29 =	simm.s32 $0x9;
	_ =	strace $0x80000048  }
0xb3: {  	_ =	swait.ge [sflag:s29], $0x1  }
0xb4: {  	[sflag:s29] =	ssyncadd.s32 $0xFFFFFFFF  }
0xb5: {  	_ =	strace $0x90000048  }
0xb6: {  	_ =	sfence  }
0xb7: {  	s30 =	sld [smem:$0x0];
	_ =	sdelay $0x2  }
0xb8: {  	s31 =	sshll.u32 s1, $0xD;
	s1 =	sshrl.u32 s1, $0x2  }
0xb9: {  	s3 =	sand.u32 $0x4000, s31;
	s1 =	sadd.s32 s1, s30  }
0xba: {  	s0 =	sor.u32 s3, s0;
	s1 =	sshll.u32 s1, $0x11  }
0xbb: {  	s0 =	sor.u32 s1, s0  }
0xbc: {  	s0 =	sadd.s32 $0x8F2B, s0  }
0xbd: {  	[sflag:s0] =	ssyncadd.remote.s32 $0x1  }
0xbe: {  	_ =	sfence.sel $0xFFFF  }
0xbf: {  	[dreg:$0x0] =	wrdreg $0xFFFFFFFF;
	(pc) =	sbr.abs _section_cstart, $3  }
0xc0: {  	[dreg:$0x1] =	wrdreg $0xFFFFFFFF  }
0xc1: {  	_ =	task.clear_ibuf [dreg:s7], $0x2FFFF;
	_ =	strace $0x9FFFFFFF  }
0xc2: {  	(tm) =	ssettm $0x7FFFFFFF  }
0xc3: {  	_ =	shalt  }
tec
execute0_lowered:
.L_overlay_start_1:
0x0: {  	(tag) =	ssettag $0x1  }
0x1: {  	s0 =	rddreg [dreg:$0x0]  }
0x2: {  	s2 =	simm.s32 $0x0;
	s1 =	srdreg.scid;
	s6 =	stileid.u32  }
0x3: {  	s11 =	simm.s32 $0x184D0;
	s12 =	simm.s32 $0x5;
	s13 =	simm.s32 $0x1  }
0x4: {  	s14 =	simm.s32 $0x10000;
	s16 =	simm.s32 $0x14010;
	s17 =	simm.s32 $0x16010  }
0x5: {  	s18 =	simm.s32 $0x3;
	s19 =	simm.s32 $0x4;
	[smem:$0x7FF] =	sst s2  }
0x6: {  	s4 =	sadd.s32 $0x400, s0;
	s3 =	sadd.s32 $0x6C400, s0;
	s1 =	sand.u32 $0x1, s1  }
0x7: {  	s28 =	sadd.s32 $0x6CC00, s0;
	s5 =	sadd.s32 $0x6CA00, s0;
	_ =	strace $0x80000047  }
.Ltmp0:
0x8: {  	[dreg:$0x3] =	wrdreg s3;
	s29 =	ssub.s32 $0x2, s1;
	(pc) =	sbr.rel .LBB2_1-.Ltmp0, $4  }
0x9: {  	s6 =	sshll.u32 s6, $0x1;
	[dreg:$0x4] =	wrdreg s28;
	s30 =	sshrl.u32 s29, $0x1  }
0xa: {  	s0 =	sadd.s32 $0x6CE00, s0;
	[dreg:$0x5] =	wrdreg s5;
	s31 =	ssub.s32 s29, s30  }
0xb: {  	[dreg:$0x6] =	wrdreg s0;
	s1 =	sor.u32 s1, s6;
	s0 =	smax.u32 s31, $0x1  }
0xc: {  	v0 =	vimm.f32 $0.0e+00;
	s9 =	smul.u32 $0x3, s1;
	s1 =	simm.s32 $0x0;
	[dreg:$0x7] =	wrdreg s0  }
.LBB2_22:
0xd: {  	s1 =	rddreg [dreg:$0x8]  }
0xe: {  	s0 =	rddreg [dreg:$0x7];
	s1 =	sadd.s32 $0x1, s1  }
0xf: {  	p0 =	sne.s32 s1, s0  }
.Ltmp1:
0x10: {  	_ = 	snop;
	(pc) =	sbr.rel @!p0 .LBB2_23-.Ltmp1, $1  }
0x11: {  	_ =	sdelay $0x3  }
.LBB2_1:
0x12: {  	[dreg:$0x8] =	wrdreg s1  }
.Ltmp2:
0x13: {  	s0 =	rddreg [dreg:$0x5];
	(pc) =	sbr.rel .LBB2_2-.Ltmp2, $4  }
0x14: {  	[tilespmem:s11], [sflag:$0x5] =	stream.linear.gather [hbm4b:s0+s2], $0x400, $0x38;
	[tilespmem:$0x188D0] =	vst v63  }
0x15: {  	_ =	swait.ge [sflag:s12], $0x400  }
0x16: {  	[sflag:s12] =	ssyncset.done $0x0  }
0x17: {  	s24 =	simm.s32 $0x0;
	[sflag:s12] =	ssyncadd.s32 $0xFFFFFC00  }
.LBB2_21:
0x18: {  	s24 =	sadd.s32 $0x1, s24  }
0x19: {  	s0 =	sshll.u32 s25, $0xD;
	s1 =	rddreg [dreg:$0x6];
	p0 =	sne.s32 s24, $0x3  }
.Ltmp3:
0x1a: {  	s0 =	sadd.s32 s1, s0;
	(pc) =	sbr.rel @!p0 .LBB2_22-.Ltmp3, $4  }
0x1b: {  	[hbm4b:s0+s2] =	stream.linear.scatter [tilespmem:s2], [sflag:$0x5], $0x10000, $0x38;
	[tilespmem:$0x188D0] =	vst v63  }
0x1c: {  	_ =	swait.ge [sflag:s12], $0x10000  }
0x1d: {  	[sflag:s12] =	ssyncset.done $0x0  }
0x1e: {  	[sflag:s12] =	ssyncadd.s32 $0xFFFF0000  }
.LBB2_2:
0x1f: {  	s25 =	sadd.s32 s9, s24  }
0x20: {  	s0 =	smulhi.u32 $0xAAAAAAAB, s25;
	_ =	sdelay $0x1  }
0x21: {  	s0 =	sshrl.u32 s0, $0x3  }
0x22: {  	s1 =	smul.u32 $0xFFFFFFFA, s0  }
0x23: {  	s3 =	sshrl.u32 s25, $0x1  }
0x24: {  	s28 =	smul.u32 $0x3, s0;
	s26 =	sadd.s32 s3, s1  }
0x25: {  	s1 =	sadd.s32 $0xFFFFFFFD, s26;
	p1 =	slt.s32 s26, $0x4;
	s5 =	smov.u32 s26  }
0x26: {  	p0 =	slt.s32 s26, $0x3;
	s0 =	sshrl.u32 s1, $0x1;
	s5 =	simm.s32 @!p1 $0x4  }
0x27: {  	s29 =	sand.u32 $0x1, s25;
	s0 =	smov.u32 @p0 s26;
	s1 =	sadd.s32 $0xFFFFFFFE, s5  }
0x28: {  	s23 =	sadd.s32 s28, s0;
	s0 =	smul.u32 $0x12000, s29;
	s1 =	smov.u32 @p0 s26  }
0x29: {  	s7 =	simm.s32 $0x180;
	s3 =	smul.u32 $0x24000, s23;
	s1 =	sadd.s32 s28, s1  }
0x2a: {  	s7 =	simm.s32 @!p0 $0x0;
	s10 =	smul.u32 $0x24000, s1  }
0x2b: {  	s6 =	sor.u32 s0, s7;
	s30 =	sadd.s32 s0, s3  }
0x2c: {  	s5 =	sshrl.u32 s30, $0x3;
	s1 =	sadd.s32 s6, s10  }
0x2d: {  	s5 =	sadd.s32 s4, s5;
	s1 =	sshrl.u32 s1, $0x3  }
0x2e: {  	[tilespmem:s14], [sflag:$0x1] =	stream.linear.gather [hbm4b:s5+s2], $0x2000, $0x38;
	[tilespmem:$0x188D0] =	vst v63  }
0x2f: {  	s31 =	simm.s32 $0x12000;
	s1 =	sadd.s32 s4, s1  }
0x30: {  	[tilespmem:s31], [sflag:$0x2] =	stream.linear.gather [hbm4b:s1+s2], $0x2000, $0x38;
	[tilespmem:$0x188D0] =	vst v63  }
0x31: {  	s1 =	sadd.s32 @p0 s10, s6  }
0x32: {  	s1 =	sadd.s32 @p0 $0x2000, s1  }
0x33: {  	s1 =	sshrl.u32 @p0 s1, $0x3  }
0x34: {  	s5 =	simm.s32 @p0 $0x0;
	s6 =	simm.s32 @p0 $0x14000;
	s1 =	sadd.s32 @p0 s4, s1  }
0x35: {  	[tilespmem:s6], [sflag:$0x2] =	stream.linear.gather @p0 [hbm4b:s1+s5], $0x10, $0x38;
	[tilespmem:$0x188D0] =	vst v63  }
0x36: {  	s1 =	simm.s32 $0x40  }
0x37: {  	[tilespmem:s1+$0xFFFFFFC0] =	vst v0  }
0x38: {  	[tilespmem:s1+$0x30] =	vst v0  }
0x39: {  	[tilespmem:s1+$0x20] =	vst v0  }
0x3a: {  	[tilespmem:s1+$0x10] =	vst v0  }
0x3b: {  	p6 =	seq.s32 s29, $0x1;
	[tilespmem:s1+$0x0] =	vst v0  }
0x3c: {  	p1 =	por !p0, !p6;
	s23 =	simm.s32 $0x1;
	[tilespmem:s1+$0xFFFFFFF0] =	vst v0  }
0x3d: {  	s23 =	simm.s32 @!p0 $0x0;
	p0 =	por !p1, !p1;
	s5 =	simm.s32 $0x0;
	[tilespmem:s1+$0xFFFFFFE0] =	vst v0  }
.LBB2_3:
0x3e: {  	s5 =	sadd.s32 $0x8, s5;
	[tilespmem:s1+$0xFFFFFFD0] =	vst v0;
	s1 =	sadd.s32 $0x80, s1  }
0x3f: {  	[tilespmem:s1+$0xFFFFFFC0] =	vst v0;
	p1 =	slt.u32 s5, $0xFF8  }
0x40: {  	[tilespmem:s1+$0x30] =	vst v0  }
.Ltmp4:
0x41: {  	[tilespmem:s1+$0x20] =	vst v0;
	(pc) =	sbr.rel @p1 .LBB2_3-.Ltmp4, $4  }
0x42: {  	[tilespmem:s1+$0x10] =	vst v0  }
0x43: {  	[tilespmem:s1+$0x0] =	vst v0  }
0x44: {  	[tilespmem:s1+$0xFFFFFFF0] =	vst v0  }
0x45: {  	[tilespmem:s1+$0xFFFFFFE0] =	vst v0  }
0x46: {  	[tilespmem:s1+$0xFFFFFFD0] =	vst v0;
	s1 =	sadd.s32 $0x2000, s0  }
0x47: {  	s20 =	sor.u32 $0x2000, s10;
	s31 =	sor.u32 $0x12000, s23;
	s30 =	sor.u32 $0x12040, s23  }
0x48: {  	s21 =	sor.u32 $0x16050, s23;
	s22 =	simm.s32 $0x0;
	p1 =	sgt.s32 s26, $0x2  }
.LBB2_5:
0x49: {  	s5 =	sshll.u32 s22, $0xE  }
0x4a: {  	s5 =	sadd.s32 s5, s1  }
0x4b: {  	s6 =	sadd.s32 s3, s5  }
0x4c: {  	s5 =	sor.u32 s7, s5;
	s6 =	sshrl.u32 s6, $0x3  }
0x4d: {  	s15 =	sadd.s32 s10, s5;
	s6 =	sadd.s32 s4, s6  }
0x4e: {  	[tilespmem:s16], [sflag:$0x3] =	stream.linear.gather [hbm4b:s6+s2], $0x2000, $0x38;
	[tilespmem:$0x188D0] =	vst v63  }
0x4f: {  	s6 =	sshrl.u32 s15, $0x3  }
0x50: {  	s6 =	sadd.s32 s4, s6  }
0x51: {  	[tilespmem:s17], [sflag:$0x4] =	stream.linear.gather [hbm4b:s6+s2], $0x2000, $0x38;
	[tilespmem:$0x188D0] =	vst v63  }
0x52: {  	s6 =	simm.s32 @p1 $0x1  }
0x53: {  	_ =	swait.ge @p1 [sflag:s6], $0x2000  }
0x54: {  	[sflag:s6] =	ssyncset.done @p1 $0x0  }
0x55: {  	[sflag:s6] =	ssyncadd.s32 @p1 $0xFFFFE000;
	s6 =	simm.s32 @p1 $0x2  }
0x56: {  	s5 =	sadd.s32 @!p1 s5, s20;
	_ =	swait.ge @p1 [sflag:s6], $0x2000  }
0x57: {  	s8 =	simm.s32 @!p1 $0x18010;
	s5 =	sshrl.u32 @!p1 s5, $0x3;
	[sflag:s6] =	ssyncset.done @p1 $0x0  }
0x58: {  	s5 =	sadd.s32 @!p1 s4, s5;
	[sflag:s6] =	ssyncadd.s32 @p1 $0xFFFFE000;
	s6 =	simm.s32 @!p1 $0x0  }
0x59: {  	[tilespmem:s8], [sflag:$0x4] =	stream.linear.gather @!p1 [hbm4b:s5+s6], $0x10, $0x38;
	[tilespmem:$0x188D0] =	vst v63  }
0x5a: {  	s5 =	simm.s32 @!p1 $0x1  }
0x5b: {  	_ =	swait.ge @!p1 [sflag:s5], $0x2000  }
0x5c: {  	[sflag:s5] =	ssyncset.done @!p1 $0x0  }
0x5d: {  	[sflag:s5] =	ssyncadd.s32 @!p1 $0xFFFFE000;
	s5 =	simm.s32 @!p1 $0x2  }
0x5e: {  	_ =	swait.ge @!p1 [sflag:s5], $0x2000  }
0x5f: {  	[sflag:s5] =	ssyncset.done @!p1 $0x0  }
0x60: {  	[sflag:s5] =	ssyncadd.s32 @!p1 $0xFFFFE000  }
0x61: {  	_ =	swait.ge @!p1 [sflag:s5], $0x10  }
0x62: {  	[sflag:s5] =	ssyncset.done @!p1 $0x0  }
0x63: {  	[sflag:s5] =	ssyncadd.s32 @!p1 $0xFFFFFFF0  }
0x64: {  	s15 =	simm.s32 $0x10040;
	v1 =	vld [tilespmem:s30+$0x30]  }
0x65: {  	v2 =	vld [tilespmem:s15+$0x20]  }
0x66: {  	v3 =	vld [tilespmem:s15+$0x30]  }
0x67: {  	v4 =	vld [tilespmem:s30+$0x20]  }
0x68: {  	v5 =	vld [tilespmem:s30+$0x10]  }
0x69: {  	v6 =	vld [tilespmem:s15+$0xFFFFFFC0]  }
0x6a: {  	v7 =	vld [tilespmem:s15+$0x10]  }
0x6b: {  	v8 =	vld [tilespmem:s30+$0x0]  }
0x6c: {  	v9 =	vld [tilespmem:s15+$0x0]  }
0x6d: {  	v10 =	vld [tilespmem:s30+$0xFFFFFFF0]  }
0x6e: {  	v11 =	vld [tilespmem:s15+$0xFFFFFFF0];
	v1 =	vmul.f32 $2.611200000e+05, v1  }
0x6f: {  	v14 =	vld [tilespmem:s15+$0xFFFFFFE0];
	v3 =	vmul.f32 $2.611200000e+05, v3;
	v4 =	vmul.f32 $2.611200000e+05, v4  }
0x70: {  	v2 =	vmul.f32 $2.611200000e+05, v2;
	v5 =	vmul.f32 $2.611200000e+05, v5  }
0x71: {  	v6 =	vmul.f32 $2.611200000e+05, v6;
	v7 =	vmul.f32 $2.611200000e+05, v7  }
0x72: {  	v15 =	vmul.f32 $2.611200000e+05, v8;
	v9 =	vmul.f32 $2.611200000e+05, v9  }
0x73: {  	v10 =	vmul.f32 $2.611200000e+05, v10;
	v11 =	vmul.f32 $2.611200000e+05, v11  }
0x74: {  	v14 =	vmul.f32 $2.611200000e+05, v14;
	v1 =	vtrunc.f32 v1  }
0x75: {  	v3 =	vtrunc.f32 v3;
	v4 =	vtrunc.f32 v4  }
0x76: {  	v2 =	vtrunc.f32 v2;
	v5 =	vtrunc.f32 v5  }
0x77: {  	v16 =	vld [tilespmem:s15+$0xFFFFFFD0];
	v6 =	vtrunc.f32 v6;
	v23 =	vtrunc.f32 v7  }
0x78: {  	v19 =	vld [tilespmem:s30+$0xFFFFFFC0];
	v15 =	vtrunc.f32 v15;
	v9 =	vtrunc.f32 v9  }
0x79: {  	v30 =	vtrunc.f32 v11;
	v1 =	vcvt.f32.s32 v1  }
0x7a: {  	v3 =	vcvt.f32.s32 v3;
	v4 =	vcvt.f32.s32 v4  }
0x7b: {  	v12 =	vld [tilespmem:s30+$0xFFFFFFE0];
	v2 =	vcvt.f32.s32 v2;
	v21 =	vcvt.f32.s32 v5  }
0x7c: {  	v5 =	vmul.f32 $2.611200000e+05, v16;
	v7 =	vcvt.f32.s32 v6  }
0x7d: {  	v6 =	vmul.f32 $2.611200000e+05, v19;
	v26 =	vcvt.f32.s32 v9  }
0x7e: {  	v32 =	vcvt.f32.s32 v15;
	v34 =	vcvt.f32.s32 v23  }
0x7f: {  	v30 =	vcvt.f32.s32 v30;
	v13 =	vand.u32 $0x3FF, v1;
	v8 =	vshra.s32 v1, $0xA  }
0x80: {  	v17 =	vand.u32 $0x3FF, v3;
	v1 =	vshra.s32 v3, $0x2;
	v3 =	vmul.f32 $2.611200000e+05, v12  }
0x81: {  	v18 =	vand.u32 $0x3FF, v4;
	v12 =	vand.u32 $0x3FF, v2;
	v5 =	vtrunc.f32 v5  }
0x82: {  	v2 =	vshra.s32 v2, $0x2;
	v6 =	vtrunc.f32 v6;
	v20 =	vtrunc.f32 v3  }
0x83: {  	v25 =	vand.u32 $0x3FF, v7;
	v7 =	vshra.s32 v7, $0x2;
	v24 =	vcvt.f32.s32 v20  }
0x84: {  	v9 =	vld [tilespmem:s30+$0xFFFFFFD0];
	v31 =	vand.u32 $0x3FF, v32;
	v44 =	vand.u32 $0x3FF, v26;
	v42 =	vshra.s32 v26, $0x2  }
0x85: {  	v27 =	vcvt.f32.s32 v6;
	v6 =	vtrunc.f32 v10;
	v19 =	vand.u32 $0x3FF, v24;
	v22 =	vld.idx.msk [tilespmem:v17+s11+$0x0], $0xffff  }
0x86: {  	v41 =	vand.u32 $0x3FF, v30;
	v10 =	vtrunc.f32 v14;
	v28 =	vcvt.f32.s32 v6;
	v6 =	vld.idx.msk [tilespmem:v13+s11+$0x0], $0xffff  }
0x87: {  	v39 =	vshra.s32 v30, $0x2;
	v14 =	vand.u32 $0x3FF, v27;
	v20 =	vcvt.f32.s32 v10;
	v10 =	vld.idx.msk [tilespmem:v12+s11+$0x0], $0xffff  }
0x88: {  	v1 =	vand.u32 $0xFFFFFF00, v1;
	v2 =	vand.u32 $0xFFFFFF00, v2;
	v15 =	vand.u32 $0x3FF, v28;
	v25 =	vld.idx.msk [tilespmem:v25+s11+$0x0], $0xffff  }
0x89: {  	v29 =	vcvt.f32.s32 v5;
	v36 =	vmul.f32 $2.611200000e+05, v9;
	v17 =	vand.u32 $0x3FF, v21;
	v9 =	vld.idx.msk [tilespmem:v31+s11+$0x0], $0xffff  }
0x8a: {  	v12 =	vand.u32 $0xFFFFFF00, v7;
	v7 =	vshra.s32 v4, $0xA;
	v5 =	vld.idx.msk [tilespmem:v19+s11+$0x0], $0xffff;
	v19 =	vand.u32 $0x3FF, v20  }
0x8b: {  	v1 =	vadd.s32 v8, v1;
	v4 =	vadd.s32 v7, v2;
	v40 =	vand.u32 $0x7, v7;
	v7 =	vld.idx.msk [tilespmem:v18+s11+$0x0], $0xffff  }
0x8c: {  	v3 =	vand.u32 $0xFFFFFFF8, v1;
	v33 =	vand.u32 $0x3FF, v29;
	v2 =	vshra.s32 v29, $0x2;
	v43 =	vld.idx.msk [tilespmem:v14+s11+$0x0], $0xffff  }
0x8d: {  	v16 =	vadd.s32 $0x1, v1;
	v23 =	vand.u32 $0xFFFFFF00, v2;
	v2 =	vld.idx.msk [tilespmem:v15+s11+$0x0], $0xffff;
	v15 =	vshra.s32 v27, $0xA  }
0x8e: {  	v37 =	vshra.s32 v28, $0xA;
	v24 =	vshra.s32 v24, $0xA;
	v31 =	vadd.s32 v15, v12;
	v29 =	vld.idx.msk [tilespmem:v17+s11+$0x0], $0xffff  }
0x8f: {  	v27 =	vand.u32 $0xFFFFFFF8, v4;
	v13 =	vmul.f32 v6, v22;
	v14 =	vld.idx.msk [tilespmem:v19+s11+$0x0], $0xffff;
	v19 =	vand.u32 $0x3FF, v34  }
0x90: {  	v15 =	vand.u32 $0x7, v15;
	v30 =	vor.u32 v40, v27;
	v40 =	vld.idx.msk [tilespmem:v44+s11+$0x0], $0xffff;
	v26 =	vand.u32 $0xFFFFFFF8, v31  }
0x91: {  	v17 =	vshra.s32 v34, $0x2;
	v26 =	vor.u32 v15, v26;
	v15 =	vld.idx.msk [tilespmem:v33+s11+$0x0], $0xffff;
	v33 =	vmul.f32 v43, v25  }
0x92: {  	v18 =	vand.u32 $0x7, v24;
	v11 =	vsub.f32 $1.000000000e+00, v6;
	v38 =	vand.u32 $0xFFFFFF00, v17;
	[tilespmem:v1+s2+$0x0] =	vst.idx.add.f32.msk $0xffff, v13  }
0x93: {  	v17 =	vand.u32 $0x7, v37;
	v27 =	vadd.s32 $0x100, v26;
	v12 =	vsub.f32 $1.000000000e+00, v5;
	[tilespmem:v31+s2+$0x0] =	vst.idx.add.f32.msk $0xffff, v33  }
0x94: {  	s6 =	simm.s32 $0x0;
	s8 =	sadd.s32 $0x80, s30;
	s5 =	sshll.u32 s22, $0x1;
	v34 =	vsub.f32 $1.000000000e+00, v43;
	v28 =	vsub.f32 v43, v33;
	v35 =	vld.idx.msk [tilespmem:v19+s11+$0x0], $0xffff;
	v19 =	vmul.f32 v5, v14  }
.LBB2_6:
0x95: {  	v26 =	vld [tilespmem:s8+$0x10];
	s6 =	sadd.s32 $0x8, s6;
	v43 =	vsub.f32 v25, v33;
	v44 =	vand.u32 $0x7, v8;
	s15 =	sadd.s32 $0x80, s15  }
0x96: {  	v33 =	vadd.s32 $0x101, v31;
	v36 =	vtrunc.f32 v36;
	v45 =	vsub.f32 $1.000000000e+00, v2;
	v25 =	vld [tilespmem:s8+$0x0];
	p2 =	slt.u32 s6, $0x1F8  }
0x97: {  	v46 =	vshra.s32 v32, $0xA;
	v32 =	vand.u32 $0xFFFFFF00, v42;
	v42 =	vshra.s32 v21, $0xA;
	v8 =	vld [tilespmem:s15+$0x10]  }
0x98: {  	v47 =	vcvt.f32.s32 v36;
	v32 =	vadd.s32 v46, v32;
	v48 =	vand.u32 $0x7, v42;
	v41 =	vld.idx.msk [tilespmem:v41+s11+$0x0], $0xffff  }
0x99: {  	v51 =	vsub.f32 $1.000000000e+00, v29;
	v52 =	vsub.f32 v22, v13;
	v50 =	vand.u32 $0xFFFFFFF8, v32;
	v49 =	vld [tilespmem:s8+$0x30]  }
0x9a: {  	v53 =	vsub.f32 v34, v43;
	v34 =	vand.u32 $0xFFFFFF00, v39;
	v54 =	vand.u32 $0x3FF, v47;
	v21 =	vld [tilespmem:s15+$0xFFFFFFF0]  }
0x9b: {  	v39 =	vadd.s32 $0x1, v31;
	v34 =	vadd.s32 v37, v34;
	v37 =	vmul.f32 v7, v10;
	v22 =	vld [tilespmem:s8+$0xFFFFFFF0]  }
0x9c: {  	v57 =	vmul.f32 v29, v35;
	v56 =	vmul.f32 v9, v40;
	v55 =	vadd.s32 $0x1, v34;
	v31 =	vld [tilespmem:s15+$0x20]  }
0x9d: {  	v58 =	vsub.f32 $1.000000000e+00, v9;
	v46 =	vand.u32 $0x7, v46;
	v38 =	vadd.s32 v42, v38;
	v36 =	vld [tilespmem:s8+$0x20]  }
0x9e: {  	v42 =	vshra.s32 v47, $0xA;
	v29 =	vsub.f32 v29, v57;
	v40 =	vsub.f32 v40, v56;
	[tilespmem:v16+s2+$0x0] =	vst.idx.add.f32.msk $0xffff, v52  }
0x9f: {  	v47 =	vand.u32 $0xFFFFFFF8, v38;
	v16 =	vadd.s32 v42, v23;
	v23 =	vadd.s32 $0x1, v32;
	[tilespmem:v4+s2+$0x0] =	vst.idx.add.f32.msk $0xffff, v37  }
0xa0: {  	v20 =	vshra.s32 v20, $0x2;
	[tilespmem:v39+s2+$0x0] =	vst.idx.add.f32.msk $0xffff, v43;
	v39 =	vand.u32 $0xFFFFFFF8, v16;
	v43 =	vsub.f32 v58, v40  }
0xa1: {  	v20 =	vand.u32 $0xFFFFFF00, v20;
	v47 =	vor.u32 v48, v47;
	v42 =	vand.u32 $0x7, v42;
	[tilespmem:v32+s2+$0x0] =	vst.idx.add.f32.msk $0xffff, v56  }
0xa2: {  	v20 =	vadd.s32 v24, v20;
	v24 =	vadd.s32 $0x1, v38;
	v47 =	vadd.s32 $0x100, v47;
	[tilespmem:v38+s2+$0x0] =	vst.idx.add.f32.msk $0xffff, v57  }
0xa3: {  	v35 =	vsub.f32 v35, v57;
	v49 =	vmul.f32 $2.611200000e+05, v49;
	v58 =	vand.u32 $0xFFFFFFF8, v20;
	v48 =	vld [tilespmem:s15+$0x0]  }
0xa4: {  	v10 =	vsub.f32 v10, v37;
	v39 =	vor.u32 v42, v39;
	v18 =	vor.u32 v18, v58;
	v54 =	vld.idx.msk [tilespmem:v54+s11+$0x0], $0xffff  }
0xa5: {  	v3 =	vor.u32 v44, v3;
	v42 =	vtrunc.f32 v49;
	[tilespmem:v23+s2+$0x0] =	vst.idx.add.f32.msk $0xffff, v40;
	v23 =	vsub.f32 $1.000000000e+00, v7  }
0xa6: {  	v30 =	vadd.s32 $0x100, v30;
	v44 =	vadd.s32 $0x1, v4;
	v18 =	vadd.s32 $0x100, v18;
	v40 =	vld [tilespmem:s15+$0xFFFFFFC0]  }
0xa7: {  	v49 =	vadd.s32 $0x101, v20;
	v7 =	vsub.f32 v7, v37;
	[tilespmem:v24+s2+$0x0] =	vst.idx.add.f32.msk $0xffff, v35;
	v23 =	vsub.f32 v23, v10  }
0xa8: {  	v14 =	vsub.f32 v14, v19;
	v11 =	vsub.f32 v11, v52;
	v24 =	vcvt.f32.s32 v42;
	[tilespmem:v47+s2+$0x0] =	vst.idx.add.f32.msk $0xffff, v29  }
0xa9: {  	v5 =	vsub.f32 v5, v19;
	v6 =	vsub.f32 v6, v13;
	v37 =	vadd.s32 $0x101, v4;
	v29 =	vld [tilespmem:s15+$0x30]  }
0xaa: {  	v12 =	vsub.f32 v12, v14;
	v3 =	vadd.s32 $0x100, v3;
	v4 =	vand.u32 $0x3FF, v24;
	[tilespmem:v27+s2+$0x0] =	vst.idx.add.f32.msk $0xffff, v28  }
0xab: {  	v13 =	vadd.s32 $0x1, v20;
	v27 =	vor.u32 v46, v50;
	v28 =	vsub.f32 v51, v35;
	[tilespmem:v44+s2+$0x0] =	vst.idx.add.f32.msk $0xffff, v10  }
0xac: {  	v10 =	vmul.f32 v2, v41;
	[tilespmem:v20+s2+$0x0] =	vst.idx.add.f32.msk $0xffff, v19;
	v19 =	vand.u32 $0xFFFFFFF8, v34;
	v20 =	vadd.s32 $0x100, v27  }
0xad: {  	v9 =	vsub.f32 v9, v56;
	v17 =	vor.u32 v17, v19;
	v19 =	vadd.s32 $0x101, v38;
	[tilespmem:v30+s2+$0x0] =	vst.idx.add.f32.msk $0xffff, v7  }
0xae: {  	v27 =	vadd.s32 $0x100, v39;
	v7 =	vadd.s32 $0x1, v16;
	v30 =	vsub.f32 v41, v10;
	[tilespmem:v34+s2+$0x0] =	vst.idx.add.f32.msk $0xffff, v10  }
0xaf: {  	v35 =	vmul.f32 v54, v15;
	v2 =	vsub.f32 v2, v10;
	[tilespmem:v3+s2+$0x0] =	vst.idx.add.f32.msk $0xffff, v6  }
0xb0: {  	v3 =	vsub.f32 $1.000000000e+00, v54;
	v6 =	vsub.f32 v45, v30;
	[tilespmem:v55+s2+$0x0] =	vst.idx.add.f32.msk $0xffff, v30  }
0xb1: {  	v1 =	vadd.s32 $0x101, v1;
	v10 =	vsub.f32 v15, v35;
	[tilespmem:v20+s2+$0x0] =	vst.idx.add.f32.msk $0xffff, v9  }
0xb2: {  	v9 =	vsub.f32 v54, v35;
	[tilespmem:v16+s2+$0x0] =	vst.idx.add.f32.msk $0xffff, v35  }
0xb3: {  	v15 =	vadd.s32 $0x101, v16;
	v3 =	vsub.f32 v3, v10;
	[tilespmem:v33+s2+$0x0] =	vst.idx.add.f32.msk $0xffff, v53  }
0xb4: {  	[tilespmem:v19+s2+$0x0] =	vst.idx.add.f32.msk $0xffff, v28  }
0xb5: {  	[tilespmem:v7+s2+$0x0] =	vst.idx.add.f32.msk $0xffff, v10;
	v7 =	vadd.s32 $0x100, v17  }
0xb6: {  	[tilespmem:v1+s2+$0x0] =	vst.idx.add.f32.msk $0xffff, v11  }
0xb7: {  	v1 =	vadd.s32 $0x101, v32;
	[tilespmem:v27+s2+$0x0] =	vst.idx.add.f32.msk $0xffff, v9  }
0xb8: {  	[tilespmem:v13+s2+$0x0] =	vst.idx.add.f32.msk $0xffff, v14  }
0xb9: {  	[tilespmem:v18+s2+$0x0] =	vst.idx.add.f32.msk $0xffff, v5;
	v5 =	vadd.s32 $0x101, v34  }
0xba: {  	[tilespmem:v7+s2+$0x0] =	vst.idx.add.f32.msk $0xffff, v2  }
0xbb: {  	v2 =	vmul.f32 $2.611200000e+05, v29;
	[tilespmem:v15+s2+$0x0] =	vst.idx.add.f32.msk $0xffff, v3  }
0xbc: {  	v3 =	vmul.f32 $2.611200000e+05, v36;
	[tilespmem:v37+s2+$0x0] =	vst.idx.add.f32.msk $0xffff, v23  }
0xbd: {  	v7 =	vmul.f32 $2.611200000e+05, v31;
	v2 =	vtrunc.f32 v2;
	[tilespmem:v1+s2+$0x0] =	vst.idx.add.f32.msk $0xffff, v43  }
0xbe: {  	v1 =	vmul.f32 $2.611200000e+05, v26;
	v3 =	vtrunc.f32 v3;
	[tilespmem:v49+s2+$0x0] =	vst.idx.add.f32.msk $0xffff, v12  }
0xbf: {  	v9 =	vmul.f32 $2.611200000e+05, v40;
	v2 =	vcvt.f32.s32 v2;
	[tilespmem:v5+s2+$0x0] =	vst.idx.add.f32.msk $0xffff, v6  }
0xc0: {  	v7 =	vtrunc.f32 v7;
	v6 =	vmul.f32 $2.611200000e+05, v8;
	v8 =	vshra.s32 v24, $0xA;
	v5 =	vld [tilespmem:s8+$0xFFFFFFE0]  }
0xc1: {  	v11 =	vmul.f32 $2.611200000e+05, v25;
	v12 =	vcvt.f32.s32 v3;
	v3 =	vand.u32 $0x3FF, v2;
	v10 =	vld [tilespmem:s15+$0xFFFFFFE0]  }
0xc2: {  	v14 =	vmul.f32 $2.611200000e+05, v48;
	v15 =	vtrunc.f32 v1;
	v1 =	vshra.s32 v2, $0x2;
	v13 =	vld [tilespmem:s8+$0xFFFFFFD0]  }
0xc3: {  	v17 =	vmul.f32 $2.611200000e+05, v22;
	v7 =	vcvt.f32.s32 v7;
	v18 =	vand.u32 $0x3FF, v12;
	v2 =	vld [tilespmem:s15+$0xFFFFFFD0]  }
0xc4: {  	v9 =	vtrunc.f32 v9;
	v23 =	vmul.f32 $2.611200000e+05, v21;
	v1 =	vand.u32 $0xFFFFFF00, v1;
	v19 =	vld [tilespmem:s8+$0xFFFFFFC0]  }
0xc5: {  	v20 =	vand.u32 $0x3FF, v7;
	v1 =	vadd.s32 v8, v1;
	v5 =	vmul.f32 $2.611200000e+05, v5  }
0xc6: {  	v7 =	vshra.s32 v7, $0x2;
	v24 =	vmul.f32 $2.611200000e+05, v10;
	v22 =	vld.idx.msk [tilespmem:v3+s11+$0x0], $0xffff;
	v3 =	vand.u32 $0xFFFFFFF8, v1  }
0xc7: {  	v21 =	vcvt.f32.s32 v15;
	v7 =	vand.u32 $0xFFFFFF00, v7;
	v5 =	vtrunc.f32 v5  }
0xc8: {  	v15 =	vtrunc.f32 v6;
	v2 =	vmul.f32 $2.611200000e+05, v2  }
0xc9: {  	v9 =	vcvt.f32.s32 v9;
	v16 =	vadd.s32 $0x1, v1;
	v26 =	vcvt.f32.s32 v5  }
0xca: {  	v11 =	vtrunc.f32 v11;
	v5 =	vmul.f32 $2.611200000e+05, v19;
	v19 =	vand.u32 $0x3FF, v21;
	v10 =	vld.idx.msk [tilespmem:v20+s11+$0x0], $0xffff  }
0xcb: {  	v25 =	vand.u32 $0x3FF, v9;
	v6 =	vtrunc.f32 v14;
	v2 =	vtrunc.f32 v2  }
0xcc: {  	v27 =	vcvt.f32.s32 v6;
	v14 =	vand.u32 $0x3FF, v26;
	v5 =	vtrunc.f32 v5;
	v6 =	vld.idx.msk [tilespmem:v4+s11+$0x0], $0xffff  }
0xcd: {  	v28 =	vcvt.f32.s32 v5;
	v4 =	vshra.s32 v9, $0x2;
	v5 =	vtrunc.f32 v17  }
0xce: {  	v12 =	vshra.s32 v12, $0xA;
	v9 =	vand.u32 $0xFFFFFF00, v4;
	v4 =	vtrunc.f32 v24  }
0xcf: {  	v2 =	vcvt.f32.s32 v2;
	v30 =	vcvt.f32.s32 v5;
	v17 =	vand.u32 $0x3FF, v28  }
0xd0: {  	v32 =	vcvt.f32.s32 v11;
	v20 =	vcvt.f32.s32 v4;
	v4 =	vadd.s32 v12, v7  }
0xd1: {  	v29 =	vand.u32 $0x3FF, v30;
	v5 =	vld.idx.msk [tilespmem:v14+s11+$0x0], $0xffff;
	v14 =	vtrunc.f32 v23  }
0xd2: {  	v36 =	vmul.f32 $2.611200000e+05, v13;
	v31 =	vand.u32 $0x3FF, v20;
	v23 =	vshra.s32 v2, $0x2  }
0xd3: {  	v33 =	vand.u32 $0x3FF, v32;
	v35 =	vand.u32 $0x7, v12;
	v13 =	vmul.f32 v6, v22;
	v25 =	vld.idx.msk [tilespmem:v25+s11+$0x0], $0xffff  }
0xd4: {  	v39 =	vand.u32 $0x3FF, v2;
	v24 =	vshra.s32 v26, $0xA;
	v11 =	vsub.f32 $1.000000000e+00, v6;
	v7 =	vld.idx.msk [tilespmem:v18+s11+$0x0], $0xffff  }
0xd5: {  	v12 =	vcvt.f32.s32 v15;
	v23 =	vand.u32 $0xFFFFFF00, v23;
	v26 =	vld.idx.msk [tilespmem:v17+s11+$0x0], $0xffff;
	v17 =	vcvt.f32.s32 v14  }
0xd6: {  	v15 =	vshra.s32 v28, $0xA;
	v28 =	vand.u32 $0xFFFFFFF8, v4;
	v18 =	vand.u32 $0x7, v24;
	v2 =	vld.idx.msk [tilespmem:v29+s11+$0x0], $0xffff  }
0xd7: {  	v40 =	vand.u32 $0x3FF, v27;
	v42 =	vshra.s32 v27, $0x2;
	v27 =	vand.u32 $0x3FF, v12;
	v14 =	vld.idx.msk [tilespmem:v31+s11+$0x0], $0xffff  }
0xd8: {  	v31 =	vadd.s32 v15, v9;
	v41 =	vand.u32 $0x3FF, v17;
	v9 =	vld.idx.msk [tilespmem:v33+s11+$0x0], $0xffff;
	v33 =	vshra.s32 v12, $0x2  }
0xd9: {  	v15 =	vand.u32 $0x7, v15;
	v34 =	vand.u32 $0xFFFFFFF8, v31;
	v12 =	vsub.f32 $1.000000000e+00, v5;
	v29 =	vld.idx.msk [tilespmem:v19+s11+$0x0], $0xffff  }
.Ltmp5:
0xda: {  	v37 =	vshra.s32 v30, $0xA;
	v19 =	vor.u32 v15, v34;
	v38 =	vand.u32 $0xFFFFFF00, v33;
	[tilespmem:v1+s2+$0x0] =	vst.idx.add.f32.msk $0xffff, v13;
	(pc) =	sbr.rel @p2 .LBB2_6-.Ltmp5, $4  }
0xdb: {  	v30 =	vor.u32 v35, v28;
	v34 =	vsub.f32 $1.000000000e+00, v26;
	v15 =	vld.idx.msk [tilespmem:v39+s11+$0x0], $0xffff;
	v39 =	vshra.s32 v17, $0x2  }
0xdc: {  	v33 =	vmul.f32 v26, v25;
	v17 =	vand.u32 $0x7, v37;
	v35 =	vld.idx.msk [tilespmem:v27+s11+$0x0], $0xffff  }
0xdd: {  	v27 =	vadd.s32 $0x100, v19;
	v19 =	vmul.f32 v5, v14;
	v40 =	vld.idx.msk [tilespmem:v40+s11+$0x0], $0xffff  }
0xde: {  	s8 =	sadd.s32 $0x80, s8;
	v28 =	vsub.f32 v26, v33;
	[tilespmem:v31+s2+$0x0] =	vst.idx.add.f32.msk $0xffff, v33  }
0xdf: {  	_ =	sdelay $0x1  }
0xe0: {  	v26 =	vtrunc.f32 v36;
	v32 =	vshra.s32 v32, $0xA;
	v55 =	vadd.s32 $0x1, v31  }
0xe1: {  	v54 =	vand.u32 $0xFFFFFF00, v42;
	v22 =	vsub.f32 v22, v13;
	v58 =	vadd.s32 $0x1, v4  }
0xe2: {  	v21 =	vshra.s32 v21, $0xA;
	v41 =	vld.idx.msk [tilespmem:v41+s11+$0x0], $0xffff;
	v43 =	vmul.f32 v7, v10;
	v36 =	vadd.s32 v32, v54  }
0xe3: {  	v25 =	vsub.f32 v25, v33;
	v20 =	vshra.s32 v20, $0x2;
	v38 =	vadd.s32 v21, v38;
	[tilespmem:v16+s2+$0x0] =	vst.idx.add.f32.msk $0xffff, v22  }
0xe4: {  	v8 =	vand.u32 $0x7, v8;
	v26 =	vcvt.f32.s32 v26;
	[tilespmem:v4+s2+$0x0] =	vst.idx.add.f32.msk $0xffff, v43;
	v10 =	vsub.f32 v10, v43  }
0xe5: {  	v21 =	vand.u32 $0x7, v21;
	v44 =	vadd.s32 $0x1, v36;
	v16 =	vmul.f32 v9, v40;
	[tilespmem:v55+s2+$0x0] =	vst.idx.add.f32.msk $0xffff, v25  }
0xe6: {  	v45 =	vand.u32 $0xFFFFFFF8, v38;
	v46 =	vmul.f32 v29, v35;
	v57 =	vadd.s32 $0x1, v38;
	[tilespmem:v58+s2+$0x0] =	vst.idx.add.f32.msk $0xffff, v10  }
0xe7: {  	v20 =	vand.u32 $0xFFFFFF00, v20;
	v56 =	vand.u32 $0x3FF, v26;
	v21 =	vor.u32 v21, v45;
	[tilespmem:v36+s2+$0x0] =	vst.idx.add.f32.msk $0xffff, v16  }
0xe8: {  	v3 =	vor.u32 v8, v3;
	v21 =	vadd.s32 $0x100, v21;
	v40 =	vsub.f32 v40, v16;
	[tilespmem:v38+s2+$0x0] =	vst.idx.add.f32.msk $0xffff, v46  }
0xe9: {  	v20 =	vadd.s32 v24, v20;
	v35 =	vsub.f32 v35, v46;
	[tilespmem:v27+s2+$0x0] =	vst.idx.add.f32.msk $0xffff, v28  }
0xea: {  	v39 =	vand.u32 $0xFFFFFF00, v39;
	v3 =	vadd.s32 $0x100, v3;
	[tilespmem:v44+s2+$0x0] =	vst.idx.add.f32.msk $0xffff, v40  }
0xeb: {  	v6 =	vsub.f32 v6, v13;
	v13 =	vadd.s32 $0x101, v31;
	v46 =	vsub.f32 v29, v46;
	[tilespmem:v57+s2+$0x0] =	vst.idx.add.f32.msk $0xffff, v35  }
0xec: {  	v30 =	vadd.s32 $0x100, v30;
	v24 =	vadd.s32 v37, v39;
	v33 =	vld.idx.msk [tilespmem:v56+s11+$0x0], $0xffff  }
0xed: {  	v8 =	vand.u32 $0xFFFFFFF8, v36;
	v25 =	vsub.f32 v34, v25;
	[tilespmem:v21+s2+$0x0] =	vst.idx.add.f32.msk $0xffff, v46;
	v21 =	vand.u32 $0x7, v32  }
0xee: {  	v27 =	vadd.s32 $0x1, v24;
	v28 =	vsub.f32 v7, v43;
	[tilespmem:v20+s2+$0x0] =	vst.idx.add.f32.msk $0xffff, v19;
	v8 =	vor.u32 v21, v8  }
0xef: {  	[tilespmem:v3+s2+$0x0] =	vst.idx.add.f32.msk $0xffff, v6;
	v21 =	vshra.s32 v26, $0xA;
	v26 =	vmul.f32 v2, v41;
	v8 =	vadd.s32 $0x100, v8  }
0xf0: {  	v1 =	vadd.s32 $0x101, v1;
	v31 =	vadd.s32 $0x101, v38;
	[tilespmem:v13+s2+$0x0] =	vst.idx.add.f32.msk $0xffff, v25;
	v23 =	vadd.s32 v21, v23  }
0xf1: {  	v16 =	vsub.f32 v9, v16;
	[tilespmem:v30+s2+$0x0] =	vst.idx.add.f32.msk $0xffff, v28;
	v28 =	vsub.f32 v41, v26;
	v6 =	vadd.s32 $0x1, v23  }
0xf2: {  	v3 =	vand.u32 $0x7, v21;
	[tilespmem:v24+s2+$0x0] =	vst.idx.add.f32.msk $0xffff, v26;
	v30 =	vand.u32 $0xFFFFFFF8, v23;
	v21 =	vmul.f32 v33, v15  }
0xf3: {  	v29 =	vsub.f32 $1.000000000e+00, v29;
	v3 =	vor.u32 v3, v30;
	[tilespmem:v27+s2+$0x0] =	vst.idx.add.f32.msk $0xffff, v28;
	v27 =	vand.u32 $0xFFFFFFF8, v20  }
0xf4: {  	v3 =	vadd.s32 $0x100, v3;
	v15 =	vsub.f32 v15, v21;
	[tilespmem:v8+s2+$0x0] =	vst.idx.add.f32.msk $0xffff, v16;
	v8 =	vor.u32 v18, v27  }
0xf5: {  	v16 =	vsub.f32 v29, v35;
	[tilespmem:v23+s2+$0x0] =	vst.idx.add.f32.msk $0xffff, v21;
	v18 =	vadd.s32 $0x1, v20;
	v27 =	vand.u32 $0xFFFFFFF8, v24  }
0xf6: {  	v11 =	vsub.f32 v11, v22;
	v8 =	vadd.s32 $0x100, v8;
	v13 =	vor.u32 v17, v27;
	[tilespmem:v6+s2+$0x0] =	vst.idx.add.f32.msk $0xffff, v15  }
0xf7: {  	[tilespmem:v31+s2+$0x0] =	vst.idx.add.f32.msk $0xffff, v16;
	v16 =	vsub.f32 v33, v21;
	v6 =	vadd.s32 $0x100, v13  }
0xf8: {  	[tilespmem:v1+s2+$0x0] =	vst.idx.add.f32.msk $0xffff, v11;
	v13 =	vsub.f32 v14, v19;
	v14 =	vadd.s32 $0x101, v23  }
0xf9: {  	v4 =	vadd.s32 $0x101, v4;
	v1 =	vsub.f32 v5, v19;
	v5 =	vsub.f32 $1.000000000e+00, v33;
	[tilespmem:v3+s2+$0x0] =	vst.idx.add.f32.msk $0xffff, v16  }
0xfa: {  	v11 =	vadd.s32 $0x101, v36;
	v3 =	vsub.f32 $1.000000000e+00, v7;
	v7 =	vsub.f32 v2, v26;
	[tilespmem:v18+s2+$0x0] =	vst.idx.add.f32.msk $0xffff, v13  }
0xfb: {  	v9 =	vsub.f32 $1.000000000e+00, v9;
	v5 =	vsub.f32 v5, v15;
	v16 =	vadd.s32 $0x101, v20;
	[tilespmem:v8+s2+$0x0] =	vst.idx.add.f32.msk $0xffff, v1  }
0xfc: {  	s5 =	sadd.s32 $0x2, s5;
	v1 =	vsub.f32 v3, v10;
	v3 =	vadd.s32 $0x101, v24;
	[tilespmem:v6+s2+$0x0] =	vst.idx.add.f32.msk $0xffff, v7  }
0xfd: {  	s6 =	sshll.u32 s5, $0xD;
	v2 =	vsub.f32 $1.000000000e+00, v2;
	v6 =	vsub.f32 v9, v40;
	[tilespmem:v14+s2+$0x0] =	vst.idx.add.f32.msk $0xffff, v5  }
0xfe: {  	s6 =	sadd.s32 s0, s6;
	v5 =	vsub.f32 v12, v13;
	[tilespmem:v4+s2+$0x0] =	vst.idx.add.f32.msk $0xffff, v1  }
0xff: {  	p2 =	seq.s32 s5, $0x8;
	s8 =	sadd.s32 s3, s6;
	s6 =	sor.u32 s7, s6;
	v1 =	vsub.f32 v2, v28;
	[tilespmem:v11+s2+$0x0] =	vst.idx.add.f32.msk $0xffff, v6  }
0x100: {  	p2 =	por !p0, !p2;
	s8 =	sshrl.u32 s8, $0x3;
	s15 =	sadd.s32 s10, s6;
	[tilespmem:v16+s2+$0x0] =	vst.idx.add.f32.msk $0xffff, v5  }
0x101: {  	p2 =	por !p2, !p2;
	s8 =	sadd.s32 s4, s8;
	s5 =	sshrl.u32 s15, $0x3;
	[tilespmem:v3+s2+$0x0] =	vst.idx.add.f32.msk $0xffff, v1  }
0x102: {  	[tilespmem:s14], [sflag:$0x1] =	stream.linear.gather [hbm4b:s8+s2], $0x2000, $0x38;
	[tilespmem:$0x188D0] =	vst v63  }
0x103: {  	s15 =	simm.s32 @!p2 $0x12000;
	s5 =	sadd.s32 s4, s5;
	s8 =	simm.s32 @!p2 $0x0  }
0x104: {  	[tilespmem:s15], [sflag:$0x2] =	stream.linear.gather @!p2 [hbm4b:s5+s8], $0x2000, $0x38;
	[tilespmem:$0x188D0] =	vst v63  }
0x105: {  	s8 =	simm.s32 @p2 $0x0;
	s15 =	simm.s32 @p2 $0x12000  }
0x106: {  	[tilespmem:s15], [sflag:$0x2] =	stream.linear.gather @p2 [hbm4b:s5+s8], $0x1E80, $0x38;
	[tilespmem:$0x188D0] =	vst v63  }
0x107: {  	s5 =	simm.s32 $0x1  }
0x108: {  	s5 =	simm.s32 @!p2 $0x0  }
0x109: {  	p2 =	seq.s32 s23, s5  }
0x10a: {  	s5 =	sadd.s32 @!p2 s6, s20  }
0x10b: {  	s5 =	sshrl.u32 @!p2 s5, $0x3  }
0x10c: {  	s6 =	simm.s32 @!p2 $0x0;
	s8 =	simm.s32 @!p2 $0x14000;
	s5 =	sadd.s32 @!p2 s4, s5  }
0x10d: {  	[tilespmem:s8], [sflag:$0x2] =	stream.linear.gather @!p2 [hbm4b:s5+s6], $0x10, $0x38;
	[tilespmem:$0x188D0] =	vst v63  }
0x10e: {  	_ =	swait.ge [sflag:s18], $0x2000  }
0x10f: {  	[sflag:s18] =	ssyncset.done $0x0  }
0x110: {  	[sflag:s18] =	ssyncadd.s32 $0xFFFFE000  }
0x111: {  	_ =	swait.ge [sflag:s19], $0x2000  }
0x112: {  	[sflag:s19] =	ssyncset.done $0x0  }
0x113: {  	s5 =	simm.s32 @!p1 $0x4;
	[sflag:s19] =	ssyncadd.s32 $0xFFFFE000  }
0x114: {  	_ =	swait.ge @!p1 [sflag:s5], $0x10  }
0x115: {  	[sflag:s5] =	ssyncset.done @!p1 $0x0  }
0x116: {  	[sflag:s5] =	ssyncadd.s32 @!p1 $0xFFFFFFF0  }
0x117: {  	s15 =	simm.s32 $0x14050;
	v1 =	vld [tilespmem:s21+$0x30]  }
0x118: {  	v2 =	vld [tilespmem:s15+$0x20]  }
0x119: {  	v3 =	vld [tilespmem:s15+$0x30]  }
0x11a: {  	v4 =	vld [tilespmem:s21+$0x20]  }
0x11b: {  	v5 =	vld [tilespmem:s21+$0x10]  }
0x11c: {  	v6 =	vld [tilespmem:s15+$0xFFFFFFC0]  }
0x11d: {  	v7 =	vld [tilespmem:s15+$0x10]  }
0x11e: {  	v8 =	vld [tilespmem:s21+$0x0]  }
0x11f: {  	v9 =	vld [tilespmem:s15+$0x0]  }
0x120: {  	v10 =	vld [tilespmem:s21+$0xFFFFFFF0]  }
0x121: {  	v11 =	vld [tilespmem:s15+$0xFFFFFFF0];
	v1 =	vmul.f32 $2.611200000e+05, v1  }
0x122: {  	v14 =	vld [tilespmem:s15+$0xFFFFFFE0];
	v3 =	vmul.f32 $2.611200000e+05, v3;
	v4 =	vmul.f32 $2.611200000e+05, v4  }
0x123: {  	v2 =	vmul.f32 $2.611200000e+05, v2;
	v5 =	vmul.f32 $2.611200000e+05, v5  }
0x124: {  	v6 =	vmul.f32 $2.611200000e+05, v6;
	v7 =	vmul.f32 $2.611200000e+05, v7  }
0x125: {  	v15 =	vmul.f32 $2.611200000e+05, v8;
	v9 =	vmul.f32 $2.611200000e+05, v9  }
0x126: {  	v10 =	vmul.f32 $2.611200000e+05, v10;
	v11 =	vmul.f32 $2.611200000e+05, v11  }
0x127: {  	v14 =	vmul.f32 $2.611200000e+05, v14;
	v1 =	vtrunc.f32 v1  }
0x128: {  	v3 =	vtrunc.f32 v3;
	v4 =	vtrunc.f32 v4  }
0x129: {  	v2 =	vtrunc.f32 v2;
	v5 =	vtrunc.f32 v5  }
0x12a: {  	v16 =	vld [tilespmem:s15+$0xFFFFFFD0];
	v6 =	vtrunc.f32 v6;
	v23 =	vtrunc.f32 v7  }
0x12b: {  	v19 =	vld [tilespmem:s21+$0xFFFFFFC0];
	v15 =	vtrunc.f32 v15;
	v9 =	vtrunc.f32 v9  }
0x12c: {  	v30 =	vtrunc.f32 v11;
	v1 =	vcvt.f32.s32 v1  }
0x12d: {  	v3 =	vcvt.f32.s32 v3;
	v4 =	vcvt.f32.s32 v4  }
0x12e: {  	v12 =	vld [tilespmem:s21+$0xFFFFFFE0];
	v2 =	vcvt.f32.s32 v2;
	v21 =	vcvt.f32.s32 v5  }
0x12f: {  	v5 =	vmul.f32 $2.611200000e+05, v16;
	v7 =	vcvt.f32.s32 v6  }
0x130: {  	v6 =	vmul.f32 $2.611200000e+05, v19;
	v26 =	vcvt.f32.s32 v9  }
0x131: {  	v32 =	vcvt.f32.s32 v15;
	v62 =	vcvt.f32.s32 v23  }
0x132: {  	v30 =	vcvt.f32.s32 v30;
	v13 =	vand.u32 $0x3FF, v1;
	v8 =	vshra.s32 v1, $0xA  }
0x133: {  	v17 =	vand.u32 $0x3FF, v3;
	v1 =	vshra.s32 v3, $0x2;
	v3 =	vmul.f32 $2.611200000e+05, v12  }
0x134: {  	v18 =	vand.u32 $0x3FF, v4;
	v12 =	vand.u32 $0x3FF, v2;
	v5 =	vtrunc.f32 v5  }
0x135: {  	v2 =	vshra.s32 v2, $0x2;
	v6 =	vtrunc.f32 v6;
	v20 =	vtrunc.f32 v3  }
0x136: {  	v25 =	vand.u32 $0x3FF, v7;
	v7 =	vshra.s32 v7, $0x2;
	v24 =	vcvt.f32.s32 v20  }
0x137: {  	v9 =	vld [tilespmem:s21+$0xFFFFFFD0];
	v31 =	vand.u32 $0x3FF, v32;
	v63 =	vand.u32 $0x3FF, v26;
	v42 =	vshra.s32 v26, $0x2  }
0x138: {  	v27 =	vcvt.f32.s32 v6;
	v6 =	vtrunc.f32 v10;
	v19 =	vand.u32 $0x3FF, v24;
	v22 =	vld.idx.msk [tilespmem:v17+s11+$0x0], $0xffff  }
0x139: {  	v41 =	vand.u32 $0x3FF, v30;
	v10 =	vtrunc.f32 v14;
	v28 =	vcvt.f32.s32 v6;
	v6 =	vld.idx.msk [tilespmem:v13+s11+$0x0], $0xffff  }
0x13a: {  	v39 =	vshra.s32 v30, $0x2;
	v14 =	vand.u32 $0x3FF, v27;
	v20 =	vcvt.f32.s32 v10;
	v10 =	vld.idx.msk [tilespmem:v12+s11+$0x0], $0xffff  }
0x13b: {  	v1 =	vand.u32 $0xFFFFFF00, v1;
	v2 =	vand.u32 $0xFFFFFF00, v2;
	v15 =	vand.u32 $0x3FF, v28;
	v25 =	vld.idx.msk [tilespmem:v25+s11+$0x0], $0xffff  }
0x13c: {  	v29 =	vcvt.f32.s32 v5;
	v1 =	vadd.s32 v8, v1;
	v35 =	vmul.f32 $2.611200000e+05, v9;
	v9 =	vld.idx.msk [tilespmem:v31+s11+$0x0], $0xffff  }
0x13d: {  	v3 =	vand.u32 $0xFFFFFFF8, v1;
	v16 =	vadd.s32 $0x1, v1;
	v5 =	vld.idx.msk [tilespmem:v19+s11+$0x0], $0xffff;
	v19 =	vand.u32 $0x3FF, v20  }
0x13e: {  	v17 =	vand.u32 $0x3FF, v21;
	v12 =	vand.u32 $0xFFFFFF00, v7;
	v7 =	vshra.s32 v4, $0xA;
	v40 =	vld.idx.msk [tilespmem:v63+s11+$0x0], $0xffff  }
0x13f: {  	v60 =	vand.u32 $0x3FF, v29;
	v4 =	vadd.s32 v7, v2;
	v2 =	vshra.s32 v29, $0x2;
	v61 =	vld.idx.msk [tilespmem:v14+s11+$0x0], $0xffff  }
0x140: {  	v37 =	vshra.s32 v28, $0xA;
	v23 =	vand.u32 $0xFFFFFF00, v2;
	v2 =	vld.idx.msk [tilespmem:v15+s11+$0x0], $0xffff;
	v15 =	vshra.s32 v27, $0xA  }
0x141: {  	v24 =	vshra.s32 v24, $0xA;
	v59 =	vand.u32 $0x7, v7;
	v7 =	vld.idx.msk [tilespmem:v18+s11+$0x0], $0xffff;
	v31 =	vadd.s32 v15, v12  }
0x142: {  	v18 =	vand.u32 $0x7, v24;
	v13 =	vmul.f32 v6, v22;
	v14 =	vld.idx.msk [tilespmem:v19+s11+$0x0], $0xffff;
	v19 =	vand.u32 $0x3FF, v62  }
0x143: {  	v27 =	vand.u32 $0xFFFFFFF8, v4;
	v11 =	vsub.f32 $1.000000000e+00, v6;
	v29 =	vld.idx.msk [tilespmem:v17+s11+$0x0], $0xffff;
	v17 =	vshra.s32 v62, $0x2  }
0x144: {  	v15 =	vand.u32 $0x7, v15;
	v26 =	vand.u32 $0xFFFFFFF8, v31;
	[tilespmem:v1+s2+$0x0] =	vst.idx.add.f32.msk $0xffff, v13;
	v33 =	vmul.f32 v61, v25  }
0x145: {  	v30 =	vor.u32 v59, v27;
	v38 =	vand.u32 $0xFFFFFF00, v17;
	v26 =	vor.u32 v15, v26;
	v15 =	vld.idx.msk [tilespmem:v60+s11+$0x0], $0xffff  }
0x146: {  	v17 =	vand.u32 $0x7, v37;
	v34 =	vsub.f32 $1.000000000e+00, v61;
	v27 =	vadd.s32 $0x100, v26;
	[tilespmem:v31+s2+$0x0] =	vst.idx.add.f32.msk $0xffff, v33  }
0x147: {  	s6 =	sadd.s32 $0x80, s21;
	s5 =	simm.s32 $0x0;
	v12 =	vsub.f32 $1.000000000e+00, v5;
	v28 =	vsub.f32 v61, v33;
	v36 =	vld.idx.msk [tilespmem:v19+s11+$0x0], $0xffff;
	v19 =	vmul.f32 v5, v14  }
.LBB2_8:
0x148: {  	v26 =	vld [tilespmem:s6+$0x10];
	s5 =	sadd.s32 $0x8, s5;
	v43 =	vsub.f32 v25, v33;
	v44 =	vand.u32 $0x7, v8;
	s15 =	sadd.s32 $0x80, s15  }
0x149: {  	v33 =	vadd.s32 $0x101, v31;
	v35 =	vtrunc.f32 v35;
	v45 =	vsub.f32 $1.000000000e+00, v2;
	v25 =	vld [tilespmem:s6+$0x0];
	p2 =	slt.u32 s5, $0x1F8  }
0x14a: {  	v46 =	vshra.s32 v32, $0xA;
	v32 =	vand.u32 $0xFFFFFF00, v42;
	v42 =	vshra.s32 v21, $0xA;
	v8 =	vld [tilespmem:s15+$0x10]  }
0x14b: {  	v47 =	vcvt.f32.s32 v35;
	v32 =	vadd.s32 v46, v32;
	v48 =	vand.u32 $0x7, v42;
	v41 =	vld.idx.msk [tilespmem:v41+s11+$0x0], $0xffff  }
0x14c: {  	v51 =	vsub.f32 $1.000000000e+00, v29;
	v52 =	vsub.f32 v22, v13;
	v50 =	vand.u32 $0xFFFFFFF8, v32;
	v49 =	vld [tilespmem:s6+$0x30]  }
0x14d: {  	v53 =	vsub.f32 v34, v43;
	v34 =	vand.u32 $0xFFFFFF00, v39;
	v54 =	vand.u32 $0x3FF, v47;
	v21 =	vld [tilespmem:s15+$0xFFFFFFF0]  }
0x14e: {  	v39 =	vadd.s32 $0x1, v31;
	v34 =	vadd.s32 v37, v34;
	v37 =	vmul.f32 v7, v10;
	v22 =	vld [tilespmem:s6+$0xFFFFFFF0]  }
0x14f: {  	v57 =	vmul.f32 v29, v36;
	v56 =	vmul.f32 v9, v40;
	v55 =	vadd.s32 $0x1, v34;
	v31 =	vld [tilespmem:s15+$0x20]  }
0x150: {  	v58 =	vsub.f32 $1.000000000e+00, v9;
	v46 =	vand.u32 $0x7, v46;
	v38 =	vadd.s32 v42, v38;
	v35 =	vld [tilespmem:s6+$0x20]  }
0x151: {  	v42 =	vshra.s32 v47, $0xA;
	v29 =	vsub.f32 v29, v57;
	v40 =	vsub.f32 v40, v56;
	[tilespmem:v16+s2+$0x0] =	vst.idx.add.f32.msk $0xffff, v52  }
0x152: {  	v47 =	vand.u32 $0xFFFFFFF8, v38;
	v16 =	vadd.s32 v42, v23;
	v23 =	vadd.s32 $0x1, v32;
	[tilespmem:v4+s2+$0x0] =	vst.idx.add.f32.msk $0xffff, v37  }
0x153: {  	v20 =	vshra.s32 v20, $0x2;
	[tilespmem:v39+s2+$0x0] =	vst.idx.add.f32.msk $0xffff, v43;
	v39 =	vand.u32 $0xFFFFFFF8, v16;
	v43 =	vsub.f32 v58, v40  }
0x154: {  	v20 =	vand.u32 $0xFFFFFF00, v20;
	v47 =	vor.u32 v48, v47;
	v42 =	vand.u32 $0x7, v42;
	[tilespmem:v32+s2+$0x0] =	vst.idx.add.f32.msk $0xffff, v56  }
0x155: {  	v20 =	vadd.s32 v24, v20;
	v24 =	vadd.s32 $0x1, v38;
	v47 =	vadd.s32 $0x100, v47;
	[tilespmem:v38+s2+$0x0] =	vst.idx.add.f32.msk $0xffff, v57  }
0x156: {  	v36 =	vsub.f32 v36, v57;
	v49 =	vmul.f32 $2.611200000e+05, v49;
	v58 =	vand.u32 $0xFFFFFFF8, v20;
	v48 =	vld [tilespmem:s15+$0x0]  }
0x157: {  	v10 =	vsub.f32 v10, v37;
	v39 =	vor.u32 v42, v39;
	v18 =	vor.u32 v18, v58;
	v54 =	vld.idx.msk [tilespmem:v54+s11+$0x0], $0xffff  }
0x158: {  	v3 =	vor.u32 v44, v3;
	v42 =	vtrunc.f32 v49;
	[tilespmem:v23+s2+$0x0] =	vst.idx.add.f32.msk $0xffff, v40;
	v23 =	vsub.f32 $1.000000000e+00, v7  }
0x159: {  	v30 =	vadd.s32 $0x100, v30;
	v44 =	vadd.s32 $0x1, v4;
	v18 =	vadd.s32 $0x100, v18;
	v40 =	vld [tilespmem:s15+$0xFFFFFFC0]  }
0x15a: {  	v49 =	vadd.s32 $0x101, v20;
	v7 =	vsub.f32 v7, v37;
	[tilespmem:v24+s2+$0x0] =	vst.idx.add.f32.msk $0xffff, v36;
	v23 =	vsub.f32 v23, v10  }
0x15b: {  	v14 =	vsub.f32 v14, v19;
	v11 =	vsub.f32 v11, v52;
	v24 =	vcvt.f32.s32 v42;
	[tilespmem:v47+s2+$0x0] =	vst.idx.add.f32.msk $0xffff, v29  }
0x15c: {  	v5 =	vsub.f32 v5, v19;
	v6 =	vsub.f32 v6, v13;
	v37 =	vadd.s32 $0x101, v4;
	v29 =	vld [tilespmem:s15+$0x30]  }
0x15d: {  	v12 =	vsub.f32 v12, v14;
	v3 =	vadd.s32 $0x100, v3;
	v4 =	vand.u32 $0x3FF, v24;
	[tilespmem:v27+s2+$0x0] =	vst.idx.add.f32.msk $0xffff, v28  }
0x15e: {  	v13 =	vadd.s32 $0x1, v20;
	v27 =	vor.u32 v46, v50;
	v28 =	vsub.f32 v51, v36;
	[tilespmem:v44+s2+$0x0] =	vst.idx.add.f32.msk $0xffff, v10  }
0x15f: {  	v10 =	vmul.f32 v2, v41;
	[tilespmem:v20+s2+$0x0] =	vst.idx.add.f32.msk $0xffff, v19;
	v19 =	vand.u32 $0xFFFFFFF8, v34;
	v20 =	vadd.s32 $0x100, v27  }
0x160: {  	v9 =	vsub.f32 v9, v56;
	v17 =	vor.u32 v17, v19;
	v19 =	vadd.s32 $0x101, v38;
	[tilespmem:v30+s2+$0x0] =	vst.idx.add.f32.msk $0xffff, v7  }
0x161: {  	v27 =	vadd.s32 $0x100, v39;
	v7 =	vadd.s32 $0x1, v16;
	v30 =	vsub.f32 v41, v10;
	[tilespmem:v34+s2+$0x0] =	vst.idx.add.f32.msk $0xffff, v10  }
0x162: {  	v36 =	vmul.f32 v54, v15;
	v2 =	vsub.f32 v2, v10;
	[tilespmem:v3+s2+$0x0] =	vst.idx.add.f32.msk $0xffff, v6  }
0x163: {  	v3 =	vsub.f32 $1.000000000e+00, v54;
	v6 =	vsub.f32 v45, v30;
	[tilespmem:v55+s2+$0x0] =	vst.idx.add.f32.msk $0xffff, v30  }
0x164: {  	v1 =	vadd.s32 $0x101, v1;
	v10 =	vsub.f32 v15, v36;
	[tilespmem:v20+s2+$0x0] =	vst.idx.add.f32.msk $0xffff, v9  }
0x165: {  	v9 =	vsub.f32 v54, v36;
	[tilespmem:v16+s2+$0x0] =	vst.idx.add.f32.msk $0xffff, v36  }
0x166: {  	v15 =	vadd.s32 $0x101, v16;
	v3 =	vsub.f32 v3, v10;
	[tilespmem:v33+s2+$0x0] =	vst.idx.add.f32.msk $0xffff, v53  }
0x167: {  	[tilespmem:v19+s2+$0x0] =	vst.idx.add.f32.msk $0xffff, v28  }
0x168: {  	[tilespmem:v7+s2+$0x0] =	vst.idx.add.f32.msk $0xffff, v10;
	v7 =	vadd.s32 $0x100, v17  }
0x169: {  	[tilespmem:v1+s2+$0x0] =	vst.idx.add.f32.msk $0xffff, v11  }
0x16a: {  	v1 =	vadd.s32 $0x101, v32;
	[tilespmem:v27+s2+$0x0] =	vst.idx.add.f32.msk $0xffff, v9  }
0x16b: {  	[tilespmem:v13+s2+$0x0] =	vst.idx.add.f32.msk $0xffff, v14  }
0x16c: {  	[tilespmem:v18+s2+$0x0] =	vst.idx.add.f32.msk $0xffff, v5;
	v5 =	vadd.s32 $0x101, v34  }
0x16d: {  	[tilespmem:v7+s2+$0x0] =	vst.idx.add.f32.msk $0xffff, v2  }
0x16e: {  	v2 =	vmul.f32 $2.611200000e+05, v29;
	[tilespmem:v15+s2+$0x0] =	vst.idx.add.f32.msk $0xffff, v3  }
0x16f: {  	v3 =	vmul.f32 $2.611200000e+05, v35;
	[tilespmem:v37+s2+$0x0] =	vst.idx.add.f32.msk $0xffff, v23  }
0x170: {  	v7 =	vmul.f32 $2.611200000e+05, v31;
	v2 =	vtrunc.f32 v2;
	[tilespmem:v1+s2+$0x0] =	vst.idx.add.f32.msk $0xffff, v43  }
0x171: {  	v1 =	vmul.f32 $2.611200000e+05, v26;
	v3 =	vtrunc.f32 v3;
	[tilespmem:v49+s2+$0x0] =	vst.idx.add.f32.msk $0xffff, v12  }
0x172: {  	v9 =	vmul.f32 $2.611200000e+05, v40;
	v2 =	vcvt.f32.s32 v2;
	[tilespmem:v5+s2+$0x0] =	vst.idx.add.f32.msk $0xffff, v6  }
0x173: {  	v7 =	vtrunc.f32 v7;
	v6 =	vmul.f32 $2.611200000e+05, v8;
	v8 =	vshra.s32 v24, $0xA;
	v5 =	vld [tilespmem:s6+$0xFFFFFFE0]  }
0x174: {  	v11 =	vmul.f32 $2.611200000e+05, v25;
	v12 =	vcvt.f32.s32 v3;
	v3 =	vand.u32 $0x3FF, v2;
	v10 =	vld [tilespmem:s15+$0xFFFFFFE0]  }
0x175: {  	v14 =	vmul.f32 $2.611200000e+05, v48;
	v15 =	vtrunc.f32 v1;
	v1 =	vshra.s32 v2, $0x2;
	v13 =	vld [tilespmem:s6+$0xFFFFFFD0]  }
0x176: {  	v17 =	vmul.f32 $2.611200000e+05, v22;
	v7 =	vcvt.f32.s32 v7;
	v18 =	vand.u32 $0x3FF, v12;
	v2 =	vld [tilespmem:s15+$0xFFFFFFD0]  }
0x177: {  	v9 =	vtrunc.f32 v9;
	v23 =	vmul.f32 $2.611200000e+05, v21;
	v1 =	vand.u32 $0xFFFFFF00, v1;
	v19 =	vld [tilespmem:s6+$0xFFFFFFC0]  }
0x178: {  	v20 =	vand.u32 $0x3FF, v7;
	v1 =	vadd.s32 v8, v1;
	v5 =	vmul.f32 $2.611200000e+05, v5  }
0x179: {  	v7 =	vshra.s32 v7, $0x2;
	v24 =	vmul.f32 $2.611200000e+05, v10;
	v22 =	vld.idx.msk [tilespmem:v3+s11+$0x0], $0xffff;
	v3 =	vand.u32 $0xFFFFFFF8, v1  }
0x17a: {  	v21 =	vcvt.f32.s32 v15;
	v7 =	vand.u32 $0xFFFFFF00, v7;
	v5 =	vtrunc.f32 v5  }
0x17b: {  	v15 =	vtrunc.f32 v6;
	v2 =	vmul.f32 $2.611200000e+05, v2  }
0x17c: {  	v9 =	vcvt.f32.s32 v9;
	v16 =	vadd.s32 $0x1, v1;
	v26 =	vcvt.f32.s32 v5  }
0x17d: {  	v11 =	vtrunc.f32 v11;
	v5 =	vmul.f32 $2.611200000e+05, v19;
	v19 =	vand.u32 $0x3FF, v21;
	v10 =	vld.idx.msk [tilespmem:v20+s11+$0x0], $0xffff  }
0x17e: {  	v25 =	vand.u32 $0x3FF, v9;
	v6 =	vtrunc.f32 v14;
	v2 =	vtrunc.f32 v2  }
0x17f: {  	v27 =	vcvt.f32.s32 v6;
	v14 =	vand.u32 $0x3FF, v26;
	v5 =	vtrunc.f32 v5;
	v6 =	vld.idx.msk [tilespmem:v4+s11+$0x0], $0xffff  }
0x180: {  	v28 =	vcvt.f32.s32 v5;
	v4 =	vshra.s32 v9, $0x2;
	v5 =	vtrunc.f32 v17  }
0x181: {  	v12 =	vshra.s32 v12, $0xA;
	v9 =	vand.u32 $0xFFFFFF00, v4;
	v4 =	vtrunc.f32 v24  }
0x182: {  	v2 =	vcvt.f32.s32 v2;
	v30 =	vcvt.f32.s32 v5;
	v17 =	vand.u32 $0x3FF, v28  }
0x183: {  	v32 =	vcvt.f32.s32 v11;
	v20 =	vcvt.f32.s32 v4;
	v4 =	vadd.s32 v12, v7  }
0x184: {  	v29 =	vand.u32 $0x3FF, v30;
	v5 =	vld.idx.msk [tilespmem:v14+s11+$0x0], $0xffff;
	v14 =	vtrunc.f32 v23  }
0x185: {  	v35 =	vmul.f32 $2.611200000e+05, v13;
	v31 =	vand.u32 $0x3FF, v20;
	v23 =	vshra.s32 v2, $0x2  }
0x186: {  	v33 =	vand.u32 $0x3FF, v32;
	v36 =	vand.u32 $0x7, v12;
	v13 =	vmul.f32 v6, v22;
	v25 =	vld.idx.msk [tilespmem:v25+s11+$0x0], $0xffff  }
0x187: {  	v39 =	vand.u32 $0x3FF, v2;
	v24 =	vshra.s32 v26, $0xA;
	v11 =	vsub.f32 $1.000000000e+00, v6;
	v7 =	vld.idx.msk [tilespmem:v18+s11+$0x0], $0xffff  }
0x188: {  	v12 =	vcvt.f32.s32 v15;
	v23 =	vand.u32 $0xFFFFFF00, v23;
	v26 =	vld.idx.msk [tilespmem:v17+s11+$0x0], $0xffff;
	v17 =	vcvt.f32.s32 v14  }
0x189: {  	v15 =	vshra.s32 v28, $0xA;
	v28 =	vand.u32 $0xFFFFFFF8, v4;
	v18 =	vand.u32 $0x7, v24;
	v2 =	vld.idx.msk [tilespmem:v29+s11+$0x0], $0xffff  }
0x18a: {  	v40 =	vand.u32 $0x3FF, v27;
	v42 =	vshra.s32 v27, $0x2;
	v27 =	vand.u32 $0x3FF, v12;
	v14 =	vld.idx.msk [tilespmem:v31+s11+$0x0], $0xffff  }
0x18b: {  	v31 =	vadd.s32 v15, v9;
	v41 =	vand.u32 $0x3FF, v17;
	v9 =	vld.idx.msk [tilespmem:v33+s11+$0x0], $0xffff;
	v33 =	vshra.s32 v12, $0x2  }
0x18c: {  	v15 =	vand.u32 $0x7, v15;
	v34 =	vand.u32 $0xFFFFFFF8, v31;
	v12 =	vsub.f32 $1.000000000e+00, v5;
	v29 =	vld.idx.msk [tilespmem:v19+s11+$0x0], $0xffff  }
.Ltmp6:
0x18d: {  	v37 =	vshra.s32 v30, $0xA;
	v19 =	vor.u32 v15, v34;
	v38 =	vand.u32 $0xFFFFFF00, v33;
	[tilespmem:v1+s2+$0x0] =	vst.idx.add.f32.msk $0xffff, v13;
	(pc) =	sbr.rel @p2 .LBB2_8-.Ltmp6, $4  }
0x18e: {  	v30 =	vor.u32 v36, v28;
	v34 =	vsub.f32 $1.000000000e+00, v26;
	v15 =	vld.idx.msk [tilespmem:v39+s11+$0x0], $0xffff;
	v39 =	vshra.s32 v17, $0x2  }
0x18f: {  	v33 =	vmul.f32 v26, v25;
	v17 =	vand.u32 $0x7, v37;
	v36 =	vld.idx.msk [tilespmem:v27+s11+$0x0], $0xffff  }
0x190: {  	v27 =	vadd.s32 $0x100, v19;
	v19 =	vmul.f32 v5, v14;
	v40 =	vld.idx.msk [tilespmem:v40+s11+$0x0], $0xffff  }
0x191: {  	s6 =	sadd.s32 $0x80, s6;
	v28 =	vsub.f32 v26, v33;
	[tilespmem:v31+s2+$0x0] =	vst.idx.add.f32.msk $0xffff, v33  }
0x192: {  	_ =	sdelay $0x1  }
0x193: {  	v26 =	vtrunc.f32 v35;
	v32 =	vshra.s32 v32, $0xA;
	v53 =	vadd.s32 $0x1, v31  }
0x194: {  	v52 =	vand.u32 $0xFFFFFF00, v42;
	v22 =	vsub.f32 v22, v13;
	v57 =	vadd.s32 $0x1, v4  }
0x195: {  	v21 =	vshra.s32 v21, $0xA;
	v41 =	vld.idx.msk [tilespmem:v41+s11+$0x0], $0xffff;
	v43 =	vmul.f32 v7, v10;
	v35 =	vadd.s32 v32, v52  }
0x196: {  	v25 =	vsub.f32 v25, v33;
	v38 =	vadd.s32 v21, v38;
	[tilespmem:v16+s2+$0x0] =	vst.idx.add.f32.msk $0xffff, v22  }
0x197: {  	v20 =	vshra.s32 v20, $0x2;
	[tilespmem:v4+s2+$0x0] =	vst.idx.add.f32.msk $0xffff, v43;
	v10 =	vsub.f32 v10, v43  }
0x198: {  	v8 =	vand.u32 $0x7, v8;
	v30 =	vadd.s32 $0x100, v30;
	v55 =	vmul.f32 v9, v40;
	[tilespmem:v53+s2+$0x0] =	vst.idx.add.f32.msk $0xffff, v25  }
0x199: {  	v6 =	vsub.f32 v6, v13;
	v44 =	vadd.s32 $0x1, v35;
	v46 =	vmul.f32 v29, v36;
	[tilespmem:v57+s2+$0x0] =	vst.idx.add.f32.msk $0xffff, v10  }
0x19a: {  	v20 =	vand.u32 $0xFFFFFF00, v20;
	v3 =	vor.u32 v8, v3;
	v56 =	vadd.s32 $0x1, v38;
	[tilespmem:v35+s2+$0x0] =	vst.idx.add.f32.msk $0xffff, v55  }
0x19b: {  	v39 =	vand.u32 $0xFFFFFF00, v39;
	v20 =	vadd.s32 v24, v20;
	v61 =	vsub.f32 v7, v43;
	[tilespmem:v38+s2+$0x0] =	vst.idx.add.f32.msk $0xffff, v46  }
0x19c: {  	v26 =	vcvt.f32.s32 v26;
	v24 =	vadd.s32 v37, v39;
	v40 =	vsub.f32 v40, v55;
	[tilespmem:v27+s2+$0x0] =	vst.idx.add.f32.msk $0xffff, v28  }
0x19d: {  	v1 =	vadd.s32 $0x101, v1;
	v3 =	vadd.s32 $0x100, v3;
	v36 =	vsub.f32 v36, v46;
	[tilespmem:v30+s2+$0x0] =	vst.idx.add.f32.msk $0xffff, v61  }
0x19e: {  	v21 =	vand.u32 $0x7, v21;
	v59 =	vand.u32 $0x7, v32;
	v54 =	vand.u32 $0x3FF, v26;
	[tilespmem:v44+s2+$0x0] =	vst.idx.add.f32.msk $0xffff, v40  }
0x19f: {  	v45 =	vand.u32 $0xFFFFFFF8, v38;
	v39 =	vadd.s32 $0x101, v31;
	v63 =	vmul.f32 v2, v41;
	[tilespmem:v56+s2+$0x0] =	vst.idx.add.f32.msk $0xffff, v36  }
0x1a0: {  	v58 =	vand.u32 $0xFFFFFFF8, v35;
	v37 =	vsub.f32 $1.000000000e+00, v29;
	v21 =	vor.u32 v21, v45;
	[tilespmem:v20+s2+$0x0] =	vst.idx.add.f32.msk $0xffff, v19  }
0x1a1: {  	v43 =	vadd.s32 $0x101, v38;
	v11 =	vsub.f32 v11, v22;
	v21 =	vadd.s32 $0x100, v21;
	[tilespmem:v24+s2+$0x0] =	vst.idx.add.f32.msk $0xffff, v63  }
0x1a2: {  	v60 =	vadd.s32 $0x1, v24;
	v8 =	vor.u32 v59, v58;
	v25 =	vsub.f32 v34, v25;
	[tilespmem:v3+s2+$0x0] =	vst.idx.add.f32.msk $0xffff, v6  }
0x1a3: {  	v62 =	vshra.s32 v26, $0xA;
	v49 =	vadd.s32 $0x1, v20;
	v8 =	vadd.s32 $0x100, v8;
	v33 =	vld.idx.msk [tilespmem:v54+s11+$0x0], $0xffff  }
0x1a4: {  	v50 =	vand.u32 $0xFFFFFFF8, v24;
	v23 =	vadd.s32 v62, v23;
	v46 =	vsub.f32 v29, v46;
	[tilespmem:v39+s2+$0x0] =	vst.idx.add.f32.msk $0xffff, v25  }
0x1a5: {  	v51 =	vor.u32 v17, v50;
	v42 =	vand.u32 $0xFFFFFFF8, v23;
	v41 =	vsub.f32 v41, v63;
	[tilespmem:v1+s2+$0x0] =	vst.idx.add.f32.msk $0xffff, v11  }
0x1a6: {  	v16 =	vsub.f32 v9, v55;
	v48 =	vsub.f32 v37, v36;
	v3 =	vand.u32 $0x7, v62;
	[tilespmem:v21+s2+$0x0] =	vst.idx.add.f32.msk $0xffff, v46  }
0x1a7: {  	v44 =	vadd.s32 $0x1, v23;
	v3 =	vor.u32 v3, v42;
	v54 =	vsub.f32 v14, v19;
	[tilespmem:v60+s2+$0x0] =	vst.idx.add.f32.msk $0xffff, v41  }
0x1a8: {  	v46 =	vand.u32 $0xFFFFFFF8, v20;
	[tilespmem:v8+s2+$0x0] =	vst.idx.add.f32.msk $0xffff, v16;
	v3 =	vadd.s32 $0x100, v3;
	v45 =	vmul.f32 v33, v15  }
0x1a9: {  	v53 =	vadd.s32 $0x100, v51;
	v47 =	vor.u32 v18, v46;
	[tilespmem:v43+s2+$0x0] =	vst.idx.add.f32.msk $0xffff, v48  }
0x1aa: {  	[tilespmem:v49+s2+$0x0] =	vst.idx.add.f32.msk $0xffff, v54;
	v8 =	vadd.s32 $0x100, v47;
	v15 =	vsub.f32 v15, v45  }
0x1ab: {  	v59 =	vadd.s32 $0x101, v35;
	[tilespmem:v23+s2+$0x0] =	vst.idx.add.f32.msk $0xffff, v45;
	v52 =	vsub.f32 v33, v45  }
0x1ac: {  	v61 =	vadd.s32 $0x101, v20;
	v58 =	vsub.f32 v2, v63;
	v60 =	vsub.f32 $1.000000000e+00, v9;
	[tilespmem:v44+s2+$0x0] =	vst.idx.add.f32.msk $0xffff, v15  }
0x1ad: {  	v56 =	vadd.s32 $0x101, v4;
	v1 =	vsub.f32 v5, v19;
	[tilespmem:v3+s2+$0x0] =	vst.idx.add.f32.msk $0xffff, v52;
	v3 =	vsub.f32 $1.000000000e+00, v7  }
0x1ae: {  	s22 =	sadd.s32 $0x1, s22;
	v55 =	vadd.s32 $0x101, v23;
	[tilespmem:v53+s2+$0x0] =	vst.idx.add.f32.msk $0xffff, v58;
	v63 =	vsub.f32 v12, v54;
	v62 =	vsub.f32 v60, v40  }
0x1af: {  	p2 =	sne.s32 s22, $0x4;
	v57 =	vsub.f32 $1.000000000e+00, v33;
	[tilespmem:v8+s2+$0x0] =	vst.idx.add.f32.msk $0xffff, v1;
	v1 =	vsub.f32 v3, v10;
	v3 =	vadd.s32 $0x101, v24  }
.Ltmp7:
0x1b0: {  	v2 =	vsub.f32 $1.000000000e+00, v2;
	[tilespmem:v59+s2+$0x0] =	vst.idx.add.f32.msk $0xffff, v62;
	(pc) =	sbr.rel @p2 .LBB2_5-.Ltmp7, $4  }
0x1b1: {  	v5 =	vsub.f32 v57, v15;
	[tilespmem:v61+s2+$0x0] =	vst.idx.add.f32.msk $0xffff, v63  }
0x1b2: {  	[tilespmem:v56+s2+$0x0] =	vst.idx.add.f32.msk $0xffff, v1;
	v1 =	vsub.f32 v2, v41  }
0x1b3: {  	[tilespmem:v55+s2+$0x0] =	vst.idx.add.f32.msk $0xffff, v5  }
0x1b4: {  	[tilespmem:v3+s2+$0x0] =	vst.idx.add.f32.msk $0xffff, v1  }
0x1b5: {  	_ =	swait.ge [sflag:s13], $0x2000  }
0x1b6: {  	[sflag:s13] =	ssyncset.done $0x0  }
0x1b7: {  	s0 =	simm.s32 @!p0 $0x2;
	[sflag:s13] =	ssyncadd.s32 $0xFFFFE000  }
0x1b8: {  	_ =	swait.ge @!p0 [sflag:s0], $0x2000  }
0x1b9: {  	[sflag:s0] =	ssyncset.done @!p0 $0x0  }
0x1ba: {  	s1 =	simm.s32 $0x1;
	[sflag:s0] =	ssyncadd.s32 @!p0 $0xFFFFE000;
	s0 =	simm.s32 @p0 $0x2  }
0x1bb: {  	s1 =	simm.s32 @!p0 $0x0;
	_ =	swait.ge @p0 [sflag:s0], $0x1E80  }
.Ltmp8:
0x1bc: {  	p1 =	seq.s32 s23, s1;
	[sflag:s0] =	ssyncset.done @p0 $0x0;
	(pc) =	sbr.rel @!p0 .LBB2_11-.Ltmp8, $4  }
0x1bd: {  	[sflag:s0] =	ssyncadd.s32 @p0 $0xFFFFE180;
	s0 =	simm.s32 @!p1 $0x2  }
0x1be: {  	_ =	swait.ge @!p1 [sflag:s0], $0x10  }
0x1bf: {  	[sflag:s0] =	ssyncset.done @!p1 $0x0  }
0x1c0: {  	[sflag:s0] =	ssyncadd.s32 @!p1 $0xFFFFFFF0  }
0x1c1: {  	s0 =	simm.s32 $0x0  }
0x1c2: {  	s10 =	sadd.s32 $0x0, s31;
	v1 =	vld [tilespmem:s0+$0x10000]  }
0x1c3: {  	v2 =	vld [tilespmem:s10+$0x0];
	_ =	sdelay $0x3  }
0x1c4: {  	v1 =	vmul.f32 $2.611200000e+05, v1  }
0x1c5: {  	s15 =	simm.s32 $0x10;
	v2 =	vmul.f32 $2.611200000e+05, v2  }
0x1c6: {  	s20 =	sadd.s32 $0x10, s31;
	v3 =	vld [tilespmem:s15+$0x10000];
	v1 =	vtrunc.f32 v1  }
0x1c7: {  	v4 =	vld [tilespmem:s20+$0x0];
	v5 =	vcvt.f32.s32 v1;
	v1 =	vtrunc.f32 v2  }
0x1c8: {  	v6 =	vcvt.f32.s32 v1  }
0x1c9: {  	v2 =	vand.u32 $0x3FF, v5  }
0x1ca: {  	v7 =	vand.u32 $0x3FF, v6  }
0x1cb: {  	s21 =	simm.s32 $0x20;
	v1 =	vmul.f32 $2.611200000e+05, v3  }
0x1cc: {  	s22 =	sadd.s32 $0x20, s31;
	v8 =	vld [tilespmem:s21+$0x10000];
	v3 =	vmul.f32 $2.611200000e+05, v4  }
0x1cd: {  	v4 =	vld [tilespmem:s22+$0x0];
	v1 =	vtrunc.f32 v1  }
0x1ce: {  	v3 =	vtrunc.f32 v3;
	v1 =	vcvt.f32.s32 v1;
	v13 =	vld.idx.msk [tilespmem:v2+s11+$0x0], $0xffff  }
0x1cf: {  	v2 =	vcvt.f32.s32 v3;
	v3 =	vshra.s32 v5, $0x2;
	v12 =	vld.idx.msk [tilespmem:v7+s11+$0x0], $0xffff  }
0x1d0: {  	v5 =	vshra.s32 v6, $0xA;
	v7 =	vand.u32 $0x3FF, v1;
	v3 =	vand.u32 $0xFFFFFF00, v3  }
0x1d1: {  	v10 =	vand.u32 $0x3FF, v2;
	v3 =	vadd.s32 v5, v3  }
0x1d2: {  	s23 =	simm.s32 $0x30;
	v11 =	vmul.f32 $2.611200000e+05, v8;
	v5 =	vand.u32 $0x7, v5;
	v8 =	vand.u32 $0xFFFFFFF8, v3  }
0x1d3: {  	s30 =	sadd.s32 $0x30, s31;
	v4 =	vmul.f32 $2.611200000e+05, v4;
	v6 =	vld [tilespmem:s23+$0x10000];
	v9 =	vadd.s32 $0x1, v3;
	v5 =	vor.u32 v5, v8  }
0x1d4: {  	v11 =	vtrunc.f32 v11;
	v8 =	vld [tilespmem:s30+$0x0];
	v5 =	vadd.s32 $0x100, v5;
	v14 =	vmul.f32 v12, v13  }
0x1d5: {  	s0 =	simm.s32 $0x100;
	v11 =	vcvt.f32.s32 v11;
	v15 =	vtrunc.f32 v4;
	v4 =	vld.idx.msk [tilespmem:v7+s11+$0x0], $0xffff;
	v7 =	vadd.s32 $0x101, v3  }
.LBB2_15:
0x1d6: {  	p0 =	seq.s32 s0, $0x7980;
	v15 =	vcvt.f32.s32 v15;
	v16 =	vld.idx.msk [tilespmem:v10+s11+$0x0], $0xffff;
	v10 =	vsub.f32 v13, v14;
	v13 =	vsub.f32 $1.000000000e+00, v12  }
0x1d7: {  	v18 =	vshra.s32 v1, $0x2;
	v12 =	vsub.f32 v12, v14;
	v17 =	vand.u32 $0x3FF, v11;
	[tilespmem:v3+s2+$0x0] =	vst.idx.add.f32.msk $0xffff, v14;
	v1 =	vmovc v11  }
0x1d8: {  	v11 =	vshra.s32 v2, $0xA;
	v3 =	vand.u32 $0xFFFFFF00, v18;
	v14 =	vsub.f32 v13, v10;
	[tilespmem:v9+s2+$0x0] =	vst.idx.add.f32.msk $0xffff, v10;
	v2 =	vmovc v15  }
.Ltmp9:
0x1d9: {  	v3 =	vadd.s32 v11, v3;
	v10 =	vand.u32 $0x3FF, v2;
	[tilespmem:v5+s2+$0x0] =	vst.idx.add.f32.msk $0xffff, v12;
	(pc) =	sbr.rel @!p0 .LBB2_15-.Ltmp9, $4  }
0x1da: {  	s1 =	sshra.s32 s0, $0x2;
	v11 =	vand.u32 $0x7, v11;
	v5 =	vmul.f32 $2.611200000e+05, v6;
	v15 =	vand.u32 $0xFFFFFFF8, v3;
	[tilespmem:v7+s2+$0x0] =	vst.idx.add.f32.msk $0xffff, v14  }
0x1db: {  	v9 =	vadd.s32 $0x1, v3;
	v7 =	vmul.f32 $2.611200000e+05, v8;
	v11 =	vor.u32 v11, v15;
	v13 =	vmovc v4;
	v6 =	vld [tilespmem:s1+$0x10000];
	s1 =	sadd.s32 s1, s31  }
0x1dc: {  	v4 =	vtrunc.f32 v5;
	v14 =	vmul.f32 v16, v13;
	v5 =	vadd.s32 $0x100, v11;
	v12 =	vmovc v16;
	v8 =	vld [tilespmem:s1+$0x0]  }
0x1dd: {  	s0 =	sadd.s32 $0x40, s0;
	v11 =	vcvt.f32.s32 v4;
	v15 =	vtrunc.f32 v7;
	v7 =	vadd.s32 $0x101, v3;
	v4 =	vld.idx.msk [tilespmem:v17+s11+$0x0], $0xffff  }
0x1de: {  	v15 =	vcvt.f32.s32 v15  }
0x1df: {  	v13 =	vsub.f32 v13, v14;
	v16 =	vsub.f32 $1.000000000e+00, v12;
	v1 =	vshra.s32 v1, $0x2  }
0x1e0: {  	v38 =	vsub.f32 v12, v14;
	v2 =	vshra.s32 v2, $0xA;
	v6 =	vmul.f32 $2.611200000e+05, v6  }
0x1e1: {  	v17 =	vand.u32 $0x3FF, v11;
	v1 =	vand.u32 $0xFFFFFF00, v1;
	v8 =	vmul.f32 $2.611200000e+05, v8  }
0x1e2: {  	v10 =	vld.idx.msk [tilespmem:v10+s11+$0x0], $0xffff;
	v48 =	vshra.s32 v11, $0x2;
	v18 =	vand.u32 $0x3FF, v15;
	v6 =	vtrunc.f32 v6  }
0x1e3: {  	[tilespmem:v3+s2+$0x0] =	vst.idx.add.f32.msk $0xffff, v14;
	v16 =	vsub.f32 v16, v13;
	v3 =	vcvt.f32.s32 v6;
	v39 =	vtrunc.f32 v8  }
0x1e4: {  	v1 =	vadd.s32 v2, v1;
	[tilespmem:v9+s2+$0x0] =	vst.idx.add.f32.msk $0xffff, v13;
	v2 =	vand.u32 $0x7, v2;
	v6 =	vcvt.f32.s32 v39  }
0x1e5: {  	v50 =	vshra.s32 v15, $0xA;
	v11 =	vand.u32 $0xFFFFFF00, v48;
	[tilespmem:v5+s2+$0x0] =	vst.idx.add.f32.msk $0xffff, v38;
	v43 =	vand.u32 $0x3FF, v3  }
0x1e6: {  	v40 =	vand.u32 $0xFFFFFFF8, v1;
	v44 =	vadd.s32 $0x1, v1;
	v42 =	vld.idx.msk [tilespmem:v17+s11+$0x0], $0xffff;
	v46 =	vand.u32 $0x3FF, v6  }
0x1e7: {  	v52 =	vadd.s32 v50, v11;
	v2 =	vor.u32 v2, v40;
	v41 =	vmul.f32 v10, v4;
	v45 =	vld.idx.msk [tilespmem:v18+s11+$0x0], $0xffff  }
0x1e8: {  	v51 =	vadd.s32 $0x101, v1;
	[tilespmem:v7+s2+$0x0] =	vst.idx.add.f32.msk $0xffff, v16;
	v53 =	vand.u32 $0xFFFFFFF8, v52;
	v2 =	vadd.s32 $0x100, v2  }
0x1e9: {  	v11 =	vadd.s32 $0x1, v52;
	v47 =	vsub.f32 $1.000000000e+00, v10;
	v4 =	vsub.f32 v4, v41;
	[tilespmem:v1+s2+$0x0] =	vst.idx.add.f32.msk $0xffff, v41  }
0x1ea: {  	v49 =	vsub.f32 v10, v41;
	v10 =	vand.u32 $0x7, v50;
	v3 =	vshra.s32 v3, $0x2;
	v13 =	vld.idx.msk [tilespmem:v43+s11+$0x0], $0xffff  }
0x1eb: {  	v8 =	vor.u32 v10, v53;
	v6 =	vshra.s32 v6, $0xA;
	v3 =	vand.u32 $0xFFFFFF00, v3;
	v55 =	vld.idx.msk [tilespmem:v46+s11+$0x0], $0xffff  }
0x1ec: {  	v1 =	vsub.f32 v47, v4;
	[tilespmem:v44+s2+$0x0] =	vst.idx.add.f32.msk $0xffff, v4;
	v56 =	vadd.s32 $0x100, v8;
	v54 =	vmul.f32 v45, v42  }
0x1ed: {  	v3 =	vadd.s32 v6, v3;
	v6 =	vand.u32 $0x7, v6;
	[tilespmem:v2+s2+$0x0] =	vst.idx.add.f32.msk $0xffff, v49;
	v2 =	vadd.s32 $0x101, v52  }
0x1ee: {  	v58 =	vand.u32 $0xFFFFFFF8, v3;
	[tilespmem:v51+s2+$0x0] =	vst.idx.add.f32.msk $0xffff, v1;
	v1 =	vsub.f32 $1.000000000e+00, v45;
	v57 =	vsub.f32 v42, v54  }
0x1ef: {  	v60 =	vadd.s32 $0x1, v3;
	v6 =	vor.u32 v6, v58;
	v59 =	vsub.f32 v45, v54;
	[tilespmem:v52+s2+$0x0] =	vst.idx.add.f32.msk $0xffff, v54  }
0x1f0: {  	v6 =	vadd.s32 $0x100, v6;
	v1 =	vsub.f32 v1, v57;
	[tilespmem:v11+s2+$0x0] =	vst.idx.add.f32.msk $0xffff, v57;
	v61 =	vmul.f32 v55, v13  }
0x1f1: {  	v62 =	vadd.s32 $0x101, v3;
	[tilespmem:v56+s2+$0x0] =	vst.idx.add.f32.msk $0xffff, v59  }
.Ltmp10:
0x1f2: {  	[tilespmem:v2+s2+$0x0] =	vst.idx.add.f32.msk $0xffff, v1;
	v2 =	vsub.f32 $1.000000000e+00, v55;
	v1 =	vsub.f32 v13, v61;
	(pc) =	sbr.rel .LBB2_17-.Ltmp10, $4  }
0x1f3: {  	v63 =	vsub.f32 v55, v61;
	[tilespmem:v3+s2+$0x0] =	vst.idx.add.f32.msk $0xffff, v61  }
0x1f4: {  	v2 =	vsub.f32 v2, v1;
	[tilespmem:v60+s2+$0x0] =	vst.idx.add.f32.msk $0xffff, v1  }
0x1f5: {  	[tilespmem:v6+s2+$0x0] =	vst.idx.add.f32.msk $0xffff, v63  }
0x1f6: {  	[tilespmem:v62+s2+$0x0] =	vst.idx.add.f32.msk $0xffff, v2  }
.LBB2_11:
0x1f7: {  	v1 =	vld [tilespmem:s30+$0x30]  }
0x1f8: {  	v4 =	vld [tilespmem:s30+$0x20]  }
0x1f9: {  	v5 =	vld [tilespmem:s30+$0x10]  }
0x1fa: {  	v8 =	vld [tilespmem:s30+$0x0]  }
0x1fb: {  	s0 =	simm.s32 $0x10040;
	v10 =	vld [tilespmem:s30+$0xFFFFFFF0]  }
0x1fc: {  	v2 =	vld [tilespmem:s0+$0x20]  }
0x1fd: {  	v3 =	vld [tilespmem:s0+$0x30]  }
0x1fe: {  	v6 =	vld [tilespmem:s0+$0xFFFFFFC0]  }
0x1ff: {  	v7 =	vld [tilespmem:s0+$0x10]  }
0x200: {  	v9 =	vld [tilespmem:s0+$0x0]  }
0x201: {  	v11 =	vld [tilespmem:s0+$0xFFFFFFF0];
	v1 =	vmul.f32 $2.611200000e+05, v1  }
0x202: {  	v14 =	vld [tilespmem:s0+$0xFFFFFFE0];
	v4 =	vmul.f32 $2.611200000e+05, v4;
	v5 =	vmul.f32 $2.611200000e+05, v5  }
0x203: {  	v15 =	vmul.f32 $2.611200000e+05, v8;
	v10 =	vmul.f32 $2.611200000e+05, v10  }
0x204: {  	v3 =	vmul.f32 $2.611200000e+05, v3;
	v2 =	vmul.f32 $2.611200000e+05, v2  }
0x205: {  	v6 =	vmul.f32 $2.611200000e+05, v6;
	v7 =	vmul.f32 $2.611200000e+05, v7  }
0x206: {  	v9 =	vmul.f32 $2.611200000e+05, v9;
	v11 =	vmul.f32 $2.611200000e+05, v11  }
0x207: {  	v16 =	vld [tilespmem:s0+$0xFFFFFFD0];
	v14 =	vmul.f32 $2.611200000e+05, v14;
	v1 =	vtrunc.f32 v1  }
0x208: {  	v4 =	vtrunc.f32 v4;
	v5 =	vtrunc.f32 v5  }
0x209: {  	v15 =	vtrunc.f32 v15;
	v1 =	vcvt.f32.s32 v1  }
0x20a: {  	v3 =	vtrunc.f32 v3;
	v2 =	vtrunc.f32 v2  }
0x20b: {  	v19 =	vld [tilespmem:s30+$0xFFFFFFC0];
	v4 =	vcvt.f32.s32 v4;
	v6 =	vtrunc.f32 v6  }
0x20c: {  	v21 =	vcvt.f32.s32 v5;
	v5 =	vmul.f32 $2.611200000e+05, v16  }
0x20d: {  	v23 =	vtrunc.f32 v7;
	v9 =	vtrunc.f32 v9  }
0x20e: {  	v12 =	vld [tilespmem:s30+$0xFFFFFFE0];
	v32 =	vcvt.f32.s32 v15;
	v30 =	vtrunc.f32 v11  }
0x20f: {  	v3 =	vcvt.f32.s32 v3;
	v2 =	vcvt.f32.s32 v2  }
0x210: {  	v7 =	vcvt.f32.s32 v6;
	v6 =	vmul.f32 $2.611200000e+05, v19  }
0x211: {  	v26 =	vcvt.f32.s32 v9;
	v34 =	vcvt.f32.s32 v23  }
0x212: {  	v30 =	vcvt.f32.s32 v30;
	v13 =	vand.u32 $0x3FF, v1;
	v8 =	vshra.s32 v1, $0xA  }
0x213: {  	v17 =	vand.u32 $0x3FF, v3;
	v1 =	vshra.s32 v3, $0x2;
	v3 =	vmul.f32 $2.611200000e+05, v12  }
0x214: {  	v9 =	vld [tilespmem:s30+$0xFFFFFFD0];
	v18 =	vand.u32 $0x3FF, v4;
	v5 =	vtrunc.f32 v5;
	v31 =	vand.u32 $0x3FF, v32  }
0x215: {  	v12 =	vand.u32 $0x3FF, v2;
	v2 =	vshra.s32 v2, $0x2;
	v20 =	vtrunc.f32 v3  }
0x216: {  	v6 =	vtrunc.f32 v6;
	v25 =	vand.u32 $0x3FF, v7;
	v24 =	vcvt.f32.s32 v20  }
0x217: {  	v7 =	vshra.s32 v7, $0x2;
	v27 =	vcvt.f32.s32 v6;
	v6 =	vtrunc.f32 v10  }
0x218: {  	v29 =	vcvt.f32.s32 v5;
	v28 =	vcvt.f32.s32 v6;
	v6 =	vld.idx.msk [tilespmem:v13+s11+$0x0], $0xffff;
	v19 =	vand.u32 $0x3FF, v24  }
0x219: {  	v44 =	vand.u32 $0x3FF, v26;
	v42 =	vshra.s32 v26, $0x2;
	v35 =	vmul.f32 $2.611200000e+05, v9;
	v9 =	vld.idx.msk [tilespmem:v31+s11+$0x0], $0xffff  }
0x21a: {  	v41 =	vand.u32 $0x3FF, v30;
	v10 =	vtrunc.f32 v14;
	v14 =	vand.u32 $0x3FF, v27;
	v22 =	vld.idx.msk [tilespmem:v17+s11+$0x0], $0xffff  }
0x21b: {  	v39 =	vshra.s32 v30, $0x2;
	v20 =	vcvt.f32.s32 v10;
	v15 =	vand.u32 $0x3FF, v28;
	v10 =	vld.idx.msk [tilespmem:v12+s11+$0x0], $0xffff  }
0x21c: {  	v1 =	vand.u32 $0xFFFFFF00, v1;
	v2 =	vand.u32 $0xFFFFFF00, v2;
	v17 =	vand.u32 $0x3FF, v21;
	v25 =	vld.idx.msk [tilespmem:v25+s11+$0x0], $0xffff  }
0x21d: {  	v12 =	vand.u32 $0xFFFFFF00, v7;
	v7 =	vshra.s32 v4, $0xA;
	v5 =	vld.idx.msk [tilespmem:v19+s11+$0x0], $0xffff;
	v19 =	vand.u32 $0x3FF, v20  }
0x21e: {  	v1 =	vadd.s32 v8, v1;
	v4 =	vadd.s32 v7, v2;
	v40 =	vand.u32 $0x7, v7;
	v7 =	vld.idx.msk [tilespmem:v18+s11+$0x0], $0xffff  }
0x21f: {  	v33 =	vand.u32 $0x3FF, v29;
	v3 =	vand.u32 $0xFFFFFFF8, v1;
	v2 =	vshra.s32 v29, $0x2;
	v43 =	vld.idx.msk [tilespmem:v14+s11+$0x0], $0xffff  }
0x220: {  	v16 =	vadd.s32 $0x1, v1;
	v23 =	vand.u32 $0xFFFFFF00, v2;
	v2 =	vld.idx.msk [tilespmem:v15+s11+$0x0], $0xffff;
	v15 =	vshra.s32 v27, $0xA  }
0x221: {  	v37 =	vshra.s32 v28, $0xA;
	v24 =	vshra.s32 v24, $0xA;
	v31 =	vadd.s32 v15, v12;
	v29 =	vld.idx.msk [tilespmem:v17+s11+$0x0], $0xffff  }
0x222: {  	v27 =	vand.u32 $0xFFFFFFF8, v4;
	v13 =	vmul.f32 v6, v22;
	v14 =	vld.idx.msk [tilespmem:v19+s11+$0x0], $0xffff;
	v19 =	vand.u32 $0x3FF, v34  }
0x223: {  	v15 =	vand.u32 $0x7, v15;
	v30 =	vor.u32 v40, v27;
	v40 =	vld.idx.msk [tilespmem:v44+s11+$0x0], $0xffff;
	v26 =	vand.u32 $0xFFFFFFF8, v31  }
0x224: {  	v17 =	vshra.s32 v34, $0x2;
	v26 =	vor.u32 v15, v26;
	v15 =	vld.idx.msk [tilespmem:v33+s11+$0x0], $0xffff;
	v33 =	vmul.f32 v43, v25  }
0x225: {  	v18 =	vand.u32 $0x7, v24;
	v11 =	vsub.f32 $1.000000000e+00, v6;
	v38 =	vand.u32 $0xFFFFFF00, v17;
	[tilespmem:v1+s2+$0x0] =	vst.idx.add.f32.msk $0xffff, v13  }
0x226: {  	v17 =	vand.u32 $0x7, v37;
	v27 =	vadd.s32 $0x100, v26;
	v12 =	vsub.f32 $1.000000000e+00, v5;
	[tilespmem:v31+s2+$0x0] =	vst.idx.add.f32.msk $0xffff, v33  }
0x227: {  	s1 =	simm.s32 $0x0;
	s3 =	sadd.s32 $0x80, s30;
	v34 =	vsub.f32 $1.000000000e+00, v43;
	v28 =	vsub.f32 v43, v33;
	v36 =	vld.idx.msk [tilespmem:v19+s11+$0x0], $0xffff;
	v19 =	vmul.f32 v5, v14  }
.LBB2_12:
0x228: {  	v26 =	vld [tilespmem:s3+$0x10];
	s1 =	sadd.s32 $0x8, s1;
	v43 =	vsub.f32 v25, v33;
	v44 =	vand.u32 $0x7, v8;
	s0 =	sadd.s32 $0x80, s0  }
0x229: {  	v33 =	vadd.s32 $0x101, v31;
	v35 =	vtrunc.f32 v35;
	v45 =	vsub.f32 $1.000000000e+00, v2;
	v25 =	vld [tilespmem:s3+$0x0];
	p0 =	slt.u32 s1, $0x1F8  }
0x22a: {  	v46 =	vshra.s32 v32, $0xA;
	v32 =	vand.u32 $0xFFFFFF00, v42;
	v42 =	vshra.s32 v21, $0xA;
	v8 =	vld [tilespmem:s0+$0x10]  }
0x22b: {  	v47 =	vcvt.f32.s32 v35;
	v32 =	vadd.s32 v46, v32;
	v48 =	vand.u32 $0x7, v42;
	v41 =	vld.idx.msk [tilespmem:v41+s11+$0x0], $0xffff  }
0x22c: {  	v51 =	vsub.f32 $1.000000000e+00, v29;
	v52 =	vsub.f32 v22, v13;
	v50 =	vand.u32 $0xFFFFFFF8, v32;
	v49 =	vld [tilespmem:s3+$0x30]  }
0x22d: {  	v53 =	vsub.f32 v34, v43;
	v34 =	vand.u32 $0xFFFFFF00, v39;
	v54 =	vand.u32 $0x3FF, v47;
	v21 =	vld [tilespmem:s0+$0xFFFFFFF0]  }
0x22e: {  	v39 =	vadd.s32 $0x1, v31;
	v34 =	vadd.s32 v37, v34;
	v37 =	vmul.f32 v7, v10;
	v22 =	vld [tilespmem:s3+$0xFFFFFFF0]  }
0x22f: {  	v57 =	vmul.f32 v29, v36;
	v56 =	vmul.f32 v9, v40;
	v55 =	vadd.s32 $0x1, v34;
	v31 =	vld [tilespmem:s0+$0x20]  }
0x230: {  	v58 =	vsub.f32 $1.000000000e+00, v9;
	v46 =	vand.u32 $0x7, v46;
	v38 =	vadd.s32 v42, v38;
	v35 =	vld [tilespmem:s3+$0x20]  }
0x231: {  	v42 =	vshra.s32 v47, $0xA;
	v29 =	vsub.f32 v29, v57;
	v40 =	vsub.f32 v40, v56;
	[tilespmem:v16+s2+$0x0] =	vst.idx.add.f32.msk $0xffff, v52  }
0x232: {  	v47 =	vand.u32 $0xFFFFFFF8, v38;
	v16 =	vadd.s32 v42, v23;
	v23 =	vadd.s32 $0x1, v32;
	[tilespmem:v4+s2+$0x0] =	vst.idx.add.f32.msk $0xffff, v37  }
0x233: {  	v20 =	vshra.s32 v20, $0x2;
	[tilespmem:v39+s2+$0x0] =	vst.idx.add.f32.msk $0xffff, v43;
	v39 =	vand.u32 $0xFFFFFFF8, v16;
	v43 =	vsub.f32 v58, v40  }
0x234: {  	v20 =	vand.u32 $0xFFFFFF00, v20;
	v47 =	vor.u32 v48, v47;
	v42 =	vand.u32 $0x7, v42;
	[tilespmem:v32+s2+$0x0] =	vst.idx.add.f32.msk $0xffff, v56  }
0x235: {  	v20 =	vadd.s32 v24, v20;
	v24 =	vadd.s32 $0x1, v38;
	v47 =	vadd.s32 $0x100, v47;
	[tilespmem:v38+s2+$0x0] =	vst.idx.add.f32.msk $0xffff, v57  }
0x236: {  	v36 =	vsub.f32 v36, v57;
	v49 =	vmul.f32 $2.611200000e+05, v49;
	v58 =	vand.u32 $0xFFFFFFF8, v20;
	v48 =	vld [tilespmem:s0+$0x0]  }
0x237: {  	v10 =	vsub.f32 v10, v37;
	v39 =	vor.u32 v42, v39;
	v18 =	vor.u32 v18, v58;
	v54 =	vld.idx.msk [tilespmem:v54+s11+$0x0], $0xffff  }
0x238: {  	v3 =	vor.u32 v44, v3;
	v42 =	vtrunc.f32 v49;
	[tilespmem:v23+s2+$0x0] =	vst.idx.add.f32.msk $0xffff, v40;
	v23 =	vsub.f32 $1.000000000e+00, v7  }
0x239: {  	v30 =	vadd.s32 $0x100, v30;
	v44 =	vadd.s32 $0x1, v4;
	v18 =	vadd.s32 $0x100, v18;
	v40 =	vld [tilespmem:s0+$0xFFFFFFC0]  }
0x23a: {  	v49 =	vadd.s32 $0x101, v20;
	v7 =	vsub.f32 v7, v37;
	[tilespmem:v24+s2+$0x0] =	vst.idx.add.f32.msk $0xffff, v36;
	v23 =	vsub.f32 v23, v10  }
0x23b: {  	v14 =	vsub.f32 v14, v19;
	v11 =	vsub.f32 v11, v52;
	v24 =	vcvt.f32.s32 v42;
	[tilespmem:v47+s2+$0x0] =	vst.idx.add.f32.msk $0xffff, v29  }
0x23c: {  	v5 =	vsub.f32 v5, v19;
	v6 =	vsub.f32 v6, v13;
	v37 =	vadd.s32 $0x101, v4;
	v29 =	vld [tilespmem:s0+$0x30]  }
0x23d: {  	v12 =	vsub.f32 v12, v14;
	v3 =	vadd.s32 $0x100, v3;
	v4 =	vand.u32 $0x3FF, v24;
	[tilespmem:v27+s2+$0x0] =	vst.idx.add.f32.msk $0xffff, v28  }
0x23e: {  	v13 =	vadd.s32 $0x1, v20;
	v27 =	vor.u32 v46, v50;
	v28 =	vsub.f32 v51, v36;
	[tilespmem:v44+s2+$0x0] =	vst.idx.add.f32.msk $0xffff, v10  }
0x23f: {  	v10 =	vmul.f32 v2, v41;
	[tilespmem:v20+s2+$0x0] =	vst.idx.add.f32.msk $0xffff, v19;
	v19 =	vand.u32 $0xFFFFFFF8, v34;
	v20 =	vadd.s32 $0x100, v27  }
0x240: {  	v9 =	vsub.f32 v9, v56;
	v17 =	vor.u32 v17, v19;
	v19 =	vadd.s32 $0x101, v38;
	[tilespmem:v30+s2+$0x0] =	vst.idx.add.f32.msk $0xffff, v7  }
0x241: {  	v27 =	vadd.s32 $0x100, v39;
	v7 =	vadd.s32 $0x1, v16;
	v30 =	vsub.f32 v41, v10;
	[tilespmem:v34+s2+$0x0] =	vst.idx.add.f32.msk $0xffff, v10  }
0x242: {  	v36 =	vmul.f32 v54, v15;
	v2 =	vsub.f32 v2, v10;
	[tilespmem:v3+s2+$0x0] =	vst.idx.add.f32.msk $0xffff, v6  }
0x243: {  	v3 =	vsub.f32 $1.000000000e+00, v54;
	v6 =	vsub.f32 v45, v30;
	[tilespmem:v55+s2+$0x0] =	vst.idx.add.f32.msk $0xffff, v30  }
0x244: {  	v1 =	vadd.s32 $0x101, v1;
	v10 =	vsub.f32 v15, v36;
	[tilespmem:v20+s2+$0x0] =	vst.idx.add.f32.msk $0xffff, v9  }
0x245: {  	v9 =	vsub.f32 v54, v36;
	[tilespmem:v16+s2+$0x0] =	vst.idx.add.f32.msk $0xffff, v36  }
0x246: {  	v15 =	vadd.s32 $0x101, v16;
	v3 =	vsub.f32 v3, v10;
	[tilespmem:v33+s2+$0x0] =	vst.idx.add.f32.msk $0xffff, v53  }
0x247: {  	[tilespmem:v19+s2+$0x0] =	vst.idx.add.f32.msk $0xffff, v28  }
0x248: {  	[tilespmem:v7+s2+$0x0] =	vst.idx.add.f32.msk $0xffff, v10;
	v7 =	vadd.s32 $0x100, v17  }
0x249: {  	[tilespmem:v1+s2+$0x0] =	vst.idx.add.f32.msk $0xffff, v11  }
0x24a: {  	v1 =	vadd.s32 $0x101, v32;
	[tilespmem:v27+s2+$0x0] =	vst.idx.add.f32.msk $0xffff, v9  }
0x24b: {  	[tilespmem:v13+s2+$0x0] =	vst.idx.add.f32.msk $0xffff, v14  }
0x24c: {  	[tilespmem:v18+s2+$0x0] =	vst.idx.add.f32.msk $0xffff, v5;
	v5 =	vadd.s32 $0x101, v34  }
0x24d: {  	[tilespmem:v7+s2+$0x0] =	vst.idx.add.f32.msk $0xffff, v2  }
0x24e: {  	v2 =	vmul.f32 $2.611200000e+05, v29;
	[tilespmem:v15+s2+$0x0] =	vst.idx.add.f32.msk $0xffff, v3  }
0x24f: {  	v3 =	vmul.f32 $2.611200000e+05, v35;
	[tilespmem:v37+s2+$0x0] =	vst.idx.add.f32.msk $0xffff, v23  }
0x250: {  	v7 =	vmul.f32 $2.611200000e+05, v31;
	v2 =	vtrunc.f32 v2;
	[tilespmem:v1+s2+$0x0] =	vst.idx.add.f32.msk $0xffff, v43  }
0x251: {  	v1 =	vmul.f32 $2.611200000e+05, v26;
	v3 =	vtrunc.f32 v3;
	[tilespmem:v49+s2+$0x0] =	vst.idx.add.f32.msk $0xffff, v12  }
0x252: {  	v9 =	vmul.f32 $2.611200000e+05, v40;
	v2 =	vcvt.f32.s32 v2;
	[tilespmem:v5+s2+$0x0] =	vst.idx.add.f32.msk $0xffff, v6  }
0x253: {  	v7 =	vtrunc.f32 v7;
	v6 =	vmul.f32 $2.611200000e+05, v8;
	v8 =	vshra.s32 v24, $0xA;
	v5 =	vld [tilespmem:s3+$0xFFFFFFE0]  }
0x254: {  	v11 =	vmul.f32 $2.611200000e+05, v25;
	v12 =	vcvt.f32.s32 v3;
	v3 =	vand.u32 $0x3FF, v2;
	v10 =	vld [tilespmem:s0+$0xFFFFFFE0]  }
0x255: {  	v14 =	vmul.f32 $2.611200000e+05, v48;
	v15 =	vtrunc.f32 v1;
	v1 =	vshra.s32 v2, $0x2;
	v13 =	vld [tilespmem:s3+$0xFFFFFFD0]  }
0x256: {  	v17 =	vmul.f32 $2.611200000e+05, v22;
	v7 =	vcvt.f32.s32 v7;
	v18 =	vand.u32 $0x3FF, v12;
	v2 =	vld [tilespmem:s0+$0xFFFFFFD0]  }
0x257: {  	v9 =	vtrunc.f32 v9;
	v23 =	vmul.f32 $2.611200000e+05, v21;
	v1 =	vand.u32 $0xFFFFFF00, v1;
	v19 =	vld [tilespmem:s3+$0xFFFFFFC0]  }
0x258: {  	v20 =	vand.u32 $0x3FF, v7;
	v1 =	vadd.s32 v8, v1;
	v5 =	vmul.f32 $2.611200000e+05, v5  }
0x259: {  	v7 =	vshra.s32 v7, $0x2;
	v24 =	vmul.f32 $2.611200000e+05, v10;
	v22 =	vld.idx.msk [tilespmem:v3+s11+$0x0], $0xffff;
	v3 =	vand.u32 $0xFFFFFFF8, v1  }
0x25a: {  	v21 =	vcvt.f32.s32 v15;
	v7 =	vand.u32 $0xFFFFFF00, v7;
	v5 =	vtrunc.f32 v5  }
0x25b: {  	v15 =	vtrunc.f32 v6;
	v2 =	vmul.f32 $2.611200000e+05, v2  }
0x25c: {  	v9 =	vcvt.f32.s32 v9;
	v16 =	vadd.s32 $0x1, v1;
	v26 =	vcvt.f32.s32 v5  }
0x25d: {  	v11 =	vtrunc.f32 v11;
	v5 =	vmul.f32 $2.611200000e+05, v19;
	v19 =	vand.u32 $0x3FF, v21;
	v10 =	vld.idx.msk [tilespmem:v20+s11+$0x0], $0xffff  }
0x25e: {  	v25 =	vand.u32 $0x3FF, v9;
	v6 =	vtrunc.f32 v14;
	v2 =	vtrunc.f32 v2  }
0x25f: {  	v27 =	vcvt.f32.s32 v6;
	v14 =	vand.u32 $0x3FF, v26;
	v5 =	vtrunc.f32 v5;
	v6 =	vld.idx.msk [tilespmem:v4+s11+$0x0], $0xffff  }
0x260: {  	v28 =	vcvt.f32.s32 v5;
	v4 =	vshra.s32 v9, $0x2;
	v5 =	vtrunc.f32 v17  }
0x261: {  	v12 =	vshra.s32 v12, $0xA;
	v9 =	vand.u32 $0xFFFFFF00, v4;
	v4 =	vtrunc.f32 v24  }
0x262: {  	v2 =	vcvt.f32.s32 v2;
	v30 =	vcvt.f32.s32 v5;
	v17 =	vand.u32 $0x3FF, v28  }
0x263: {  	v32 =	vcvt.f32.s32 v11;
	v20 =	vcvt.f32.s32 v4;
	v4 =	vadd.s32 v12, v7  }
0x264: {  	v29 =	vand.u32 $0x3FF, v30;
	v5 =	vld.idx.msk [tilespmem:v14+s11+$0x0], $0xffff;
	v14 =	vtrunc.f32 v23  }
0x265: {  	v35 =	vmul.f32 $2.611200000e+05, v13;
	v31 =	vand.u32 $0x3FF, v20;
	v23 =	vshra.s32 v2, $0x2  }
0x266: {  	v33 =	vand.u32 $0x3FF, v32;
	v36 =	vand.u32 $0x7, v12;
	v13 =	vmul.f32 v6, v22;
	v25 =	vld.idx.msk [tilespmem:v25+s11+$0x0], $0xffff  }
0x267: {  	v39 =	vand.u32 $0x3FF, v2;
	v24 =	vshra.s32 v26, $0xA;
	v11 =	vsub.f32 $1.000000000e+00, v6;
	v7 =	vld.idx.msk [tilespmem:v18+s11+$0x0], $0xffff  }
0x268: {  	v12 =	vcvt.f32.s32 v15;
	v23 =	vand.u32 $0xFFFFFF00, v23;
	v26 =	vld.idx.msk [tilespmem:v17+s11+$0x0], $0xffff;
	v17 =	vcvt.f32.s32 v14  }
0x269: {  	v15 =	vshra.s32 v28, $0xA;
	v28 =	vand.u32 $0xFFFFFFF8, v4;
	v18 =	vand.u32 $0x7, v24;
	v2 =	vld.idx.msk [tilespmem:v29+s11+$0x0], $0xffff  }
0x26a: {  	v40 =	vand.u32 $0x3FF, v27;
	v42 =	vshra.s32 v27, $0x2;
	v27 =	vand.u32 $0x3FF, v12;
	v14 =	vld.idx.msk [tilespmem:v31+s11+$0x0], $0xffff  }
0x26b: {  	v31 =	vadd.s32 v15, v9;
	v41 =	vand.u32 $0x3FF, v17;
	v9 =	vld.idx.msk [tilespmem:v33+s11+$0x0], $0xffff;
	v33 =	vshra.s32 v12, $0x2  }
0x26c: {  	v15 =	vand.u32 $0x7, v15;
	v34 =	vand.u32 $0xFFFFFFF8, v31;
	v12 =	vsub.f32 $1.000000000e+00, v5;
	v29 =	vld.idx.msk [tilespmem:v19+s11+$0x0], $0xffff  }
.Ltmp11:
0x26d: {  	v37 =	vshra.s32 v30, $0xA;
	v19 =	vor.u32 v15, v34;
	v38 =	vand.u32 $0xFFFFFF00, v33;
	[tilespmem:v1+s2+$0x0] =	vst.idx.add.f32.msk $0xffff, v13;
	(pc) =	sbr.rel @p0 .LBB2_12-.Ltmp11, $4  }
0x26e: {  	v30 =	vor.u32 v36, v28;
	v34 =	vsub.f32 $1.000000000e+00, v26;
	v15 =	vld.idx.msk [tilespmem:v39+s11+$0x0], $0xffff;
	v39 =	vshra.s32 v17, $0x2  }
0x26f: {  	v33 =	vmul.f32 v26, v25;
	v17 =	vand.u32 $0x7, v37;
	v36 =	vld.idx.msk [tilespmem:v27+s11+$0x0], $0xffff  }
0x270: {  	v27 =	vadd.s32 $0x100, v19;
	v19 =	vmul.f32 v5, v14;
	v40 =	vld.idx.msk [tilespmem:v40+s11+$0x0], $0xffff  }
0x271: {  	s3 =	sadd.s32 $0x80, s3;
	v28 =	vsub.f32 v26, v33;
	[tilespmem:v31+s2+$0x0] =	vst.idx.add.f32.msk $0xffff, v33  }
0x272: {  	_ =	sdelay $0x1  }
0x273: {  	v26 =	vtrunc.f32 v35;
	v32 =	vshra.s32 v32, $0xA;
	v53 =	vadd.s32 $0x1, v31  }
0x274: {  	v52 =	vand.u32 $0xFFFFFF00, v42;
	v22 =	vsub.f32 v22, v13;
	v57 =	vadd.s32 $0x1, v4  }
0x275: {  	v21 =	vshra.s32 v21, $0xA;
	v41 =	vld.idx.msk [tilespmem:v41+s11+$0x0], $0xffff;
	v43 =	vmul.f32 v7, v10;
	v35 =	vadd.s32 v32, v52  }
0x276: {  	v25 =	vsub.f32 v25, v33;
	v38 =	vadd.s32 v21, v38;
	[tilespmem:v16+s2+$0x0] =	vst.idx.add.f32.msk $0xffff, v22  }
0x277: {  	v20 =	vshra.s32 v20, $0x2;
	[tilespmem:v4+s2+$0x0] =	vst.idx.add.f32.msk $0xffff, v43;
	v10 =	vsub.f32 v10, v43  }
0x278: {  	v8 =	vand.u32 $0x7, v8;
	v30 =	vadd.s32 $0x100, v30;
	v55 =	vmul.f32 v9, v40;
	[tilespmem:v53+s2+$0x0] =	vst.idx.add.f32.msk $0xffff, v25  }
0x279: {  	v6 =	vsub.f32 v6, v13;
	v44 =	vadd.s32 $0x1, v35;
	v46 =	vmul.f32 v29, v36;
	[tilespmem:v57+s2+$0x0] =	vst.idx.add.f32.msk $0xffff, v10  }
0x27a: {  	v20 =	vand.u32 $0xFFFFFF00, v20;
	v3 =	vor.u32 v8, v3;
	v56 =	vadd.s32 $0x1, v38;
	[tilespmem:v35+s2+$0x0] =	vst.idx.add.f32.msk $0xffff, v55  }
0x27b: {  	v39 =	vand.u32 $0xFFFFFF00, v39;
	v20 =	vadd.s32 v24, v20;
	v61 =	vsub.f32 v7, v43;
	[tilespmem:v38+s2+$0x0] =	vst.idx.add.f32.msk $0xffff, v46  }
0x27c: {  	v26 =	vcvt.f32.s32 v26;
	v24 =	vadd.s32 v37, v39;
	v40 =	vsub.f32 v40, v55;
	[tilespmem:v27+s2+$0x0] =	vst.idx.add.f32.msk $0xffff, v28  }
0x27d: {  	v1 =	vadd.s32 $0x101, v1;
	v3 =	vadd.s32 $0x100, v3;
	v36 =	vsub.f32 v36, v46;
	[tilespmem:v30+s2+$0x0] =	vst.idx.add.f32.msk $0xffff, v61  }
0x27e: {  	v21 =	vand.u32 $0x7, v21;
	v59 =	vand.u32 $0x7, v32;
	v54 =	vand.u32 $0x3FF, v26;
	[tilespmem:v44+s2+$0x0] =	vst.idx.add.f32.msk $0xffff, v40  }
0x27f: {  	v45 =	vand.u32 $0xFFFFFFF8, v38;
	v39 =	vadd.s32 $0x101, v31;
	v63 =	vmul.f32 v2, v41;
	[tilespmem:v56+s2+$0x0] =	vst.idx.add.f32.msk $0xffff, v36  }
0x280: {  	v58 =	vand.u32 $0xFFFFFFF8, v35;
	v37 =	vsub.f32 $1.000000000e+00, v29;
	v21 =	vor.u32 v21, v45;
	[tilespmem:v20+s2+$0x0] =	vst.idx.add.f32.msk $0xffff, v19  }
0x281: {  	v43 =	vadd.s32 $0x101, v38;
	v11 =	vsub.f32 v11, v22;
	v21 =	vadd.s32 $0x100, v21;
	[tilespmem:v24+s2+$0x0] =	vst.idx.add.f32.msk $0xffff, v63  }
0x282: {  	v60 =	vadd.s32 $0x1, v24;
	v8 =	vor.u32 v59, v58;
	v25 =	vsub.f32 v34, v25;
	[tilespmem:v3+s2+$0x0] =	vst.idx.add.f32.msk $0xffff, v6  }
0x283: {  	v62 =	vshra.s32 v26, $0xA;
	v49 =	vadd.s32 $0x1, v20;
	v8 =	vadd.s32 $0x100, v8;
	v33 =	vld.idx.msk [tilespmem:v54+s11+$0x0], $0xffff  }
0x284: {  	v50 =	vand.u32 $0xFFFFFFF8, v24;
	v23 =	vadd.s32 v62, v23;
	v46 =	vsub.f32 v29, v46;
	[tilespmem:v39+s2+$0x0] =	vst.idx.add.f32.msk $0xffff, v25  }
0x285: {  	v51 =	vor.u32 v17, v50;
	v42 =	vand.u32 $0xFFFFFFF8, v23;
	v41 =	vsub.f32 v41, v63;
	[tilespmem:v1+s2+$0x0] =	vst.idx.add.f32.msk $0xffff, v11  }
0x286: {  	v16 =	vsub.f32 v9, v55;
	v48 =	vsub.f32 v37, v36;
	v3 =	vand.u32 $0x7, v62;
	[tilespmem:v21+s2+$0x0] =	vst.idx.add.f32.msk $0xffff, v46  }
0x287: {  	v44 =	vadd.s32 $0x1, v23;
	v3 =	vor.u32 v3, v42;
	v54 =	vsub.f32 v14, v19;
	[tilespmem:v60+s2+$0x0] =	vst.idx.add.f32.msk $0xffff, v41  }
0x288: {  	v46 =	vand.u32 $0xFFFFFFF8, v20;
	[tilespmem:v8+s2+$0x0] =	vst.idx.add.f32.msk $0xffff, v16;
	v3 =	vadd.s32 $0x100, v3;
	v45 =	vmul.f32 v33, v15  }
0x289: {  	v53 =	vadd.s32 $0x100, v51;
	v47 =	vor.u32 v18, v46;
	[tilespmem:v43+s2+$0x0] =	vst.idx.add.f32.msk $0xffff, v48  }
0x28a: {  	[tilespmem:v49+s2+$0x0] =	vst.idx.add.f32.msk $0xffff, v54;
	v8 =	vadd.s32 $0x100, v47;
	v15 =	vsub.f32 v15, v45  }
0x28b: {  	v59 =	vadd.s32 $0x101, v35;
	[tilespmem:v23+s2+$0x0] =	vst.idx.add.f32.msk $0xffff, v45;
	v52 =	vsub.f32 v33, v45  }
0x28c: {  	v61 =	vadd.s32 $0x101, v20;
	v58 =	vsub.f32 v2, v63;
	v60 =	vsub.f32 $1.000000000e+00, v9;
	[tilespmem:v44+s2+$0x0] =	vst.idx.add.f32.msk $0xffff, v15  }
0x28d: {  	v56 =	vadd.s32 $0x101, v4;
	v1 =	vsub.f32 v5, v19;
	[tilespmem:v3+s2+$0x0] =	vst.idx.add.f32.msk $0xffff, v52;
	v3 =	vsub.f32 $1.000000000e+00, v7  }
0x28e: {  	v55 =	vadd.s32 $0x101, v23;
	[tilespmem:v53+s2+$0x0] =	vst.idx.add.f32.msk $0xffff, v58;
	v63 =	vsub.f32 v12, v54;
	v62 =	vsub.f32 v60, v40  }
0x28f: {  	v57 =	vsub.f32 $1.000000000e+00, v33;
	[tilespmem:v8+s2+$0x0] =	vst.idx.add.f32.msk $0xffff, v1;
	v1 =	vsub.f32 v3, v10;
	v3 =	vadd.s32 $0x101, v24  }
0x290: {  	v2 =	vsub.f32 $1.000000000e+00, v2;
	[tilespmem:v59+s2+$0x0] =	vst.idx.add.f32.msk $0xffff, v62  }
0x291: {  	v5 =	vsub.f32 v57, v15;
	[tilespmem:v61+s2+$0x0] =	vst.idx.add.f32.msk $0xffff, v63  }
0x292: {  	[tilespmem:v56+s2+$0x0] =	vst.idx.add.f32.msk $0xffff, v1;
	v1 =	vsub.f32 v2, v41  }
0x293: {  	[tilespmem:v55+s2+$0x0] =	vst.idx.add.f32.msk $0xffff, v5  }
0x294: {  	[tilespmem:v3+s2+$0x0] =	vst.idx.add.f32.msk $0xffff, v1  }
.LBB2_17:
0x295: {  	p0 =	sne.s32 s29, $0x0  }
0x296: {  	p1 =	sgt.s32 @!p0 s26, $0x2  }
0x297: {  	p0 =	por p0, p1  }
.Ltmp12:
0x298: {  	_ = 	snop;
	(pc) =	sbr.rel @p0 .LBB2_21-.Ltmp12, $1  }
0x299: {  	_ =	sdelay $0x3  }
0x29a: {  	s0 =	sadd.s32 s28, s26  }
0x29b: {  	s0 =	smul.u32 $0x190, s0;
	_ =	sdelay $0x1  }
0x29c: {  	s1 =	rddreg [dreg:$0x1];
	s0 =	sshrl.u32 s0, $0x3  }
0x29d: {  	s3 =	simm.s32 $0x18020;
	s1 =	sadd.s32 s1, s0  }
0x29e: {  	[tilespmem:s3], [sflag:$0x5] =	stream.linear.gather [hbm4b:s1+s2], $0x190, $0x38;
	[tilespmem:$0x188D0] =	vst v63  }
0x29f: {  	_ =	swait.ge [sflag:s12], $0x190  }
0x2a0: {  	[sflag:s12] =	ssyncset.done $0x0;
	s26 =	rddreg [dreg:$0x3]  }
0x2a1: {  	s28 =	simm.s32 $0x181B0;
	[sflag:s12] =	ssyncadd.s32 $0xFFFFFE70;
	s0 =	sadd.s32 s26, s0  }
0x2a2: {  	[tilespmem:s28], [sflag:$0x5] =	stream.linear.gather [hbm4b:s0+s2], $0x190, $0x38;
	[tilespmem:$0x188D0] =	vst v63  }
0x2a3: {  	_ =	swait.ge [sflag:s12], $0x190  }
0x2a4: {  	[sflag:s12] =	ssyncset.done $0x0  }
0x2a5: {  	s30 =	simm.s32 $0x18340;
	s29 =	rddreg [dreg:$0x4];
	[sflag:s12] =	ssyncadd.s32 $0xFFFFFE70  }
0x2a6: {  	[tilespmem:s30], [sflag:$0x5] =	stream.linear.gather [hbm4b:s29+s2], $0x190, $0x38;
	[tilespmem:$0x188D0] =	vst v63  }
0x2a7: {  	_ =	swait.ge [sflag:s12], $0x190  }
0x2a8: {  	[sflag:s12] =	ssyncset.done $0x0  }
0x2a9: {  	s31 =	simm.s32 $0x181D0;
	[sflag:s12] =	ssyncadd.s32 $0xFFFFFE70  }
0x2aa: {  	s0 =	simm.s32 $0x18040;
	v1 =	vld [tilespmem:s31+$0x20]  }
0x2ab: {  	v2 =	vld [tilespmem:s0+$0x20]  }
0x2ac: {  	v3 =	vld [tilespmem:s0+$0xFFFFFFE0]  }
0x2ad: {  	v4 =	vld [tilespmem:s0+$0x0]  }
0x2ae: {  	v5 =	vld [tilespmem:s0+$0x10]  }
0x2af: {  	v6 =	vld [tilespmem:s31+$0x10]  }
0x2b0: {  	v7 =	vld [tilespmem:s31+$0x0]  }
0x2b1: {  	v8 =	vld [tilespmem:s31+$0xFFFFFFF0];
	_ =	sdelay $0x1  }
0x2b2: {  	v1 =	vmul.f32 $2.611200000e+05, v1;
	v2 =	vmul.f32 $2.611200000e+05, v2  }
0x2b3: {  	v3 =	vmul.f32 $2.611200000e+05, v3;
	v4 =	vmul.f32 $2.611200000e+05, v4  }
0x2b4: {  	v5 =	vmul.f32 $2.611200000e+05, v5;
	v6 =	vmul.f32 $2.611200000e+05, v6  }
0x2b5: {  	v7 =	vmul.f32 $2.611200000e+05, v7;
	v8 =	vmul.f32 $2.611200000e+05, v8  }
0x2b6: {  	v1 =	vtrunc.f32 v1;
	v2 =	vtrunc.f32 v2  }
0x2b7: {  	v3 =	vtrunc.f32 v3;
	v5 =	vtrunc.f32 v5  }
0x2b8: {  	v9 =	vld [tilespmem:s0+$0xFFFFFFF0];
	v6 =	vtrunc.f32 v6;
	v7 =	vtrunc.f32 v7  }
0x2b9: {  	v1 =	vcvt.f32.s32 v1;
	v2 =	vcvt.f32.s32 v2  }
0x2ba: {  	v4 =	vtrunc.f32 v4;
	v7 =	vcvt.f32.s32 v7  }
0x2bb: {  	v10 =	vand.u32 $0x3FF, v1;
	v11 =	vand.u32 $0x3FF, v2;
	v2 =	vshra.s32 v2, $0x2  }
0x2bc: {  	v12 =	vld [tilespmem:s31+$0xFFFFFFE0];
	v4 =	vcvt.f32.s32 v4;
	v13 =	vand.u32 $0xFFFFFF00, v2;
	v2 =	vcvt.f32.s32 v6  }
0x2bd: {  	v14 =	vshra.s32 v1, $0xA;
	v6 =	vmul.f32 $2.611200000e+05, v9;
	v9 =	vcvt.f32.s32 v5  }
0x2be: {  	v1 =	vtrunc.f32 v8;
	v21 =	vshra.s32 v7, $0xA;
	v27 =	vand.u32 $0x3FF, v4  }
0x2bf: {  	v7 =	vand.u32 $0x3FF, v7;
	v5 =	vcvt.f32.s32 v3;
	v8 =	vand.u32 $0x3FF, v9  }
0x2c0: {  	v15 =	vand.u32 $0x7, v14;
	v17 =	vcvt.f32.s32 v1;
	v3 =	vtrunc.f32 v6;
	v6 =	vld.idx.msk [tilespmem:v10+s11+$0x0], $0xffff  }
0x2c1: {  	v3 =	vcvt.f32.s32 v3;
	v10 =	vand.u32 $0x3FF, v2;
	v18 =	vld.idx.msk [tilespmem:v11+s11+$0x0], $0xffff;
	v11 =	vmul.f32 $2.611200000e+05, v12  }
0x2c2: {  	s1 =	simm.s32 $0x18360;
	v16 =	vshra.s32 v2, $0xA;
	v2 =	vshra.s32 v9, $0x2;
	v9 =	vand.u32 $0x3FF, v5  }
0x2c3: {  	v20 =	vld [tilespmem:s1+$0x20];
	v12 =	vand.u32 $0x3FF, v3;
	v1 =	vshra.s32 v3, $0x2;
	v3 =	vtrunc.f32 v11  }
0x2c4: {  	v25 =	vand.u32 $0x3FF, v17;
	v2 =	vand.u32 $0xFFFFFF00, v2;
	v19 =	vcvt.f32.s32 v3;
	v24 =	vld.idx.msk [tilespmem:v8+s11+$0x0], $0xffff  }
0x2c5: {  	v11 =	vand.u32 $0xFFFFFF00, v1;
	v3 =	vshra.s32 v4, $0x2;
	v8 =	vld [tilespmem:s1+$0x10];
	v4 =	vadd.s32 v14, v13  }
0x2c6: {  	v1 =	vadd.s32 v16, v2;
	v23 =	vmul.f32 v6, v18;
	v10 =	vld.idx.msk [tilespmem:v10+s11+$0x0], $0xffff;
	v22 =	vand.u32 $0x3FF, v19  }
0x2c7: {  	v17 =	vshra.s32 v17, $0xA;
	v28 =	vand.u32 $0x7, v16;
	v26 =	vand.u32 $0xFFFFFFF8, v1;
	v9 =	vld.idx.msk [tilespmem:v9+s11+$0x0], $0xffff  }
0x2c8: {  	v13 =	vand.u32 $0x7, v17;
	v3 =	vand.u32 $0xFFFFFF00, v3;
	v31 =	vld.idx.msk [tilespmem:v12+s11+$0x0], $0xffff;
	v29 =	vmul.f32 v23, v20  }
0x2c9: {  	v11 =	vadd.s32 v17, v11;
	v3 =	vadd.s32 v21, v3;
	v12 =	vand.u32 $0x7, v21;
	v21 =	vld.idx.msk [tilespmem:v25+s11+$0x0], $0xffff  }
0x2ca: {  	v17 =	vand.u32 $0xFFFFFFF8, v11;
	v33 =	vadd.s32 $0x1, v4;
	v14 =	vsub.f32 v6, v23;
	[tilespmem:v4+s2+$0x0] =	vst.idx.add.f32.msk $0xffff, v29  }
0x2cb: {  	v18 =	vsub.f32 v18, v23;
	v23 =	vand.u32 $0xFFFFFFF8, v4;
	v16 =	vld.idx.msk [tilespmem:v22+s11+$0x0], $0xffff;
	v25 =	vmul.f32 v10, v24  }
0x2cc: {  	v22 =	vor.u32 v13, v17;
	v17 =	vld.idx.msk [tilespmem:v7+s11+$0x0], $0xffff;
	v7 =	vor.u32 v28, v26;
	v13 =	vshra.s32 v19, $0xA  }
0x2cd: {  	v26 =	vmul.f32 v14, v20;
	v14 =	vmul.f32 v25, v8;
	v34 =	vsub.f32 v24, v25  }
0x2ce: {  	v19 =	vld [tilespmem:s1+$0xFFFFFFE0];
	v24 =	vsub.f32 $1.000000000e+00, v6;
	v6 =	vadd.s32 $0x100, v7;
	v7 =	vor.u32 v15, v23  }
0x2cf: {  	v32 =	vsub.f32 $1.000000000e+00, v10;
	v28 =	vmul.f32 v18, v20;
	v30 =	vadd.s32 $0x100, v7;
	[tilespmem:v1+s2+$0x0] =	vst.idx.add.f32.msk $0xffff, v14  }
0x2d0: {  	v29 =	vmul.f32 v21, v31;
	v15 =	vsub.f32 v10, v25;
	v14 =	vld [tilespmem:s1+$0xFFFFFFF0];
	v23 =	vmul.f32 v16, v9  }
0x2d1: {  	v2 =	vadd.s32 $0x1, v1;
	[tilespmem:v33+s2+$0x0] =	vst.idx.add.f32.msk $0xffff, v28;
	v10 =	vsub.f32 v24, v18;
	v7 =	vsub.f32 v32, v34  }
0x2d2: {  	v28 =	vld.idx.msk [tilespmem:v27+s11+$0x0], $0xffff;
	v18 =	vmul.f32 v34, v8;
	v25 =	vsub.f32 $1.000000000e+00, v16;
	v24 =	vsub.f32 v9, v23  }
0x2d3: {  	s5 =	simm.s32 $0x18220;
	s3 =	simm.s32 $0x0;
	v27 =	vsub.f32 v31, v29;
	v10 =	vmul.f32 v10, v20;
	v20 =	vld [tilespmem:s1+$0x0];
	v7 =	vmul.f32 v7, v8  }
.LBB2_19:
0x2d4: {  	s3 =	sadd.s32 $0x5, s3;
	v25 =	vsub.f32 v25, v24;
	v31 =	vsub.f32 $1.000000000e+00, v21;
	[tilespmem:v30+s2+$0x0] =	vst.idx.add.f32.msk $0xffff, v26;
	s0 =	sadd.s32 $0x50, s0;
	s1 =	sadd.s32 $0x50, s1  }
0x2d5: {  	v9 =	vld [tilespmem:s1+$0x20];
	p0 =	slt.u32 s3, $0x14;
	v26 =	vmul.f32 v29, v14  }
0x2d6: {  	v32 =	vsub.f32 v16, v23;
	v30 =	vld [tilespmem:s5+$0xFFFFFFE0];
	v16 =	vmul.f32 v25, v19  }
0x2d7: {  	v23 =	vmul.f32 v23, v19;
	v21 =	vsub.f32 v21, v29;
	v29 =	vsub.f32 v31, v27;
	v25 =	vld [tilespmem:s0+$0xFFFFFFE0]  }
0x2d8: {  	v24 =	vmul.f32 v24, v19;
	v34 =	vand.u32 $0xFFFFFFF8, v3;
	v33 =	vmul.f32 v17, v28;
	v31 =	vld [tilespmem:s5+$0x20]  }
0x2d9: {  	v5 =	vshra.s32 v5, $0x2;
	v19 =	vmul.f32 v32, v19;
	v32 =	vadd.s32 $0x1, v3;
	v35 =	vld [tilespmem:s0+$0x20]  }
0x2da: {  	v22 =	vadd.s32 $0x100, v22;
	[tilespmem:v11+s2+$0x0] =	vst.idx.add.f32.msk $0xffff, v26;
	v26 =	vsub.f32 v28, v33;
	v28 =	vsub.f32 $1.000000000e+00, v17  }
0x2db: {  	v37 =	vadd.s32 $0x1, v11;
	v27 =	vmul.f32 v27, v14;
	v21 =	vmul.f32 v21, v14;
	v36 =	vld [tilespmem:s0+$0xFFFFFFF0]  }
0x2dc: {  	v12 =	vor.u32 v12, v34;
	v17 =	vsub.f32 v17, v33;
	v38 =	vld [tilespmem:s5+$0xFFFFFFF0];
	v28 =	vsub.f32 v28, v26  }
0x2dd: {  	v39 =	vand.u32 $0x7, v13;
	v12 =	vadd.s32 $0x100, v12;
	v34 =	vld [tilespmem:s0+$0x0];
	v31 =	vmul.f32 $2.611200000e+05, v31  }
0x2de: {  	v5 =	vand.u32 $0xFFFFFF00, v5;
	v40 =	vld [tilespmem:s5+$0x0];
	v35 =	vmul.f32 $2.611200000e+05, v35;
	v28 =	vmul.f32 v28, v20  }
0x2df: {  	v5 =	vadd.s32 v13, v5;
	v13 =	vmul.f32 v33, v20;
	v41 =	vld [tilespmem:s0+$0x10];
	v31 =	vtrunc.f32 v31  }
0x2e0: {  	v42 =	vand.u32 $0xFFFFFFF8, v5;
	v33 =	vld [tilespmem:s5+$0x10];
	v35 =	vtrunc.f32 v35;
	v31 =	vcvt.f32.s32 v31  }
0x2e1: {  	v8 =	vmul.f32 v15, v8;
	v39 =	vor.u32 v39, v42;
	v35 =	vcvt.f32.s32 v35;
	[tilespmem:v3+s2+$0x0] =	vst.idx.add.f32.msk $0xffff, v13  }
0x2e2: {  	v15 =	vadd.s32 $0x1, v5;
	v26 =	vmul.f32 v26, v20;
	v13 =	vand.u32 $0x3FF, v31;
	[tilespmem:v37+s2+$0x0] =	vst.idx.add.f32.msk $0xffff, v27  }
0x2e3: {  	v11 =	vadd.s32 $0x101, v11;
	v17 =	vmul.f32 v17, v20;
	v27 =	vand.u32 $0x3FF, v35;
	[tilespmem:v22+s2+$0x0] =	vst.idx.add.f32.msk $0xffff, v21  }
0x2e4: {  	v20 =	vmul.f32 $2.611200000e+05, v25;
	v21 =	vshra.s32 v35, $0x2;
	v22 =	vadd.s32 $0x100, v39;
	[tilespmem:v32+s2+$0x0] =	vst.idx.add.f32.msk $0xffff, v26  }
0x2e5: {  	v14 =	vmul.f32 v29, v14;
	v25 =	vmul.f32 $2.611200000e+05, v34;
	v26 =	vadd.s32 $0x101, v5;
	[tilespmem:v2+s2+$0x0] =	vst.idx.add.f32.msk $0xffff, v18  }
0x2e6: {  	v21 =	vand.u32 $0xFFFFFF00, v21;
	v2 =	vmul.f32 $2.611200000e+05, v41;
	v18 =	vmul.f32 $2.611200000e+05, v33;
	[tilespmem:v12+s2+$0x0] =	vst.idx.add.f32.msk $0xffff, v17  }
0x2e7: {  	v3 =	vadd.s32 $0x101, v3;
	v12 =	vtrunc.f32 v20;
	v17 =	vmul.f32 $2.611200000e+05, v40;
	[tilespmem:v5+s2+$0x0] =	vst.idx.add.f32.msk $0xffff, v23  }
0x2e8: {  	v4 =	vadd.s32 $0x101, v4;
	v2 =	vtrunc.f32 v2;
	v5 =	vtrunc.f32 v18;
	v18 =	vld.idx.msk [tilespmem:v13+s11+$0x0], $0xffff  }
0x2e9: {  	v13 =	vmul.f32 $2.611200000e+05, v38;
	v20 =	vcvt.f32.s32 v5;
	[tilespmem:v11+s2+$0x0] =	vst.idx.add.f32.msk $0xffff, v14;
	v11 =	vadd.s32 $0x101, v1  }
0x2ea: {  	v2 =	vcvt.f32.s32 v2;
	v1 =	vmul.f32 $2.611200000e+05, v36;
	v14 =	vshra.s32 v31, $0xA;
	v23 =	vld.idx.msk [tilespmem:v27+s11+$0x0], $0xffff  }
0x2eb: {  	v5 =	vcvt.f32.s32 v12;
	v12 =	vtrunc.f32 v13;
	v27 =	vand.u32 $0x7, v14;
	[tilespmem:v15+s2+$0x0] =	vst.idx.add.f32.msk $0xffff, v24  }
0x2ec: {  	v13 =	vand.u32 $0x3FF, v2;
	v1 =	vtrunc.f32 v1;
	v15 =	vand.u32 $0x3FF, v20;
	[tilespmem:v6+s2+$0x0] =	vst.idx.add.f32.msk $0xffff, v8  }
0x2ed: {  	v2 =	vshra.s32 v2, $0x2;
	v1 =	vcvt.f32.s32 v1;
	v6 =	vshra.s32 v20, $0xA;
	[tilespmem:v3+s2+$0x0] =	vst.idx.add.f32.msk $0xffff, v28  }
0x2ee: {  	v20 =	vand.u32 $0x3FF, v5;
	v8 =	vtrunc.f32 v17;
	v3 =	vtrunc.f32 v25;
	[tilespmem:v4+s2+$0x0] =	vst.idx.add.f32.msk $0xffff, v10  }
0x2ef: {  	v8 =	vcvt.f32.s32 v8;
	v4 =	vmul.f32 $2.611200000e+05, v30;
	v10 =	vand.u32 $0x3FF, v1;
	[tilespmem:v22+s2+$0x0] =	vst.idx.add.f32.msk $0xffff, v19  }
0x2f0: {  	v12 =	vcvt.f32.s32 v12;
	v2 =	vand.u32 $0xFFFFFF00, v2;
	v1 =	vshra.s32 v1, $0x2;
	[tilespmem:v26+s2+$0x0] =	vst.idx.add.f32.msk $0xffff, v16  }
0x2f1: {  	v3 =	vcvt.f32.s32 v3;
	v4 =	vtrunc.f32 v4;
	v16 =	vand.u32 $0xFFFFFF00, v1;
	v15 =	vld.idx.msk [tilespmem:v15+s11+$0x0], $0xffff  }
0x2f2: {  	v19 =	vmul.f32 v18, v23;
	v1 =	vadd.s32 v6, v2;
	v17 =	vcvt.f32.s32 v4;
	v24 =	vld.idx.msk [tilespmem:v13+s11+$0x0], $0xffff  }
0x2f3: {  	v28 =	vand.u32 $0x3FF, v3;
	v4 =	vshra.s32 v8, $0xA;
	v2 =	vadd.s32 $0x1, v1;
	[tilespmem:v11+s2+$0x0] =	vst.idx.add.f32.msk $0xffff, v7  }
0x2f4: {  	v3 =	vshra.s32 v3, $0x2;
	v7 =	vand.u32 $0x3FF, v17;
	v31 =	vld.idx.msk [tilespmem:v10+s11+$0x0], $0xffff;
	v10 =	vand.u32 $0x3FF, v8  }
0x2f5: {  	v22 =	vand.u32 $0x3FF, v12;
	v3 =	vand.u32 $0xFFFFFF00, v3;
	v11 =	vshra.s32 v12, $0xA  }
0x2f6: {  	v25 =	vand.u32 $0xFFFFFFF8, v1;
	v3 =	vadd.s32 v4, v3;
	v12 =	vand.u32 $0x7, v4;
	v8 =	vld [tilespmem:s1+$0x10]  }
0x2f7: {  	v4 =	vadd.s32 v14, v21;
	v14 =	vsub.f32 v18, v19;
	v26 =	vand.u32 $0x7, v11;
	v20 =	vld.idx.msk [tilespmem:v20+s11+$0x0], $0xffff  }
0x2f8: {  	v6 =	vand.u32 $0x7, v6;
	v29 =	vmul.f32 v19, v9;
	v11 =	vadd.s32 v11, v16  }
0x2f9: {  	v33 =	vadd.s32 $0x1, v4;
	v32 =	vsub.f32 $1.000000000e+00, v15;
	v16 =	vld.idx.msk [tilespmem:v7+s11+$0x0], $0xffff;
	v7 =	vand.u32 $0xFFFFFFF8, v11  }
0x2fa: {  	v13 =	vshra.s32 v17, $0xA;
	v21 =	vld.idx.msk [tilespmem:v22+s11+$0x0], $0xffff;
	v22 =	vor.u32 v26, v7;
	v7 =	vmul.f32 v15, v24  }
0x2fb: {  	v6 =	vor.u32 v6, v25;
	v26 =	vmul.f32 v14, v9;
	v17 =	vld.idx.msk [tilespmem:v10+s11+$0x0], $0xffff;
	v10 =	vsub.f32 v23, v19  }
0x2fc: {  	v6 =	vadd.s32 $0x100, v6;
	v23 =	vand.u32 $0xFFFFFFF8, v4;
	v14 =	vmul.f32 v7, v8;
	[tilespmem:v4+s2+$0x0] =	vst.idx.add.f32.msk $0xffff, v29  }
0x2fd: {  	v18 =	vsub.f32 $1.000000000e+00, v18;
	v34 =	vsub.f32 v24, v7;
	v23 =	vor.u32 v27, v23;
	v19 =	vld [tilespmem:s1+$0xFFFFFFE0]  }
.Ltmp13:
0x2fe: {  	v15 =	vsub.f32 v15, v7;
	v7 =	vmul.f32 v10, v9;
	v30 =	vadd.s32 $0x100, v23;
	[tilespmem:v1+s2+$0x0] =	vst.idx.add.f32.msk $0xffff, v14;
	(pc) =	sbr.rel @p0 .LBB2_19-.Ltmp13, $4  }
0x2ff: {  	v10 =	vsub.f32 v18, v10;
	v23 =	vmul.f32 v16, v20;
	v25 =	vsub.f32 $1.000000000e+00, v16;
	v14 =	vld [tilespmem:s1+$0xFFFFFFF0]  }
0x300: {  	v32 =	vsub.f32 v32, v34;
	v29 =	vmul.f32 v21, v31;
	[tilespmem:v33+s2+$0x0] =	vst.idx.add.f32.msk $0xffff, v7  }
0x301: {  	v18 =	vmul.f32 v34, v8;
	v10 =	vmul.f32 v10, v9;
	v24 =	vsub.f32 v20, v23;
	v28 =	vld.idx.msk [tilespmem:v28+s11+$0x0], $0xffff  }
0x302: {  	s5 =	sadd.s32 $0x50, s5;
	v7 =	vmul.f32 v32, v8;
	v27 =	vsub.f32 v31, v29;
	v20 =	vld [tilespmem:s1+$0x0]  }
0x303: {  	_ =	sdelay $0x2  }
0x304: {  	v44 =	vsub.f32 v21, v29;
	v32 =	vadd.s32 $0x1, v11  }
0x305: {  	[tilespmem:v30+s2+$0x0] =	vst.idx.add.f32.msk $0xffff, v26;
	v45 =	vand.u32 $0xFFFFFFF8, v3;
	v4 =	vadd.s32 $0x101, v4;
	v8 =	vmul.f32 v15, v8  }
0x306: {  	v5 =	vshra.s32 v5, $0x2;
	[tilespmem:v2+s2+$0x0] =	vst.idx.add.f32.msk $0xffff, v18;
	v1 =	vadd.s32 $0x101, v1;
	v9 =	vmul.f32 v29, v14  }
0x307: {  	v22 =	vadd.s32 $0x100, v22;
	v46 =	vadd.s32 $0x1, v3;
	v49 =	vmul.f32 v27, v14;
	[tilespmem:v6+s2+$0x0] =	vst.idx.add.f32.msk $0xffff, v8  }
0x308: {  	v53 =	vmul.f32 v23, v19;
	v57 =	vmul.f32 v24, v19;
	v5 =	vand.u32 $0xFFFFFF00, v5;
	[tilespmem:v11+s2+$0x0] =	vst.idx.add.f32.msk $0xffff, v9  }
0x309: {  	v51 =	vsub.f32 $1.000000000e+00, v21;
	v5 =	vadd.s32 v13, v5;
	v31 =	vmul.f32 v17, v28;
	[tilespmem:v32+s2+$0x0] =	vst.idx.add.f32.msk $0xffff, v49  }
0x30a: {  	v54 =	vadd.s32 $0x101, v11;
	v12 =	vor.u32 v12, v45;
	v29 =	vmul.f32 v44, v14;
	[tilespmem:v4+s2+$0x0] =	vst.idx.add.f32.msk $0xffff, v10  }
0x30b: {  	v21 =	vsub.f32 v51, v27;
	v55 =	vadd.s32 $0x1, v5;
	v48 =	vmul.f32 v31, v20;
	[tilespmem:v1+s2+$0x0] =	vst.idx.add.f32.msk $0xffff, v7  }
0x30c: {  	v58 =	vsub.f32 $1.000000000e+00, v17;
	v59 =	vand.u32 $0x7, v13;
	v12 =	vadd.s32 $0x100, v12;
	[tilespmem:v22+s2+$0x0] =	vst.idx.add.f32.msk $0xffff, v29  }
0x30d: {  	v2 =	vand.u32 $0xFFFFFFF8, v5;
	v60 =	vmul.f32 v21, v14;
	v47 =	vsub.f32 v28, v31;
	[tilespmem:v3+s2+$0x0] =	vst.idx.add.f32.msk $0xffff, v48  }
0x30e: {  	v2 =	vor.u32 v59, v2;
	v50 =	vsub.f32 v17, v31;
	v3 =	vadd.s32 $0x101, v3;
	[tilespmem:v5+s2+$0x0] =	vst.idx.add.f32.msk $0xffff, v53  }
0x30f: {  	v2 =	vadd.s32 $0x100, v2;
	v52 =	vmul.f32 v47, v20;
	v9 =	vsub.f32 v58, v47;
	[tilespmem:v54+s2+$0x0] =	vst.idx.add.f32.msk $0xffff, v60  }
0x310: {  	v61 =	vsub.f32 v16, v23;
	v56 =	vmul.f32 v50, v20;
	v5 =	vadd.s32 $0x101, v5;
	[tilespmem:v55+s2+$0x0] =	vst.idx.add.f32.msk $0xffff, v57  }
.Ltmp14:
0x311: {  	v62 =	vsub.f32 v25, v24;
	[tilespmem:v46+s2+$0x0] =	vst.idx.add.f32.msk $0xffff, v52;
	v9 =	vmul.f32 v9, v20;
	(pc) =	sbr.rel .LBB2_21-.Ltmp14, $4  }
0x312: {  	v63 =	vmul.f32 v61, v19;
	[tilespmem:v12+s2+$0x0] =	vst.idx.add.f32.msk $0xffff, v56  }
0x313: {  	[tilespmem:v3+s2+$0x0] =	vst.idx.add.f32.msk $0xffff, v9;
	v3 =	vmul.f32 v62, v19  }
0x314: {  	[tilespmem:v2+s2+$0x0] =	vst.idx.add.f32.msk $0xffff, v63  }
0x315: {  	[tilespmem:v5+s2+$0x0] =	vst.idx.add.f32.msk $0xffff, v3  }
.LBB2_23:
0x316: {  	_ =	sfence.sel $0x180000  }
0x317: {  	[bflag:$0x0] =	sbarrier.arrive $0xFFFF  }
0x318: {  	_ =	strace $0x90000047  }
0x319: {  	s0 =	stileid.u32;
	[bflag:$0x2] =	sbarrier.arrive $0xFFFF  }
0x31a: {  	p0 =	sne.s32 s0, $0x0;
	s0 =	rddreg [dreg:$0x2]  }
0x31b: {  	s0 =	sadd.s32 @!p0 $0x100000, s0  }
0x31c: {  	[sflag:s0] =	ssyncadd.tile.s32 @!p0 $0x1;
	_ =	shalt  }
.Lfunc_end2:
_tile_overlayer_lowered:
.L_overlay_start_2:
0x31d: {  	(tag) =	ssettag $0x2  }
0x31e: {  	s0 =	rddreg [dreg:$0x0];
	s2 =	stileid.u32  }
0x31f: {  	s1 =	rddreg [dreg:$0x1];
	p0 =	sne.s32 s2, $0x0  }
0x320: {  	s3 =	rddreg [dreg:$0x2];
	[bflag:$0x3] =	sbarrier.arrive $0xFFFF;
	s2 =	simm.s32 @!p0 $0x1C05  }
0x321: {  	[timem:s3], [sflag:s2] =	dma.local @!p0 [hbm:s0], s1  }
0x322: {  	s0 =	simm.s32 @!p0 $0x5  }
0x323: {  	_ =	swait.ge @!p0 [sflag:s0], s1  }
0x324: {  	s1 =	ssub.s32 @!p0 $0x0, s1;
	[sflag:s0] =	ssyncset.done @!p0 $0x0  }
0x325: {  	[sflag:s0] =	ssyncadd.s32 @!p0 s1  }
0x326: {  	[bflag:$0x3] =	sbarrier.arrive $0xFFFF  }
0x327: {  	_ =	shalt  }

</sc_bundles>
